<compile_context>
chip_gen: v7x
topology: tpu7x:2x2x1
jax: 0.10.2.dev20260603
libtpu: 0.0.44.dev20260713+nightly
codegen_flags: <defaults>
</compile_context>

<pallas_src>
import functools

import jax
import jax.numpy as jnp
from jax import lax
from jax.experimental import pallas as pl
from jax.experimental.pallas import tpu as pltpu
from jax.experimental.pallas import tpu_sc as plsc

N_NODES = 10000
N_EDGES = 320000
D_FEAT = 128
OUT_FEATS = 128

NC = 2
NS = 16
NW = NC * NS
EDGES_PER_W = N_EDGES // NW
BLK = 125
NBLK = EDGES_PER_W // BLK
ROWS_PER_TILE = N_NODES // NS
NBUF = 2
BANK = 8
NBANK = NBLK // BANK
LANE = 16
CNT_STEPS = BLK // LANE
CNT_TAIL = BLK - CNT_STEPS * LANE
CNT_BLK = 1000
NCB = N_NODES // CNT_BLK


def _sc_segment_sum(feature, src_r, dst_r, zero_rows, zero_cnt):
    mesh = plsc.VectorSubcoreMesh(core_axis_name="c", subcore_axis_name="s")

    @functools.partial(
        pl.kernel,
        mesh=mesh,
        compiler_params=pltpu.CompilerParams(
            use_tc_tiling_on_sc=False, needs_layout_passes=False),
        out_type=(
            jax.ShapeDtypeStruct((NC, N_NODES, D_FEAT), jnp.float32),
            jax.ShapeDtypeStruct((NCB, NW, CNT_BLK), jnp.float32),
        ),
        scratch_types=[
            [pltpu.VMEM((BANK, BLK), jnp.int32)] * 2,
            [pltpu.VMEM((BANK, BLK), jnp.int32)] * 2,
            [pltpu.VMEM((BLK, D_FEAT), jnp.float32)] * NBUF,
            pltpu.VMEM((N_NODES,), jnp.float32),
            pltpu.VMEM_SHARED((N_NODES, D_FEAT), jnp.float32),
            [pltpu.SemaphoreType.DMA] * 2,
            [pltpu.SemaphoreType.DMA] * NBUF,
            [pltpu.SemaphoreType.DMA] * NBUF,
        ],
    )
    def kern(feat_hbm, src_hbm, dst_hbm, zrows_hbm, zcnt_hbm,
             out_hbm, cnt_hbm, sbank, dbank, rows, cnt_v, acc_sh,
             sem_ib, sem_g, sem_s):
        c = lax.axis_index("c")
        s = lax.axis_index("s")
        wid = s * NC + c
        me_s = src_hbm.at[wid]
        me_d = dst_hbm.at[wid]

        def fetch_bank(n, slot):
            pltpu.async_copy(me_s.at[n], sbank[slot], sem_ib[slot])
            pltpu.async_copy(me_d.at[n], dbank[slot], sem_ib[slot])

        def wait_bank(n, slot):
            pltpu.make_async_copy(me_s.at[n], sbank[slot], sem_ib[slot]).wait()
            pltpu.make_async_copy(me_d.at[n], dbank[slot], sem_ib[slot]).wait()

        fetch_bank(0, 0)
        fetch_bank(1, 1)
        pltpu.sync_copy(zcnt_hbm, cnt_v)
        wait_bank(0, 0)
        pltpu.async_copy(feat_hbm.at[sbank[0].at[0]], rows[0], sem_g[0])
        pltpu.sync_copy(zrows_hbm, acc_sh.at[pl.ds(s * ROWS_PER_TILE, ROWS_PER_TILE)])
        plsc.subcore_barrier()

        ones = jnp.ones((LANE,), jnp.float32)
        tail_mask = lax.iota(jnp.int32, LANE) >= (LANE - CNT_TAIL)

        def outer(m, carry):
            for half in range(2):
                k = 2 * m + half
                sb, db = sbank[half], dbank[half]
                sb_n = sbank[half ^ 1]
                for q in range(BANK):
                    j = k * BANK + q
                    b = q % NBUF
                    bn = (q + 1) % NBUF
                    pltpu.make_async_copy(feat_hbm.at[sb.at[q]], rows[b],
                                          sem_g[b]).wait()
                    pltpu.async_copy(rows[b], acc_sh.at[db.at[q]], sem_s[b],
                                     add=True)
                    for t in range(CNT_STEPS):
                        idx = db[q, pl.ds(t * LANE, LANE)]
                        plsc.addupdate_scatter(cnt_v, [idx], ones)
                    idx = db[q, pl.ds(BLK - LANE, LANE)]
                    plsc.addupdate_scatter(cnt_v, [idx], ones, mask=tail_mask)

                    if q < BANK - 1:
                        @pl.when(j >= 1)
                        def _():
                            pltpu.make_async_copy(
                                rows[bn], acc_sh.at[db.at[q + 1]],
                                sem_s[bn]).wait()
                        pltpu.async_copy(feat_hbm.at[sb.at[q + 1]], rows[bn],
                                         sem_g[bn])
                    else:
                        @pl.when(j + 1 < NBLK)
                        def _():
                            pltpu.make_async_copy(
                                rows[bn], acc_sh.at[db.at[q]],
                                sem_s[bn]).wait()
                            wait_bank(k + 1, half ^ 1)
                            pltpu.async_copy(feat_hbm.at[sb_n.at[0]],
                                             rows[bn], sem_g[bn])

                    if q == 2:
                        @pl.when((k >= 1) & (k + 1 < NBANK))
                        def _():
                            fetch_bank(k + 1, half ^ 1)
            return carry

        lax.fori_loop(0, NBANK // 2, outer, 0)

        for b in range(NBUF):
            pltpu.make_async_copy(rows[b], acc_sh.at[dbank[1].at[b]],
                                  sem_s[b]).wait()
        for t in range(NCB):
            pltpu.async_copy(cnt_v.at[pl.ds(t * CNT_BLK, CNT_BLK)],
                             cnt_hbm.at[t].at[wid], sem_ib[0])
        for t in range(NCB):
            pltpu.make_async_copy(cnt_v.at[pl.ds(t * CNT_BLK, CNT_BLK)],
                                  cnt_hbm.at[t].at[wid], sem_ib[0]).wait()
        plsc.subcore_barrier()
        pltpu.sync_copy(
            acc_sh.at[pl.ds(s * ROWS_PER_TILE, ROWS_PER_TILE)],
            out_hbm.at[c].at[pl.ds(s * ROWS_PER_TILE, ROWS_PER_TILE)],
        )

    return kern(feature, src_r, dst_r, zero_rows, zero_cnt)


def _tc_mean_linear(partials, counts, feature, w1t, w2t, b2d):
    blk_rows = 1000
    grid = (N_NODES // blk_rows,)

    def body(p_ref, c_ref, f_ref, w1_ref, w2_ref, b_ref, o_ref):
        summed = p_ref[0] + p_ref[1]
        cnt = jnp.sum(c_ref[0], axis=0).reshape(blk_rows, 1)
        h = summed / jnp.maximum(cnt, 1.0)
        o_ref[...] = (
            jnp.dot(h, w1_ref[...], preferred_element_type=jnp.float32)
            + jnp.dot(f_ref[...], w2_ref[...], preferred_element_type=jnp.float32)
            + b_ref[...]
        )

    return pl.pallas_call(
        body,
        grid=grid,
        in_specs=[
            pl.BlockSpec((NC, blk_rows, D_FEAT), lambda i: (0, i, 0)),
            pl.BlockSpec((1, NW, CNT_BLK), lambda i: (i, 0, 0)),
            pl.BlockSpec((blk_rows, D_FEAT), lambda i: (i, 0)),
            pl.BlockSpec((D_FEAT, OUT_FEATS), lambda i: (0, 0)),
            pl.BlockSpec((D_FEAT, OUT_FEATS), lambda i: (0, 0)),
            pl.BlockSpec((1, OUT_FEATS), lambda i: (0, 0)),
        ],
        out_specs=pl.BlockSpec((blk_rows, OUT_FEATS), lambda i: (i, 0)),
        out_shape=jax.ShapeDtypeStruct((N_NODES, OUT_FEATS), jnp.float32),
    )(partials, counts, feature, w1t, w2t, b2d)


def kernel(feature, edge_index, W, b):
    ei = edge_index.astype(jnp.int32)
    src_r = ei[0].reshape(NW, NBANK, BANK, BLK)
    dst_r = ei[1].reshape(NW, NBANK, BANK, BLK)

    zero_rows = jnp.zeros((ROWS_PER_TILE, D_FEAT), jnp.float32)
    zero_cnt = jnp.zeros((N_NODES,), jnp.float32)

    w1t = W[:, :D_FEAT].T
    w2t = W[:, D_FEAT:].T
    b2d = b.reshape(1, OUT_FEATS)

    partials, counts = _sc_segment_sum(feature, src_r, dst_r, zero_rows, zero_cnt)
    return _tc_mean_linear(partials, counts, feature, w1t, w2t, b2d)

# --- scband reference (transcript-rebuilt; emitter-appended) ---
"""Pipeline reference for scband-gcnlayer-4380866642245 (READ-ONLY COPY).

The authoritative reference and input builder live on the scoring server;
editing this copy changes nothing except your own understanding.
"""

import jax, jax.numpy as jnp
import numpy as np

N_NODES = 10000
N_EDGES = 320000
D_FEAT = 128
IN_FEATS = 256
OUT_FEATS = 128

def setup_inputs(seed: int = 0) -> dict:
    key = jax.random.key(seed)
    k1, k2, k3, k4 = jax.random.split(key, 4)
    feature = jax.random.normal(k1, (N_NODES, D_FEAT), dtype=jnp.float32)
    edge_index = jax.random.randint(k2, (2, N_EDGES), 0, N_NODES, dtype=jnp.int64)
    # nn.Linear(in_feats=256, out_feats=128): W [out, in], b [out]
    bound = 1.0 / np.sqrt(IN_FEATS)
    W = jax.random.uniform(k3, (OUT_FEATS, IN_FEATS), dtype=jnp.float32, minval=-bound, maxval=bound)
    b = jax.random.uniform(k4, (OUT_FEATS,), dtype=jnp.float32, minval=-bound, maxval=bound)
    return {"feature": feature, "edge_index": edge_index, "W": W, "b": b}

def reference(feature, edge_index, W, b):
    src = edge_index[0]
    dst = edge_index[1]
    # gcn_msg = copy_src('h') ; gcn_reduce = mean('m')
    msgs = jnp.take(feature, src, axis=0)
    summed = jax.ops.segment_sum(msgs, dst, num_segments=N_NODES)
    count = jax.ops.segment_sum(jnp.ones((N_EDGES,), dtype=jnp.float32), dst, num_segments=N_NODES)
    denom = jnp.maximum(count, 1.0)[:, None]
    h = jnp.where(count[:, None] > 0, summed / denom, 0.0)
    x = jnp.concatenate([h, feature], axis=1)
    return x @ W.T + b

if __name__ == "__main__":
    import jax
    _d = setup_inputs()
    print(jax.jit(kernel)(*tuple(_d.values())))

</pallas_src>

<mosaic_0001>
#map = affine_map<(d0, d1) -> (0, 0)>
#map1 = affine_map<(d0, d1) -> (0, 0, 0, 0)>
#map2 = affine_map<(d0, d1) -> (0)>
#map3 = affine_map<(d0, d1) -> (0, 0, 0)>
module attributes {stable_mosaic.version = 14 : i64} {
  func.func @kern(%arg0: i32, %arg1: i32, %arg2: memref<10000x128xf32, #tpu.memory_space<hbm>>, %arg3: memref<32x10x8x125xi32, #tpu.memory_space<hbm>>, %arg4: memref<32x10x8x125xi32, #tpu.memory_space<hbm>>, %arg5: memref<625x128xf32, #tpu.memory_space<hbm>>, %arg6: memref<10000xf32, #tpu.memory_space<hbm>>, %arg7: memref<2x10000x128xf32, #tpu.memory_space<hbm>>, %arg8: memref<10x32x1000xf32, #tpu.memory_space<hbm>>, %arg9: memref<8x125xi32, #tpu.memory_space<vmem>>, %arg10: memref<8x125xi32, #tpu.memory_space<vmem>>, %arg11: memref<8x125xi32, #tpu.memory_space<vmem>>, %arg12: memref<8x125xi32, #tpu.memory_space<vmem>>, %arg13: memref<125x128xf32, #tpu.memory_space<vmem>>, %arg14: memref<125x128xf32, #tpu.memory_space<vmem>>, %arg15: memref<10000xf32, #tpu.memory_space<vmem>>, %arg16: memref<10000x128xf32, #tpu.memory_space<vmem_shared>>, %arg17: memref<!tpu.dma_semaphore, #tpu.memory_space<semaphore_mem>>, %arg18: memref<!tpu.dma_semaphore, #tpu.memory_space<semaphore_mem>>, %arg19: memref<!tpu.dma_semaphore, #tpu.memory_space<semaphore_mem>>, %arg20: memref<!tpu.dma_semaphore, #tpu.memory_space<semaphore_mem>>, %arg21: memref<!tpu.dma_semaphore, #tpu.memory_space<semaphore_mem>>, %arg22: memref<!tpu.dma_semaphore, #tpu.memory_space<semaphore_mem>>) attributes {dimension_semantics = [#tpu.dimension_semantics<core_parallel>, #tpu.dimension_semantics<subcore_parallel>], iteration_bounds = array<i64: 2, 16>, scalar_prefetch = 0 : i64, scratch_operands = 14 : i64, tpu.core_type = #tpu.core_type<sc_vector_subcore>, window_params = [{transform_indices = #map}, {transform_indices = #map1}, {transform_indices = #map1}, {transform_indices = #map}, {transform_indices = #map2}, {transform_indices = #map3}, {transform_indices = #map3}]} {
    %mul3A = arith.constant 2 : i32
    %mul3A_0 = arith.muli %arg1, %mul3A : i32
    %add3A = arith.addi %mul3A_0, %arg0 : i32
    %dma_start3A = arith.constant 0 : i32
    %dma_start3A_1 = arith.constant 0 : i32
    %dma_start3A_2 = arith.constant 0 : i32
    %dma_start3A_3 = arith.constant 0 : i32
    %dma_start3A_4 = tpu.memref_slice %arg3[%add3A, %dma_start3A_1, %dma_start3A_2, %dma_start3A_3] : memref<32x10x8x125xi32, #tpu.memory_space<hbm>> -> memref<1x10x8x125xi32, #tpu.memory_space<hbm>>
    %dma_start3A_5 = tpu.memref_squeeze %dma_start3A_4 : memref<1x10x8x125xi32, #tpu.memory_space<hbm>> -> memref<10x8x125xi32, #tpu.memory_space<hbm>>
    %dma_start3A_6 = arith.constant 0 : i32
    %dma_start3A_7 = arith.constant 0 : i32
    %dma_start3A_8 = tpu.memref_slice %dma_start3A_5[%dma_start3A, %dma_start3A_6, %dma_start3A_7] : memref<10x8x125xi32, #tpu.memory_space<hbm>> -> memref<1x8x125xi32, #tpu.memory_space<hbm>>
    %dma_start3A_9 = tpu.memref_squeeze %dma_start3A_8 : memref<1x8x125xi32, #tpu.memory_space<hbm>> -> memref<8x125xi32, #tpu.memory_space<hbm>>
    %dma_start3A_10 = arith.constant 0 : i32
    %dma_start3A_11 = arith.constant 0 : i32
    %dma_start3A_12 = arith.constant 0 : i32
    %dma_start3A_13 = tpu.memref_slice %arg3[%add3A, %dma_start3A_10, %dma_start3A_11, %dma_start3A_12] : memref<32x10x8x125xi32, #tpu.memory_space<hbm>> -> memref<1x10x8x125xi32, #tpu.memory_space<hbm>>
    %dma_start3A_14 = tpu.memref_squeeze %dma_start3A_13 : memref<1x10x8x125xi32, #tpu.memory_space<hbm>> -> memref<10x8x125xi32, #tpu.memory_space<hbm>>
    %dma_start3A_15 = arith.constant 0 : i32
    %dma_start3A_16 = arith.constant 0 : i32
    %dma_start3A_17 = tpu.memref_slice %dma_start3A_14[%dma_start3A, %dma_start3A_15, %dma_start3A_16] : memref<10x8x125xi32, #tpu.memory_space<hbm>> -> memref<1x8x125xi32, #tpu.memory_space<hbm>>
    %dma_start3A_18 = tpu.memref_squeeze %dma_start3A_17 : memref<1x8x125xi32, #tpu.memory_space<hbm>> -> memref<8x125xi32, #tpu.memory_space<hbm>>
    tpu.enqueue_dma source(%dma_start3A_18 : memref<8x125xi32, #tpu.memory_space<hbm>>) target(%arg9 : memref<8x125xi32, #tpu.memory_space<vmem>>) target_semaphore(%arg17 : memref<!tpu.dma_semaphore, #tpu.memory_space<semaphore_mem>>)
    %dma_start3A_19 = arith.constant 0 : i32
    %dma_start3A_20 = arith.constant 0 : i32
    %dma_start3A_21 = arith.constant 0 : i32
    %dma_start3A_22 = arith.constant 0 : i32
    %dma_start3A_23 = tpu.memref_slice %arg4[%add3A, %dma_start3A_20, %dma_start3A_21, %dma_start3A_22] : memref<32x10x8x125xi32, #tpu.memory_space<hbm>> -> memref<1x10x8x125xi32, #tpu.memory_space<hbm>>
    %dma_start3A_24 = tpu.memref_squeeze %dma_start3A_23 : memref<1x10x8x125xi32, #tpu.memory_space<hbm>> -> memref<10x8x125xi32, #tpu.memory_space<hbm>>
    %dma_start3A_25 = arith.constant 0 : i32
    %dma_start3A_26 = arith.constant 0 : i32
    %dma_start3A_27 = tpu.memref_slice %dma_start3A_24[%dma_start3A_19, %dma_start3A_25, %dma_start3A_26] : memref<10x8x125xi32, #tpu.memory_space<hbm>> -> memref<1x8x125xi32, #tpu.memory_space<hbm>>
    %dma_start3A_28 = tpu.memref_squeeze %dma_start3A_27 : memref<1x8x125xi32, #tpu.memory_space<hbm>> -> memref<8x125xi32, #tpu.memory_space<hbm>>
    %dma_start3A_29 = arith.constant 0 : i32
    %dma_start3A_30 = arith.constant 0 : i32
    %dma_start3A_31 = arith.constant 0 : i32
    %dma_start3A_32 = tpu.memref_slice %arg4[%add3A, %dma_start3A_29, %dma_start3A_30, %dma_start3A_31] : memref<32x10x8x125xi32, #tpu.memory_space<hbm>> -> memref<1x10x8x125xi32, #tpu.memory_space<hbm>>
    %dma_start3A_33 = tpu.memref_squeeze %dma_start3A_32 : memref<1x10x8x125xi32, #tpu.memory_space<hbm>> -> memref<10x8x125xi32, #tpu.memory_space<hbm>>
    %dma_start3A_34 = arith.constant 0 : i32
    %dma_start3A_35 = arith.constant 0 : i32
    %dma_start3A_36 = tpu.memref_slice %dma_start3A_33[%dma_start3A_19, %dma_start3A_34, %dma_start3A_35] : memref<10x8x125xi32, #tpu.memory_space<hbm>> -> memref<1x8x125xi32, #tpu.memory_space<hbm>>
    %dma_start3A_37 = tpu.memref_squeeze %dma_start3A_36 : memref<1x8x125xi32, #tpu.memory_space<hbm>> -> memref<8x125xi32, #tpu.memory_space<hbm>>
    tpu.enqueue_dma source(%dma_start3A_37 : memref<8x125xi32, #tpu.memory_space<hbm>>) target(%arg11 : memref<8x125xi32, #tpu.memory_space<vmem>>) target_semaphore(%arg17 : memref<!tpu.dma_semaphore, #tpu.memory_space<semaphore_mem>>)
    %dma_start3A_38 = arith.constant 1 : i32
    %dma_start3A_39 = arith.constant 0 : i32
    %dma_start3A_40 = arith.constant 0 : i32
    %dma_start3A_41 = arith.constant 0 : i32
    %dma_start3A_42 = tpu.memref_slice %arg3[%add3A, %dma_start3A_39, %dma_start3A_40, %dma_start3A_41] : memref<32x10x8x125xi32, #tpu.memory_space<hbm>> -> memref<1x10x8x125xi32, #tpu.memory_space<hbm>>
    %dma_start3A_43 = tpu.memref_squeeze %dma_start3A_42 : memref<1x10x8x125xi32, #tpu.memory_space<hbm>> -> memref<10x8x125xi32, #tpu.memory_space<hbm>>
    %dma_start3A_44 = arith.constant 0 : i32
    %dma_start3A_45 = arith.constant 0 : i32
    %dma_start3A_46 = tpu.memref_slice %dma_start3A_43[%dma_start3A_38, %dma_start3A_44, %dma_start3A_45] : memref<10x8x125xi32, #tpu.memory_space<hbm>> -> memref<1x8x125xi32, #tpu.memory_space<hbm>>
    %dma_start3A_47 = tpu.memref_squeeze %dma_start3A_46 : memref<1x8x125xi32, #tpu.memory_space<hbm>> -> memref<8x125xi32, #tpu.memory_space<hbm>>
    %dma_start3A_48 = arith.constant 0 : i32
    %dma_start3A_49 = arith.constant 0 : i32
    %dma_start3A_50 = arith.constant 0 : i32
    %dma_start3A_51 = tpu.memref_slice %arg3[%add3A, %dma_start3A_48, %dma_start3A_49, %dma_start3A_50] : memref<32x10x8x125xi32, #tpu.memory_space<hbm>> -> memref<1x10x8x125xi32, #tpu.memory_space<hbm>>
    %dma_start3A_52 = tpu.memref_squeeze %dma_start3A_51 : memref<1x10x8x125xi32, #tpu.memory_space<hbm>> -> memref<10x8x125xi32, #tpu.memory_space<hbm>>
    %dma_start3A_53 = arith.constant 0 : i32
    %dma_start3A_54 = arith.constant 0 : i32
    %dma_start3A_55 = tpu.memref_slice %dma_start3A_52[%dma_start3A_38, %dma_start3A_53, %dma_start3A_54] : memref<10x8x125xi32, #tpu.memory_space<hbm>> -> memref<1x8x125xi32, #tpu.memory_space<hbm>>
    %dma_start3A_56 = tpu.memref_squeeze %dma_start3A_55 : memref<1x8x125xi32, #tpu.memory_space<hbm>> -> memref<8x125xi32, #tpu.memory_space<hbm>>
    tpu.enqueue_dma source(%dma_start3A_56 : memref<8x125xi32, #tpu.memory_space<hbm>>) target(%arg10 : memref<8x125xi32, #tpu.memory_space<vmem>>) target_semaphore(%arg18 : memref<!tpu.dma_semaphore, #tpu.memory_space<semaphore_mem>>)
    %dma_start3A_57 = arith.constant 1 : i32
    %dma_start3A_58 = arith.constant 0 : i32
    %dma_start3A_59 = arith.constant 0 : i32
    %dma_start3A_60 = arith.constant 0 : i32
    %dma_start3A_61 = tpu.memref_slice %arg4[%add3A, %dma_start3A_58, %dma_start3A_59, %dma_start3A_60] : memref<32x10x8x125xi32, #tpu.memory_space<hbm>> -> memref<1x10x8x125xi32, #tpu.memory_space<hbm>>
    %dma_start3A_62 = tpu.memref_squeeze %dma_start3A_61 : memref<1x10x8x125xi32, #tpu.memory_space<hbm>> -> memref<10x8x125xi32, #tpu.memory_space<hbm>>
    %dma_start3A_63 = arith.constant 0 : i32
    %dma_start3A_64 = arith.constant 0 : i32
    %dma_start3A_65 = tpu.memref_slice %dma_start3A_62[%dma_start3A_57, %dma_start3A_63, %dma_start3A_64] : memref<10x8x125xi32, #tpu.memory_space<hbm>> -> memref<1x8x125xi32, #tpu.memory_space<hbm>>
    %dma_start3A_66 = tpu.memref_squeeze %dma_start3A_65 : memref<1x8x125xi32, #tpu.memory_space<hbm>> -> memref<8x125xi32, #tpu.memory_space<hbm>>
    %dma_start3A_67 = arith.constant 0 : i32
    %dma_start3A_68 = arith.constant 0 : i32
    %dma_start3A_69 = arith.constant 0 : i32
    %dma_start3A_70 = tpu.memref_slice %arg4[%add3A, %dma_start3A_67, %dma_start3A_68, %dma_start3A_69] : memref<32x10x8x125xi32, #tpu.memory_space<hbm>> -> memref<1x10x8x125xi32, #tpu.memory_space<hbm>>
    %dma_start3A_71 = tpu.memref_squeeze %dma_start3A_70 : memref<1x10x8x125xi32, #tpu.memory_space<hbm>> -> memref<10x8x125xi32, #tpu.memory_space<hbm>>
    %dma_start3A_72 = arith.constant 0 : i32
    %dma_start3A_73 = arith.constant 0 : i32
    %dma_start3A_74 = tpu.memref_slice %dma_start3A_71[%dma_start3A_57, %dma_start3A_72, %dma_start3A_73] : memref<10x8x125xi32, #tpu.memory_space<hbm>> -> memref<1x8x125xi32, #tpu.memory_space<hbm>>
    %dma_start3A_75 = tpu.memref_squeeze %dma_start3A_74 : memref<1x8x125xi32, #tpu.memory_space<hbm>> -> memref<8x125xi32, #tpu.memory_space<hbm>>
    tpu.enqueue_dma source(%dma_start3A_75 : memref<8x125xi32, #tpu.memory_space<hbm>>) target(%arg12 : memref<8x125xi32, #tpu.memory_space<vmem>>) target_semaphore(%arg18 : memref<!tpu.dma_semaphore, #tpu.memory_space<semaphore_mem>>)
    "tpu.region"() ({
      %run_scoped3A = tpu.sem_alloc : memref<!tpu.dma_semaphore, #tpu.memory_space<semaphore_mem>>
      tpu.enqueue_dma source(%arg6 : memref<10000xf32, #tpu.memory_space<hbm>>) target(%arg15 : memref<10000xf32, #tpu.memory_space<vmem>>) target_semaphore(%run_scoped3A : memref<!tpu.dma_semaphore, #tpu.memory_space<semaphore_mem>>)
      tpu.wait_dma2 semaphore(%run_scoped3A : memref<!tpu.dma_semaphore, #tpu.memory_space<semaphore_mem>>) src(%arg6 : memref<10000xf32, #tpu.memory_space<hbm>>) dst(%arg15 : memref<10000xf32, #tpu.memory_space<vmem>>)
      tpu.yield
    }) : () -> ()
    %dma_wait3A = arith.constant 0 : i32
    %dma_wait3A_76 = arith.constant 0 : i32
    %dma_wait3A_77 = arith.constant 0 : i32
    %dma_wait3A_78 = arith.constant 0 : i32
    %dma_wait3A_79 = tpu.memref_slice %arg3[%add3A, %dma_wait3A_76, %dma_wait3A_77, %dma_wait3A_78] : memref<32x10x8x125xi32, #tpu.memory_space<hbm>> -> memref<1x10x8x125xi32, #tpu.memory_space<hbm>>
    %dma_wait3A_80 = tpu.memref_squeeze %dma_wait3A_79 : memref<1x10x8x125xi32, #tpu.memory_space<hbm>> -> memref<10x8x125xi32, #tpu.memory_space<hbm>>
    %dma_wait3A_81 = arith.constant 0 : i32
    %dma_wait3A_82 = arith.constant 0 : i32
    %dma_wait3A_83 = tpu.memref_slice %dma_wait3A_80[%dma_wait3A, %dma_wait3A_81, %dma_wait3A_82] : memref<10x8x125xi32, #tpu.memory_space<hbm>> -> memref<1x8x125xi32, #tpu.memory_space<hbm>>
    %dma_wait3A_84 = tpu.memref_squeeze %dma_wait3A_83 : memref<1x8x125xi32, #tpu.memory_space<hbm>> -> memref<8x125xi32, #tpu.memory_space<hbm>>
    %dma_wait3A_85 = arith.constant 0 : i32
    %dma_wait3A_86 = arith.constant 0 : i32
    %dma_wait3A_87 = arith.constant 0 : i32
    %dma_wait3A_88 = tpu.memref_slice %arg3[%add3A, %dma_wait3A_85, %dma_wait3A_86, %dma_wait3A_87] : memref<32x10x8x125xi32, #tpu.memory_space<hbm>> -> memref<1x10x8x125xi32, #tpu.memory_space<hbm>>
    %dma_wait3A_89 = tpu.memref_squeeze %dma_wait3A_88 : memref<1x10x8x125xi32, #tpu.memory_space<hbm>> -> memref<10x8x125xi32, #tpu.memory_space<hbm>>
    %dma_wait3A_90 = arith.constant 0 : i32
    %dma_wait3A_91 = arith.constant 0 : i32
    %dma_wait3A_92 = tpu.memref_slice %dma_wait3A_89[%dma_wait3A, %dma_wait3A_90, %dma_wait3A_91] : memref<10x8x125xi32, #tpu.memory_space<hbm>> -> memref<1x8x125xi32, #tpu.memory_space<hbm>>
    %dma_wait3A_93 = tpu.memref_squeeze %dma_wait3A_92 : memref<1x8x125xi32, #tpu.memory_space<hbm>> -> memref<8x125xi32, #tpu.memory_space<hbm>>
    tpu.wait_dma2 semaphore(%arg17 : memref<!tpu.dma_semaphore, #tpu.memory_space<semaphore_mem>>) src(%dma_wait3A_93 : memref<8x125xi32, #tpu.memory_space<hbm>>) dst(%arg9 : memref<8x125xi32, #tpu.memory_space<vmem>>)
    %dma_wait3A_94 = arith.constant 0 : i32
    %dma_wait3A_95 = arith.constant 0 : i32
    %dma_wait3A_96 = arith.constant 0 : i32
    %dma_wait3A_97 = arith.constant 0 : i32
    %dma_wait3A_98 = tpu.memref_slice %arg4[%add3A, %dma_wait3A_95, %dma_wait3A_96, %dma_wait3A_97] : memref<32x10x8x125xi32, #tpu.memory_space<hbm>> -> memref<1x10x8x125xi32, #tpu.memory_space<hbm>>
    %dma_wait3A_99 = tpu.memref_squeeze %dma_wait3A_98 : memref<1x10x8x125xi32, #tpu.memory_space<hbm>> -> memref<10x8x125xi32, #tpu.memory_space<hbm>>
    %dma_wait3A_100 = arith.constant 0 : i32
    %dma_wait3A_101 = arith.constant 0 : i32
    %dma_wait3A_102 = tpu.memref_slice %dma_wait3A_99[%dma_wait3A_94, %dma_wait3A_100, %dma_wait3A_101] : memref<10x8x125xi32, #tpu.memory_space<hbm>> -> memref<1x8x125xi32, #tpu.memory_space<hbm>>
    %dma_wait3A_103 = tpu.memref_squeeze %dma_wait3A_102 : memref<1x8x125xi32, #tpu.memory_space<hbm>> -> memref<8x125xi32, #tpu.memory_space<hbm>>
    %dma_wait3A_104 = arith.constant 0 : i32
    %dma_wait3A_105 = arith.constant 0 : i32
    %dma_wait3A_106 = arith.constant 0 : i32
    %dma_wait3A_107 = tpu.memref_slice %arg4[%add3A, %dma_wait3A_104, %dma_wait3A_105, %dma_wait3A_106] : memref<32x10x8x125xi32, #tpu.memory_space<hbm>> -> memref<1x10x8x125xi32, #tpu.memory_space<hbm>>
    %dma_wait3A_108 = tpu.memref_squeeze %dma_wait3A_107 : memref<1x10x8x125xi32, #tpu.memory_space<hbm>> -> memref<10x8x125xi32, #tpu.memory_space<hbm>>
    %dma_wait3A_109 = arith.constant 0 : i32
    %dma_wait3A_110 = arith.constant 0 : i32
    %dma_wait3A_111 = tpu.memref_slice %dma_wait3A_108[%dma_wait3A_94, %dma_wait3A_109, %dma_wait3A_110] : memref<10x8x125xi32, #tpu.memory_space<hbm>> -> memref<1x8x125xi32, #tpu.memory_space<hbm>>
    %dma_wait3A_112 = tpu.memref_squeeze %dma_wait3A_111 : memref<1x8x125xi32, #tpu.memory_space<hbm>> -> memref<8x125xi32, #tpu.memory_space<hbm>>
    tpu.wait_dma2 semaphore(%arg17 : memref<!tpu.dma_semaphore, #tpu.memory_space<semaphore_mem>>) src(%dma_wait3A_112 : memref<8x125xi32, #tpu.memory_space<hbm>>) dst(%arg11 : memref<8x125xi32, #tpu.memory_space<vmem>>)
    %dma_start3A_113 = arith.constant 0 : i32
    %dma_start3A_114 = arith.constant 0 : i32
    %dma_start3A_115 = tpu.memref_slice %arg9[%dma_start3A_113, %dma_start3A_114] : memref<8x125xi32, #tpu.memory_space<vmem>> -> memref<1x125xi32, #tpu.memory_space<vmem>>
    %dma_start3A_116 = tpu.memref_squeeze %dma_start3A_115 : memref<1x125xi32, #tpu.memory_space<vmem>> -> memref<125xi32, #tpu.memory_space<vmem>>
    %dma_start3A_117 = arith.constant 0 : i32
    %dma_start3A_118 = arith.constant 0 : i32
    %dma_start3A_119 = tpu.memref_slice %arg2[%dma_start3A_117, %dma_start3A_118] : memref<10000x128xf32, #tpu.memory_space<hbm>> -> memref<10000x128xf32, #tpu.memory_space<hbm>>
    tpu.enqueue_indirect_dma source(%dma_start3A_119 : memref<10000x128xf32, #tpu.memory_space<hbm>>) target(%arg13 : memref<125x128xf32, #tpu.memory_space<vmem>>) offsets(%dma_start3A_116 : memref<125xi32, #tpu.memory_space<vmem>>) semaphore(%arg19 : memref<!tpu.dma_semaphore, #tpu.memory_space<semaphore_mem>>)
    %mul3A_120 = arith.constant 625 : i32
    %mul3A_121 = arith.muli %arg1, %mul3A_120 : i32
    "tpu.region"() ({
      %run_scoped3A = tpu.sem_alloc : memref<!tpu.dma_semaphore, #tpu.memory_space<semaphore_mem>>
      %dma_start3A_529 = arith.constant 0 : i32
      %dma_start3A_530 = tpu.memref_slice %arg16[%mul3A_121, %dma_start3A_529] : memref<10000x128xf32, #tpu.memory_space<vmem_shared>> -> memref<625x128xf32, #tpu.memory_space<vmem_shared>>
      tpu.enqueue_dma source(%arg5 : memref<625x128xf32, #tpu.memory_space<hbm>>) target(%dma_start3A_530 : memref<625x128xf32, #tpu.memory_space<vmem_shared>>) target_semaphore(%run_scoped3A : memref<!tpu.dma_semaphore, #tpu.memory_space<semaphore_mem>>)
      %dma_wait3A_531 = arith.constant 0 : i32
      %dma_wait3A_532 = tpu.memref_slice %arg16[%mul3A_121, %dma_wait3A_531] : memref<10000x128xf32, #tpu.memory_space<vmem_shared>> -> memref<625x128xf32, #tpu.memory_space<vmem_shared>>
      tpu.wait_dma2 semaphore(%run_scoped3A : memref<!tpu.dma_semaphore, #tpu.memory_space<semaphore_mem>>) src(%arg5 : memref<625x128xf32, #tpu.memory_space<hbm>>) dst(%dma_wait3A_532 : memref<625x128xf32, #tpu.memory_space<vmem_shared>>)
      tpu.yield
    }) : () -> ()
    %barrier3A = arith.constant 0 : index
    tpu.barrier barrier_id(%barrier3A)
    %broadcast_in_dim3A = arith.constant 1.000000e+00 : f32
    %broadcast_in_dim3A_122 = vector.broadcast %broadcast_in_dim3A : f32 to vector<16xf32>
    %iota3A = tpu.iota {dimensions = array<i32: 0>} : vector<16xi32>
    %ge3A = arith.constant 3 : i32
    %ge3A_123 = vector.broadcast %ge3A : i32 to vector<16xi32>
    %ge3A_124 = arith.cmpi sge, %iota3A, %ge3A_123 : vector<16xi32>
    %scan3A = arith.constant 0 : i32
    %scan3A_125 = arith.constant 0 : i32
    %scan3A_126 = arith.constant 5 : i32
    %scan3A_127 = arith.addi %scan3A_125, %scan3A_126 : i32
    %scan3A_128 = arith.constant 1 : i32
    scf.for %scan3A_529 = %scan3A_125 to %scan3A_127 step %scan3A_128  : i32 {
      %mul3A_530 = arith.constant 2 : i32
      %mul3A_531 = arith.muli %mul3A_530, %scan3A_529 : i32
      %add3A_532 = arith.constant 0 : i32
      %add3A_533 = arith.addi %mul3A_531, %add3A_532 : i32
      %mul3A_534 = arith.constant 8 : i32
      %mul3A_535 = arith.muli %add3A_533, %mul3A_534 : i32
      %add3A_536 = arith.constant 0 : i32
      %add3A_537 = arith.addi %mul3A_535, %add3A_536 : i32
      %dma_wait3A_538 = arith.constant 0 : i32
      %dma_wait3A_539 = arith.constant 0 : i32
      %dma_wait3A_540 = tpu.memref_slice %arg9[%dma_wait3A_538, %dma_wait3A_539] : memref<8x125xi32, #tpu.memory_space<vmem>> -> memref<1x125xi32, #tpu.memory_space<vmem>>
      %dma_wait3A_541 = tpu.memref_squeeze %dma_wait3A_540 : memref<1x125xi32, #tpu.memory_space<vmem>> -> memref<125xi32, #tpu.memory_space<vmem>>
      %dma_wait3A_542 = arith.constant 0 : i32
      %dma_wait3A_543 = arith.constant 0 : i32
      %dma_wait3A_544 = tpu.memref_slice %arg2[%dma_wait3A_542, %dma_wait3A_543] : memref<10000x128xf32, #tpu.memory_space<hbm>> -> memref<10000x128xf32, #tpu.memory_space<hbm>>
      tpu.wait_indirect_dma semaphore(%arg19 : memref<!tpu.dma_semaphore, #tpu.memory_space<semaphore_mem>>) src(%dma_wait3A_544 : memref<10000x128xf32, #tpu.memory_space<hbm>>) dst(%arg13 : memref<125x128xf32, #tpu.memory_space<vmem>>)
      %dma_start3A_545 = arith.constant 0 : i32
      %dma_start3A_546 = arith.constant 0 : i32
      %dma_start3A_547 = tpu.memref_slice %arg11[%dma_start3A_545, %dma_start3A_546] : memref<8x125xi32, #tpu.memory_space<vmem>> -> memref<1x125xi32, #tpu.memory_space<vmem>>
      %dma_start3A_548 = tpu.memref_squeeze %dma_start3A_547 : memref<1x125xi32, #tpu.memory_space<vmem>> -> memref<125xi32, #tpu.memory_space<vmem>>
      %dma_start3A_549 = arith.constant 0 : i32
      %dma_start3A_550 = arith.constant 0 : i32
      %dma_start3A_551 = tpu.memref_slice %arg16[%dma_start3A_549, %dma_start3A_550] : memref<10000x128xf32, #tpu.memory_space<vmem_shared>> -> memref<10000x128xf32, #tpu.memory_space<vmem_shared>>
      tpu.enqueue_indirect_dma source(%arg13 : memref<125x128xf32, #tpu.memory_space<vmem>>) target(%dma_start3A_551 : memref<10000x128xf32, #tpu.memory_space<vmem_shared>>) offsets(%dma_start3A_548 : memref<125xi32, #tpu.memory_space<vmem>>) semaphore(%arg21 : memref<!tpu.dma_semaphore, #tpu.memory_space<semaphore_mem>>) {add = true}
      %get3A = arith.constant 0 : i32
      %get3A_552 = arith.index_cast %get3A : i32 to index
      %get3A_553 = arith.constant 0 : index
      %get3A_554 = tpu.vector_load %arg11[%get3A_552, %get3A_553] {strides = array<i32>} : memref<8x125xi32, #tpu.memory_space<vmem>>, vector<16xi32>,
      tpu.vector_store_idx %arg15[%get3A_554], %broadcast_in_dim3A_122 {add = true} : memref<10000xf32, #tpu.memory_space<vmem>>[vector<16xi32>], vector<16xf32>,
      %get3A_555 = arith.constant 0 : i32
      %get3A_556 = arith.index_cast %get3A_555 : i32 to index
      %get3A_557 = arith.constant 16 : index
      %get3A_558 = tpu.vector_load %arg11[%get3A_556, %get3A_557] {strides = array<i32>} : memref<8x125xi32, #tpu.memory_space<vmem>>, vector<16xi32>,
      tpu.vector_store_idx %arg15[%get3A_558], %broadcast_in_dim3A_122 {add = true} : memref<10000xf32, #tpu.memory_space<vmem>>[vector<16xi32>], vector<16xf32>,
      %get3A_559 = arith.constant 0 : i32
      %get3A_560 = arith.index_cast %get3A_559 : i32 to index
      %get3A_561 = arith.constant 32 : index
      %get3A_562 = tpu.vector_load %arg11[%get3A_560, %get3A_561] {strides = array<i32>} : memref<8x125xi32, #tpu.memory_space<vmem>>, vector<16xi32>,
      tpu.vector_store_idx %arg15[%get3A_562], %broadcast_in_dim3A_122 {add = true} : memref<10000xf32, #tpu.memory_space<vmem>>[vector<16xi32>], vector<16xf32>,
      %get3A_563 = arith.constant 0 : i32
      %get3A_564 = arith.index_cast %get3A_563 : i32 to index
      %get3A_565 = arith.constant 48 : index
      %get3A_566 = tpu.vector_load %arg11[%get3A_564, %get3A_565] {strides = array<i32>} : memref<8x125xi32, #tpu.memory_space<vmem>>, vector<16xi32>,
      tpu.vector_store_idx %arg15[%get3A_566], %broadcast_in_dim3A_122 {add = true} : memref<10000xf32, #tpu.memory_space<vmem>>[vector<16xi32>], vector<16xf32>,
      %get3A_567 = arith.constant 0 : i32
      %get3A_568 = arith.index_cast %get3A_567 : i32 to index
      %get3A_569 = arith.constant 64 : index
      %get3A_570 = tpu.vector_load %arg11[%get3A_568, %get3A_569] {strides = array<i32>} : memref<8x125xi32, #tpu.memory_space<vmem>>, vector<16xi32>,
      tpu.vector_store_idx %arg15[%get3A_570], %broadcast_in_dim3A_122 {add = true} : memref<10000xf32, #tpu.memory_space<vmem>>[vector<16xi32>], vector<16xf32>,
      %get3A_571 = arith.constant 0 : i32
      %get3A_572 = arith.index_cast %get3A_571 : i32 to index
      %get3A_573 = arith.constant 80 : index
      %get3A_574 = tpu.vector_load %arg11[%get3A_572, %get3A_573] {strides = array<i32>} : memref<8x125xi32, #tpu.memory_space<vmem>>, vector<16xi32>,
      tpu.vector_store_idx %arg15[%get3A_574], %broadcast_in_dim3A_122 {add = true} : memref<10000xf32, #tpu.memory_space<vmem>>[vector<16xi32>], vector<16xf32>,
      %get3A_575 = arith.constant 0 : i32
      %get3A_576 = arith.index_cast %get3A_575 : i32 to index
      %get3A_577 = arith.constant 96 : index
      %get3A_578 = tpu.vector_load %arg11[%get3A_576, %get3A_577] {strides = array<i32>} : memref<8x125xi32, #tpu.memory_space<vmem>>, vector<16xi32>,
      tpu.vector_store_idx %arg15[%get3A_578], %broadcast_in_dim3A_122 {add = true} : memref<10000xf32, #tpu.memory_space<vmem>>[vector<16xi32>], vector<16xf32>,
      %get3A_579 = arith.constant 0 : i32
      %get3A_580 = arith.index_cast %get3A_579 : i32 to index
      %get3A_581 = arith.constant 109 : index
      %get3A_582 = tpu.vector_load %arg11[%get3A_580, %get3A_581] {strides = array<i32>} : memref<8x125xi32, #tpu.memory_space<vmem>>, vector<16xi32>,
      tpu.vector_store_idx %arg15[%get3A_582], %broadcast_in_dim3A_122 masked %ge3A_124 {add = true} : memref<10000xf32, #tpu.memory_space<vmem>>[vector<16xi32>], vector<16xf32>, vector<16xi1>
      %ge3A_583 = arith.constant 1 : i32
      %ge3A_584 = arith.cmpi sge, %add3A_537, %ge3A_583 : i32
      %convert_element_type3A = arith.extui %ge3A_584 : i1 to i32
      %cond3A = arith.constant 0 : i32
      %cond3A_585 = arith.cmpi ne, %convert_element_type3A, %cond3A : i32
      scf.if %cond3A_585 {
        %dma_wait3A_1535 = arith.constant 1 : i32
        %dma_wait3A_1536 = arith.constant 0 : i32
        %dma_wait3A_1537 = tpu.memref_slice %arg11[%dma_wait3A_1535, %dma_wait3A_1536] : memref<8x125xi32, #tpu.memory_space<vmem>> -> memref<1x125xi32, #tpu.memory_space<vmem>>
        %dma_wait3A_1538 = tpu.memref_squeeze %dma_wait3A_1537 : memref<1x125xi32, #tpu.memory_space<vmem>> -> memref<125xi32, #tpu.memory_space<vmem>>
        %dma_wait3A_1539 = arith.constant 0 : i32
        %dma_wait3A_1540 = arith.constant 0 : i32
        %dma_wait3A_1541 = tpu.memref_slice %arg16[%dma_wait3A_1539, %dma_wait3A_1540] : memref<10000x128xf32, #tpu.memory_space<vmem_shared>> -> memref<10000x128xf32, #tpu.memory_space<vmem_shared>>
        tpu.wait_indirect_dma semaphore(%arg22 : memref<!tpu.dma_semaphore, #tpu.memory_space<semaphore_mem>>) src(%arg14 : memref<125x128xf32, #tpu.memory_space<vmem>>) dst(%dma_wait3A_1541 : memref<10000x128xf32, #tpu.memory_space<vmem_shared>>)
      } else {
      }
      %dma_start3A_586 = arith.constant 1 : i32
      %dma_start3A_587 = arith.constant 0 : i32
      %dma_start3A_588 = tpu.memref_slice %arg9[%dma_start3A_586, %dma_start3A_587] : memref<8x125xi32, #tpu.memory_space<vmem>> -> memref<1x125xi32, #tpu.memory_space<vmem>>
      %dma_start3A_589 = tpu.memref_squeeze %dma_start3A_588 : memref<1x125xi32, #tpu.memory_space<vmem>> -> memref<125xi32, #tpu.memory_space<vmem>>
      %dma_start3A_590 = arith.constant 0 : i32
      %dma_start3A_591 = arith.constant 0 : i32
      %dma_start3A_592 = tpu.memref_slice %arg2[%dma_start3A_590, %dma_start3A_591] : memref<10000x128xf32, #tpu.memory_space<hbm>> -> memref<10000x128xf32, #tpu.memory_space<hbm>>
      tpu.enqueue_indirect_dma source(%dma_start3A_592 : memref<10000x128xf32, #tpu.memory_space<hbm>>) target(%arg14 : memref<125x128xf32, #tpu.memory_space<vmem>>) offsets(%dma_start3A_589 : memref<125xi32, #tpu.memory_space<vmem>>) semaphore(%arg20 : memref<!tpu.dma_semaphore, #tpu.memory_space<semaphore_mem>>)
      %mul3A_593 = arith.constant 8 : i32
      %mul3A_594 = arith.muli %add3A_533, %mul3A_593 : i32
      %add3A_595 = arith.constant 1 : i32
      %add3A_596 = arith.addi %mul3A_594, %add3A_595 : i32
      %dma_wait3A_597 = arith.constant 1 : i32
      %dma_wait3A_598 = arith.constant 0 : i32
      %dma_wait3A_599 = tpu.memref_slice %arg9[%dma_wait3A_597, %dma_wait3A_598] : memref<8x125xi32, #tpu.memory_space<vmem>> -> memref<1x125xi32, #tpu.memory_space<vmem>>
      %dma_wait3A_600 = tpu.memref_squeeze %dma_wait3A_599 : memref<1x125xi32, #tpu.memory_space<vmem>> -> memref<125xi32, #tpu.memory_space<vmem>>
      %dma_wait3A_601 = arith.constant 0 : i32
      %dma_wait3A_602 = arith.constant 0 : i32
      %dma_wait3A_603 = tpu.memref_slice %arg2[%dma_wait3A_601, %dma_wait3A_602] : memref<10000x128xf32, #tpu.memory_space<hbm>> -> memref<10000x128xf32, #tpu.memory_space<hbm>>
      tpu.wait_indirect_dma semaphore(%arg20 : memref<!tpu.dma_semaphore, #tpu.memory_space<semaphore_mem>>) src(%dma_wait3A_603 : memref<10000x128xf32, #tpu.memory_space<hbm>>) dst(%arg14 : memref<125x128xf32, #tpu.memory_space<vmem>>)
      %dma_start3A_604 = arith.constant 1 : i32
      %dma_start3A_605 = arith.constant 0 : i32
      %dma_start3A_606 = tpu.memref_slice %arg11[%dma_start3A_604, %dma_start3A_605] : memref<8x125xi32, #tpu.memory_space<vmem>> -> memref<1x125xi32, #tpu.memory_space<vmem>>
      %dma_start3A_607 = tpu.memref_squeeze %dma_start3A_606 : memref<1x125xi32, #tpu.memory_space<vmem>> -> memref<125xi32, #tpu.memory_space<vmem>>
      %dma_start3A_608 = arith.constant 0 : i32
      %dma_start3A_609 = arith.constant 0 : i32
      %dma_start3A_610 = tpu.memref_slice %arg16[%dma_start3A_608, %dma_start3A_609] : memref<10000x128xf32, #tpu.memory_space<vmem_shared>> -> memref<10000x128xf32, #tpu.memory_space<vmem_shared>>
      tpu.enqueue_indirect_dma source(%arg14 : memref<125x128xf32, #tpu.memory_space<vmem>>) target(%dma_start3A_610 : memref<10000x128xf32, #tpu.memory_space<vmem_shared>>) offsets(%dma_start3A_607 : memref<125xi32, #tpu.memory_space<vmem>>) semaphore(%arg22 : memref<!tpu.dma_semaphore, #tpu.memory_space<semaphore_mem>>) {add = true}
      %get3A_611 = arith.constant 1 : i32
      %get3A_612 = arith.index_cast %get3A_611 : i32 to index
      %get3A_613 = arith.constant 0 : index
      %get3A_614 = tpu.vector_load %arg11[%get3A_612, %get3A_613] {strides = array<i32>} : memref<8x125xi32, #tpu.memory_space<vmem>>, vector<16xi32>,
      tpu.vector_store_idx %arg15[%get3A_614], %broadcast_in_dim3A_122 {add = true} : memref<10000xf32, #tpu.memory_space<vmem>>[vector<16xi32>], vector<16xf32>,
      %get3A_615 = arith.constant 1 : i32
      %get3A_616 = arith.index_cast %get3A_615 : i32 to index
      %get3A_617 = arith.constant 16 : index
      %get3A_618 = tpu.vector_load %arg11[%get3A_616, %get3A_617] {strides = array<i32>} : memref<8x125xi32, #tpu.memory_space<vmem>>, vector<16xi32>,
      tpu.vector_store_idx %arg15[%get3A_618], %broadcast_in_dim3A_122 {add = true} : memref<10000xf32, #tpu.memory_space<vmem>>[vector<16xi32>], vector<16xf32>,
      %get3A_619 = arith.constant 1 : i32
      %get3A_620 = arith.index_cast %get3A_619 : i32 to index
      %get3A_621 = arith.constant 32 : index
      %get3A_622 = tpu.vector_load %arg11[%get3A_620, %get3A_621] {strides = array<i32>} : memref<8x125xi32, #tpu.memory_space<vmem>>, vector<16xi32>,
      tpu.vector_store_idx %arg15[%get3A_622], %broadcast_in_dim3A_122 {add = true} : memref<10000xf32, #tpu.memory_space<vmem>>[vector<16xi32>], vector<16xf32>,
      %get3A_623 = arith.constant 1 : i32
      %get3A_624 = arith.index_cast %get3A_623 : i32 to index
      %get3A_625 = arith.constant 48 : index
      %get3A_626 = tpu.vector_load %arg11[%get3A_624, %get3A_625] {strides = array<i32>} : memref<8x125xi32, #tpu.memory_space<vmem>>, vector<16xi32>,
      tpu.vector_store_idx %arg15[%get3A_626], %broadcast_in_dim3A_122 {add = true} : memref<10000xf32, #tpu.memory_space<vmem>>[vector<16xi32>], vector<16xf32>,
      %get3A_627 = arith.constant 1 : i32
      %get3A_628 = arith.index_cast %get3A_627 : i32 to index
      %get3A_629 = arith.constant 64 : index
      %get3A_630 = tpu.vector_load %arg11[%get3A_628, %get3A_629] {strides = array<i32>} : memref<8x125xi32, #tpu.memory_space<vmem>>, vector<16xi32>,
      tpu.vector_store_idx %arg15[%get3A_630], %broadcast_in_dim3A_122 {add = true} : memref<10000xf32, #tpu.memory_space<vmem>>[vector<16xi32>], vector<16xf32>,
      %get3A_631 = arith.constant 1 : i32
      %get3A_632 = arith.index_cast %get3A_631 : i32 to index
      %get3A_633 = arith.constant 80 : index
      %get3A_634 = tpu.vector_load %arg11[%get3A_632, %get3A_633] {strides = array<i32>} : memref<8x125xi32, #tpu.memory_space<vmem>>, vector<16xi32>,
      tpu.vector_store_idx %arg15[%get3A_634], %broadcast_in_dim3A_122 {add = true} : memref<10000xf32, #tpu.memory_space<vmem>>[vector<16xi32>], vector<16xf32>,
      %get3A_635 = arith.constant 1 : i32
      %get3A_636 = arith.index_cast %get3A_635 : i32 to index
      %get3A_637 = arith.constant 96 : index
      %get3A_638 = tpu.vector_load %arg11[%get3A_636, %get3A_637] {strides = array<i32>} : memref<8x125xi32, #tpu.memory_space<vmem>>, vector<16xi32>,
      tpu.vector_store_idx %arg15[%get3A_638], %broadcast_in_dim3A_122 {add = true} : memref<10000xf32, #tpu.memory_space<vmem>>[vector<16xi32>], vector<16xf32>,
      %get3A_639 = arith.constant 1 : i32
      %get3A_640 = arith.index_cast %get3A_639 : i32 to index
      %get3A_641 = arith.constant 109 : index
      %get3A_642 = tpu.vector_load %arg11[%get3A_640, %get3A_641] {strides = array<i32>} : memref<8x125xi32, #tpu.memory_space<vmem>>, vector<16xi32>,
      tpu.vector_store_idx %arg15[%get3A_642], %broadcast_in_dim3A_122 masked %ge3A_124 {add = true} : memref<10000xf32, #tpu.memory_space<vmem>>[vector<16xi32>], vector<16xf32>, vector<16xi1>
      %ge3A_643 = arith.constant 1 : i32
      %ge3A_644 = arith.cmpi sge, %add3A_596, %ge3A_643 : i32
      %convert_element_type3A_645 = arith.extui %ge3A_644 : i1 to i32
      %cond3A_646 = arith.constant 0 : i32
      %cond3A_647 = arith.cmpi ne, %convert_element_type3A_645, %cond3A_646 : i32
      scf.if %cond3A_647 {
        %dma_wait3A_1535 = arith.constant 2 : i32
        %dma_wait3A_1536 = arith.constant 0 : i32
        %dma_wait3A_1537 = tpu.memref_slice %arg11[%dma_wait3A_1535, %dma_wait3A_1536] : memref<8x125xi32, #tpu.memory_space<vmem>> -> memref<1x125xi32, #tpu.memory_space<vmem>>
        %dma_wait3A_1538 = tpu.memref_squeeze %dma_wait3A_1537 : memref<1x125xi32, #tpu.memory_space<vmem>> -> memref<125xi32, #tpu.memory_space<vmem>>
        %dma_wait3A_1539 = arith.constant 0 : i32
        %dma_wait3A_1540 = arith.constant 0 : i32
        %dma_wait3A_1541 = tpu.memref_slice %arg16[%dma_wait3A_1539, %dma_wait3A_1540] : memref<10000x128xf32, #tpu.memory_space<vmem_shared>> -> memref<10000x128xf32, #tpu.memory_space<vmem_shared>>
        tpu.wait_indirect_dma semaphore(%arg21 : memref<!tpu.dma_semaphore, #tpu.memory_space<semaphore_mem>>) src(%arg13 : memref<125x128xf32, #tpu.memory_space<vmem>>) dst(%dma_wait3A_1541 : memref<10000x128xf32, #tpu.memory_space<vmem_shared>>)
      } else {
      }
      %dma_start3A_648 = arith.constant 2 : i32
      %dma_start3A_649 = arith.constant 0 : i32
      %dma_start3A_650 = tpu.memref_slice %arg9[%dma_start3A_648, %dma_start3A_649] : memref<8x125xi32, #tpu.memory_space<vmem>> -> memref<1x125xi32, #tpu.memory_space<vmem>>
      %dma_start3A_651 = tpu.memref_squeeze %dma_start3A_650 : memref<1x125xi32, #tpu.memory_space<vmem>> -> memref<125xi32, #tpu.memory_space<vmem>>
      %dma_start3A_652 = arith.constant 0 : i32
      %dma_start3A_653 = arith.constant 0 : i32
      %dma_start3A_654 = tpu.memref_slice %arg2[%dma_start3A_652, %dma_start3A_653] : memref<10000x128xf32, #tpu.memory_space<hbm>> -> memref<10000x128xf32, #tpu.memory_space<hbm>>
      tpu.enqueue_indirect_dma source(%dma_start3A_654 : memref<10000x128xf32, #tpu.memory_space<hbm>>) target(%arg13 : memref<125x128xf32, #tpu.memory_space<vmem>>) offsets(%dma_start3A_651 : memref<125xi32, #tpu.memory_space<vmem>>) semaphore(%arg19 : memref<!tpu.dma_semaphore, #tpu.memory_space<semaphore_mem>>)
      %mul3A_655 = arith.constant 8 : i32
      %mul3A_656 = arith.muli %add3A_533, %mul3A_655 : i32
      %add3A_657 = arith.constant 2 : i32
      %add3A_658 = arith.addi %mul3A_656, %add3A_657 : i32
      %dma_wait3A_659 = arith.constant 2 : i32
      %dma_wait3A_660 = arith.constant 0 : i32
      %dma_wait3A_661 = tpu.memref_slice %arg9[%dma_wait3A_659, %dma_wait3A_660] : memref<8x125xi32, #tpu.memory_space<vmem>> -> memref<1x125xi32, #tpu.memory_space<vmem>>
      %dma_wait3A_662 = tpu.memref_squeeze %dma_wait3A_661 : memref<1x125xi32, #tpu.memory_space<vmem>> -> memref<125xi32, #tpu.memory_space<vmem>>
      %dma_wait3A_663 = arith.constant 0 : i32
      %dma_wait3A_664 = arith.constant 0 : i32
      %dma_wait3A_665 = tpu.memref_slice %arg2[%dma_wait3A_663, %dma_wait3A_664] : memref<10000x128xf32, #tpu.memory_space<hbm>> -> memref<10000x128xf32, #tpu.memory_space<hbm>>
      tpu.wait_indirect_dma semaphore(%arg19 : memref<!tpu.dma_semaphore, #tpu.memory_space<semaphore_mem>>) src(%dma_wait3A_665 : memref<10000x128xf32, #tpu.memory_space<hbm>>) dst(%arg13 : memref<125x128xf32, #tpu.memory_space<vmem>>)
      %dma_start3A_666 = arith.constant 2 : i32
      %dma_start3A_667 = arith.constant 0 : i32
      %dma_start3A_668 = tpu.memref_slice %arg11[%dma_start3A_666, %dma_start3A_667] : memref<8x125xi32, #tpu.memory_space<vmem>> -> memref<1x125xi32, #tpu.memory_space<vmem>>
      %dma_start3A_669 = tpu.memref_squeeze %dma_start3A_668 : memref<1x125xi32, #tpu.memory_space<vmem>> -> memref<125xi32, #tpu.memory_space<vmem>>
      %dma_start3A_670 = arith.constant 0 : i32
      %dma_start3A_671 = arith.constant 0 : i32
      %dma_start3A_672 = tpu.memref_slice %arg16[%dma_start3A_670, %dma_start3A_671] : memref<10000x128xf32, #tpu.memory_space<vmem_shared>> -> memref<10000x128xf32, #tpu.memory_space<vmem_shared>>
      tpu.enqueue_indirect_dma source(%arg13 : memref<125x128xf32, #tpu.memory_space<vmem>>) target(%dma_start3A_672 : memref<10000x128xf32, #tpu.memory_space<vmem_shared>>) offsets(%dma_start3A_669 : memref<125xi32, #tpu.memory_space<vmem>>) semaphore(%arg21 : memref<!tpu.dma_semaphore, #tpu.memory_space<semaphore_mem>>) {add = true}
      %get3A_673 = arith.constant 2 : i32
      %get3A_674 = arith.index_cast %get3A_673 : i32 to index
      %get3A_675 = arith.constant 0 : index
      %get3A_676 = tpu.vector_load %arg11[%get3A_674, %get3A_675] {strides = array<i32>} : memref<8x125xi32, #tpu.memory_space<vmem>>, vector<16xi32>,
      tpu.vector_store_idx %arg15[%get3A_676], %broadcast_in_dim3A_122 {add = true} : memref<10000xf32, #tpu.memory_space<vmem>>[vector<16xi32>], vector<16xf32>,
      %get3A_677 = arith.constant 2 : i32
      %get3A_678 = arith.index_cast %get3A_677 : i32 to index
      %get3A_679 = arith.constant 16 : index
      %get3A_680 = tpu.vector_load %arg11[%get3A_678, %get3A_679] {strides = array<i32>} : memref<8x125xi32, #tpu.memory_space<vmem>>, vector<16xi32>,
      tpu.vector_store_idx %arg15[%get3A_680], %broadcast_in_dim3A_122 {add = true} : memref<10000xf32, #tpu.memory_space<vmem>>[vector<16xi32>], vector<16xf32>,
      %get3A_681 = arith.constant 2 : i32
      %get3A_682 = arith.index_cast %get3A_681 : i32 to index
      %get3A_683 = arith.constant 32 : index
      %get3A_684 = tpu.vector_load %arg11[%get3A_682, %get3A_683] {strides = array<i32>} : memref<8x125xi32, #tpu.memory_space<vmem>>, vector<16xi32>,
      tpu.vector_store_idx %arg15[%get3A_684], %broadcast_in_dim3A_122 {add = true} : memref<10000xf32, #tpu.memory_space<vmem>>[vector<16xi32>], vector<16xf32>,
      %get3A_685 = arith.constant 2 : i32
      %get3A_686 = arith.index_cast %get3A_685 : i32 to index
      %get3A_687 = arith.constant 48 : index
      %get3A_688 = tpu.vector_load %arg11[%get3A_686, %get3A_687] {strides = array<i32>} : memref<8x125xi32, #tpu.memory_space<vmem>>, vector<16xi32>,
      tpu.vector_store_idx %arg15[%get3A_688], %broadcast_in_dim3A_122 {add = true} : memref<10000xf32, #tpu.memory_space<vmem>>[vector<16xi32>], vector<16xf32>,
      %get3A_689 = arith.constant 2 : i32
      %get3A_690 = arith.index_cast %get3A_689 : i32 to index
      %get3A_691 = arith.constant 64 : index
      %get3A_692 = tpu.vector_load %arg11[%get3A_690, %get3A_691] {strides = array<i32>} : memref<8x125xi32, #tpu.memory_space<vmem>>, vector<16xi32>,
      tpu.vector_store_idx %arg15[%get3A_692], %broadcast_in_dim3A_122 {add = true} : memref<10000xf32, #tpu.memory_space<vmem>>[vector<16xi32>], vector<16xf32>,
      %get3A_693 = arith.constant 2 : i32
      %get3A_694 = arith.index_cast %get3A_693 : i32 to index
      %get3A_695 = arith.constant 80 : index
      %get3A_696 = tpu.vector_load %arg11[%get3A_694, %get3A_695] {strides = array<i32>} : memref<8x125xi32, #tpu.memory_space<vmem>>, vector<16xi32>,
      tpu.vector_store_idx %arg15[%get3A_696], %broadcast_in_dim3A_122 {add = true} : memref<10000xf32, #tpu.memory_space<vmem>>[vector<16xi32>], vector<16xf32>,
      %get3A_697 = arith.constant 2 : i32
      %get3A_698 = arith.index_cast %get3A_697 : i32 to index
      %get3A_699 = arith.constant 96 : index
      %get3A_700 = tpu.vector_load %arg11[%get3A_698, %get3A_699] {strides = array<i32>} : memref<8x125xi32, #tpu.memory_space<vmem>>, vector<16xi32>,
      tpu.vector_store_idx %arg15[%get3A_700], %broadcast_in_dim3A_122 {add = true} : memref<10000xf32, #tpu.memory_space<vmem>>[vector<16xi32>], vector<16xf32>,
      %get3A_701 = arith.constant 2 : i32
      %get3A_702 = arith.index_cast %get3A_701 : i32 to index
      %get3A_703 = arith.constant 109 : index
      %get3A_704 = tpu.vector_load %arg11[%get3A_702, %get3A_703] {strides = array<i32>} : memref<8x125xi32, #tpu.memory_space<vmem>>, vector<16xi32>,
      tpu.vector_store_idx %arg15[%get3A_704], %broadcast_in_dim3A_122 masked %ge3A_124 {add = true} : memref<10000xf32, #tpu.memory_space<vmem>>[vector<16xi32>], vector<16xf32>, vector<16xi1>
      %ge3A_705 = arith.constant 1 : i32
      %ge3A_706 = arith.cmpi sge, %add3A_658, %ge3A_705 : i32
      %convert_element_type3A_707 = arith.extui %ge3A_706 : i1 to i32
      %cond3A_708 = arith.constant 0 : i32
      %cond3A_709 = arith.cmpi ne, %convert_element_type3A_707, %cond3A_708 : i32
      scf.if %cond3A_709 {
        %dma_wait3A_1535 = arith.constant 3 : i32
        %dma_wait3A_1536 = arith.constant 0 : i32
        %dma_wait3A_1537 = tpu.memref_slice %arg11[%dma_wait3A_1535, %dma_wait3A_1536] : memref<8x125xi32, #tpu.memory_space<vmem>> -> memref<1x125xi32, #tpu.memory_space<vmem>>
        %dma_wait3A_1538 = tpu.memref_squeeze %dma_wait3A_1537 : memref<1x125xi32, #tpu.memory_space<vmem>> -> memref<125xi32, #tpu.memory_space<vmem>>
        %dma_wait3A_1539 = arith.constant 0 : i32
        %dma_wait3A_1540 = arith.constant 0 : i32
        %dma_wait3A_1541 = tpu.memref_slice %arg16[%dma_wait3A_1539, %dma_wait3A_1540] : memref<10000x128xf32, #tpu.memory_space<vmem_shared>> -> memref<10000x128xf32, #tpu.memory_space<vmem_shared>>
        tpu.wait_indirect_dma semaphore(%arg22 : memref<!tpu.dma_semaphore, #tpu.memory_space<semaphore_mem>>) src(%arg14 : memref<125x128xf32, #tpu.memory_space<vmem>>) dst(%dma_wait3A_1541 : memref<10000x128xf32, #tpu.memory_space<vmem_shared>>)
      } else {
      }
      %dma_start3A_710 = arith.constant 3 : i32
      %dma_start3A_711 = arith.constant 0 : i32
      %dma_start3A_712 = tpu.memref_slice %arg9[%dma_start3A_710, %dma_start3A_711] : memref<8x125xi32, #tpu.memory_space<vmem>> -> memref<1x125xi32, #tpu.memory_space<vmem>>
      %dma_start3A_713 = tpu.memref_squeeze %dma_start3A_712 : memref<1x125xi32, #tpu.memory_space<vmem>> -> memref<125xi32, #tpu.memory_space<vmem>>
      %dma_start3A_714 = arith.constant 0 : i32
      %dma_start3A_715 = arith.constant 0 : i32
      %dma_start3A_716 = tpu.memref_slice %arg2[%dma_start3A_714, %dma_start3A_715] : memref<10000x128xf32, #tpu.memory_space<hbm>> -> memref<10000x128xf32, #tpu.memory_space<hbm>>
      tpu.enqueue_indirect_dma source(%dma_start3A_716 : memref<10000x128xf32, #tpu.memory_space<hbm>>) target(%arg14 : memref<125x128xf32, #tpu.memory_space<vmem>>) offsets(%dma_start3A_713 : memref<125xi32, #tpu.memory_space<vmem>>) semaphore(%arg20 : memref<!tpu.dma_semaphore, #tpu.memory_space<semaphore_mem>>)
      %ge3A_717 = arith.constant 1 : i32
      %ge3A_718 = arith.cmpi sge, %add3A_533, %ge3A_717 : i32
      %add3A_719 = arith.constant 1 : i32
      %add3A_720 = arith.addi %add3A_533, %add3A_719 : i32
      %lt3A = arith.constant 10 : i32
      %lt3A_721 = arith.cmpi slt, %add3A_720, %lt3A : i32
      %and3A = arith.andi %ge3A_718, %lt3A_721 : i1
      %convert_element_type3A_722 = arith.extui %and3A : i1 to i32
      %cond3A_723 = arith.constant 0 : i32
      %cond3A_724 = arith.cmpi ne, %convert_element_type3A_722, %cond3A_723 : i32
      scf.if %cond3A_724 {
        %add3A_1535 = arith.constant 1 : i32
        %add3A_1536 = arith.addi %add3A_533, %add3A_1535 : i32
        %dma_start3A_1537 = arith.constant 0 : i32
        %dma_start3A_1538 = arith.constant 0 : i32
        %dma_start3A_1539 = arith.constant 0 : i32
        %dma_start3A_1540 = tpu.memref_slice %arg3[%add3A, %dma_start3A_1537, %dma_start3A_1538, %dma_start3A_1539] : memref<32x10x8x125xi32, #tpu.memory_space<hbm>> -> memref<1x10x8x125xi32, #tpu.memory_space<hbm>>
        %dma_start3A_1541 = tpu.memref_squeeze %dma_start3A_1540 : memref<1x10x8x125xi32, #tpu.memory_space<hbm>> -> memref<10x8x125xi32, #tpu.memory_space<hbm>>
        %dma_start3A_1542 = arith.constant 0 : i32
        %dma_start3A_1543 = arith.constant 0 : i32
        %dma_start3A_1544 = tpu.memref_slice %dma_start3A_1541[%add3A_1536, %dma_start3A_1542, %dma_start3A_1543] : memref<10x8x125xi32, #tpu.memory_space<hbm>> -> memref<1x8x125xi32, #tpu.memory_space<hbm>>
        %dma_start3A_1545 = tpu.memref_squeeze %dma_start3A_1544 : memref<1x8x125xi32, #tpu.memory_space<hbm>> -> memref<8x125xi32, #tpu.memory_space<hbm>>
        %dma_start3A_1546 = arith.constant 0 : i32
        %dma_start3A_1547 = arith.constant 0 : i32
        %dma_start3A_1548 = arith.constant 0 : i32
        %dma_start3A_1549 = tpu.memref_slice %arg3[%add3A, %dma_start3A_1546, %dma_start3A_1547, %dma_start3A_1548] : memref<32x10x8x125xi32, #tpu.memory_space<hbm>> -> memref<1x10x8x125xi32, #tpu.memory_space<hbm>>
        %dma_start3A_1550 = tpu.memref_squeeze %dma_start3A_1549 : memref<1x10x8x125xi32, #tpu.memory_space<hbm>> -> memref<10x8x125xi32, #tpu.memory_space<hbm>>
        %dma_start3A_1551 = arith.constant 0 : i32
        %dma_start3A_1552 = arith.constant 0 : i32
        %dma_start3A_1553 = tpu.memref_slice %dma_start3A_1550[%add3A_1536, %dma_start3A_1551, %dma_start3A_1552] : memref<10x8x125xi32, #tpu.memory_space<hbm>> -> memref<1x8x125xi32, #tpu.memory_space<hbm>>
        %dma_start3A_1554 = tpu.memref_squeeze %dma_start3A_1553 : memref<1x8x125xi32, #tpu.memory_space<hbm>> -> memref<8x125xi32, #tpu.memory_space<hbm>>
        tpu.enqueue_dma source(%dma_start3A_1554 : memref<8x125xi32, #tpu.memory_space<hbm>>) target(%arg10 : memref<8x125xi32, #tpu.memory_space<vmem>>) target_semaphore(%arg18 : memref<!tpu.dma_semaphore, #tpu.memory_space<semaphore_mem>>)
        %dma_start3A_1555 = arith.constant 0 : i32
        %dma_start3A_1556 = arith.constant 0 : i32
        %dma_start3A_1557 = arith.constant 0 : i32
        %dma_start3A_1558 = tpu.memref_slice %arg4[%add3A, %dma_start3A_1555, %dma_start3A_1556, %dma_start3A_1557] : memref<32x10x8x125xi32, #tpu.memory_space<hbm>> -> memref<1x10x8x125xi32, #tpu.memory_space<hbm>>
        %dma_start3A_1559 = tpu.memref_squeeze %dma_start3A_1558 : memref<1x10x8x125xi32, #tpu.memory_space<hbm>> -> memref<10x8x125xi32, #tpu.memory_space<hbm>>
        %dma_start3A_1560 = arith.constant 0 : i32
        %dma_start3A_1561 = arith.constant 0 : i32
        %dma_start3A_1562 = tpu.memref_slice %dma_start3A_1559[%add3A_1536, %dma_start3A_1560, %dma_start3A_1561] : memref<10x8x125xi32, #tpu.memory_space<hbm>> -> memref<1x8x125xi32, #tpu.memory_space<hbm>>
        %dma_start3A_1563 = tpu.memref_squeeze %dma_start3A_1562 : memref<1x8x125xi32, #tpu.memory_space<hbm>> -> memref<8x125xi32, #tpu.memory_space<hbm>>
        %dma_start3A_1564 = arith.constant 0 : i32
        %dma_start3A_1565 = arith.constant 0 : i32
        %dma_start3A_1566 = arith.constant 0 : i32
        %dma_start3A_1567 = tpu.memref_slice %arg4[%add3A, %dma_start3A_1564, %dma_start3A_1565, %dma_start3A_1566] : memref<32x10x8x125xi32, #tpu.memory_space<hbm>> -> memref<1x10x8x125xi32, #tpu.memory_space<hbm>>
        %dma_start3A_1568 = tpu.memref_squeeze %dma_start3A_1567 : memref<1x10x8x125xi32, #tpu.memory_space<hbm>> -> memref<10x8x125xi32, #tpu.memory_space<hbm>>
        %dma_start3A_1569 = arith.constant 0 : i32
        %dma_start3A_1570 = arith.constant 0 : i32
        %dma_start3A_1571 = tpu.memref_slice %dma_start3A_1568[%add3A_1536, %dma_start3A_1569, %dma_start3A_1570] : memref<10x8x125xi32, #tpu.memory_space<hbm>> -> memref<1x8x125xi32, #tpu.memory_space<hbm>>
        %dma_start3A_1572 = tpu.memref_squeeze %dma_start3A_1571 : memref<1x8x125xi32, #tpu.memory_space<hbm>> -> memref<8x125xi32, #tpu.memory_space<hbm>>
        tpu.enqueue_dma source(%dma_start3A_1572 : memref<8x125xi32, #tpu.memory_space<hbm>>) target(%arg12 : memref<8x125xi32, #tpu.memory_space<vmem>>) target_semaphore(%arg18 : memref<!tpu.dma_semaphore, #tpu.memory_space<semaphore_mem>>)
      } else {
      }
      %mul3A_725 = arith.constant 8 : i32
      %mul3A_726 = arith.muli %add3A_533, %mul3A_725 : i32
      %add3A_727 = arith.constant 3 : i32
      %add3A_728 = arith.addi %mul3A_726, %add3A_727 : i32
      %dma_wait3A_729 = arith.constant 3 : i32
      %dma_wait3A_730 = arith.constant 0 : i32
      %dma_wait3A_731 = tpu.memref_slice %arg9[%dma_wait3A_729, %dma_wait3A_730] : memref<8x125xi32, #tpu.memory_space<vmem>> -> memref<1x125xi32, #tpu.memory_space<vmem>>
      %dma_wait3A_732 = tpu.memref_squeeze %dma_wait3A_731 : memref<1x125xi32, #tpu.memory_space<vmem>> -> memref<125xi32, #tpu.memory_space<vmem>>
      %dma_wait3A_733 = arith.constant 0 : i32
      %dma_wait3A_734 = arith.constant 0 : i32
      %dma_wait3A_735 = tpu.memref_slice %arg2[%dma_wait3A_733, %dma_wait3A_734] : memref<10000x128xf32, #tpu.memory_space<hbm>> -> memref<10000x128xf32, #tpu.memory_space<hbm>>
      tpu.wait_indirect_dma semaphore(%arg20 : memref<!tpu.dma_semaphore, #tpu.memory_space<semaphore_mem>>) src(%dma_wait3A_735 : memref<10000x128xf32, #tpu.memory_space<hbm>>) dst(%arg14 : memref<125x128xf32, #tpu.memory_space<vmem>>)
      %dma_start3A_736 = arith.constant 3 : i32
      %dma_start3A_737 = arith.constant 0 : i32
      %dma_start3A_738 = tpu.memref_slice %arg11[%dma_start3A_736, %dma_start3A_737] : memref<8x125xi32, #tpu.memory_space<vmem>> -> memref<1x125xi32, #tpu.memory_space<vmem>>
      %dma_start3A_739 = tpu.memref_squeeze %dma_start3A_738 : memref<1x125xi32, #tpu.memory_space<vmem>> -> memref<125xi32, #tpu.memory_space<vmem>>
      %dma_start3A_740 = arith.constant 0 : i32
      %dma_start3A_741 = arith.constant 0 : i32
      %dma_start3A_742 = tpu.memref_slice %arg16[%dma_start3A_740, %dma_start3A_741] : memref<10000x128xf32, #tpu.memory_space<vmem_shared>> -> memref<10000x128xf32, #tpu.memory_space<vmem_shared>>
      tpu.enqueue_indirect_dma source(%arg14 : memref<125x128xf32, #tpu.memory_space<vmem>>) target(%dma_start3A_742 : memref<10000x128xf32, #tpu.memory_space<vmem_shared>>) offsets(%dma_start3A_739 : memref<125xi32, #tpu.memory_space<vmem>>) semaphore(%arg22 : memref<!tpu.dma_semaphore, #tpu.memory_space<semaphore_mem>>) {add = true}
      %get3A_743 = arith.constant 3 : i32
      %get3A_744 = arith.index_cast %get3A_743 : i32 to index
      %get3A_745 = arith.constant 0 : index
      %get3A_746 = tpu.vector_load %arg11[%get3A_744, %get3A_745] {strides = array<i32>} : memref<8x125xi32, #tpu.memory_space<vmem>>, vector<16xi32>,
      tpu.vector_store_idx %arg15[%get3A_746], %broadcast_in_dim3A_122 {add = true} : memref<10000xf32, #tpu.memory_space<vmem>>[vector<16xi32>], vector<16xf32>,
      %get3A_747 = arith.constant 3 : i32
      %get3A_748 = arith.index_cast %get3A_747 : i32 to index
      %get3A_749 = arith.constant 16 : index
      %get3A_750 = tpu.vector_load %arg11[%get3A_748, %get3A_749] {strides = array<i32>} : memref<8x125xi32, #tpu.memory_space<vmem>>, vector<16xi32>,
      tpu.vector_store_idx %arg15[%get3A_750], %broadcast_in_dim3A_122 {add = true} : memref<10000xf32, #tpu.memory_space<vmem>>[vector<16xi32>], vector<16xf32>,
      %get3A_751 = arith.constant 3 : i32
      %get3A_752 = arith.index_cast %get3A_751 : i32 to index
      %get3A_753 = arith.constant 32 : index
      %get3A_754 = tpu.vector_load %arg11[%get3A_752, %get3A_753] {strides = array<i32>} : memref<8x125xi32, #tpu.memory_space<vmem>>, vector<16xi32>,
      tpu.vector_store_idx %arg15[%get3A_754], %broadcast_in_dim3A_122 {add = true} : memref<10000xf32, #tpu.memory_space<vmem>>[vector<16xi32>], vector<16xf32>,
      %get3A_755 = arith.constant 3 : i32
      %get3A_756 = arith.index_cast %get3A_755 : i32 to index
      %get3A_757 = arith.constant 48 : index
      %get3A_758 = tpu.vector_load %arg11[%get3A_756, %get3A_757] {strides = array<i32>} : memref<8x125xi32, #tpu.memory_space<vmem>>, vector<16xi32>,
      tpu.vector_store_idx %arg15[%get3A_758], %broadcast_in_dim3A_122 {add = true} : memref<10000xf32, #tpu.memory_space<vmem>>[vector<16xi32>], vector<16xf32>,
      %get3A_759 = arith.constant 3 : i32
      %get3A_760 = arith.index_cast %get3A_759 : i32 to index
      %get3A_761 = arith.constant 64 : index
      %get3A_762 = tpu.vector_load %arg11[%get3A_760, %get3A_761] {strides = array<i32>} : memref<8x125xi32, #tpu.memory_space<vmem>>, vector<16xi32>,
      tpu.vector_store_idx %arg15[%get3A_762], %broadcast_in_dim3A_122 {add = true} : memref<10000xf32, #tpu.memory_space<vmem>>[vector<16xi32>], vector<16xf32>,
      %get3A_763 = arith.constant 3 : i32
      %get3A_764 = arith.index_cast %get3A_763 : i32 to index
      %get3A_765 = arith.constant 80 : index
      %get3A_766 = tpu.vector_load %arg11[%get3A_764, %get3A_765] {strides = array<i32>} : memref<8x125xi32, #tpu.memory_space<vmem>>, vector<16xi32>,
      tpu.vector_store_idx %arg15[%get3A_766], %broadcast_in_dim3A_122 {add = true} : memref<10000xf32, #tpu.memory_space<vmem>>[vector<16xi32>], vector<16xf32>,
      %get3A_767 = arith.constant 3 : i32
      %get3A_768 = arith.index_cast %get3A_767 : i32 to index
      %get3A_769 = arith.constant 96 : index
      %get3A_770 = tpu.vector_load %arg11[%get3A_768, %get3A_769] {strides = array<i32>} : memref<8x125xi32, #tpu.memory_space<vmem>>, vector<16xi32>,
      tpu.vector_store_idx %arg15[%get3A_770], %broadcast_in_dim3A_122 {add = true} : memref<10000xf32, #tpu.memory_space<vmem>>[vector<16xi32>], vector<16xf32>,
      %get3A_771 = arith.constant 3 : i32
      %get3A_772 = arith.index_cast %get3A_771 : i32 to index
      %get3A_773 = arith.constant 109 : index
      %get3A_774 = tpu.vector_load %arg11[%get3A_772, %get3A_773] {strides = array<i32>} : memref<8x125xi32, #tpu.memory_space<vmem>>, vector<16xi32>,
      tpu.vector_store_idx %arg15[%get3A_774], %broadcast_in_dim3A_122 masked %ge3A_124 {add = true} : memref<10000xf32, #tpu.memory_space<vmem>>[vector<16xi32>], vector<16xf32>, vector<16xi1>
      %ge3A_775 = arith.constant 1 : i32
      %ge3A_776 = arith.cmpi sge, %add3A_728, %ge3A_775 : i32
      %convert_element_type3A_777 = arith.extui %ge3A_776 : i1 to i32
      %cond3A_778 = arith.constant 0 : i32
      %cond3A_779 = arith.cmpi ne, %convert_element_type3A_777, %cond3A_778 : i32
      scf.if %cond3A_779 {
        %dma_wait3A_1535 = arith.constant 4 : i32
        %dma_wait3A_1536 = arith.constant 0 : i32
        %dma_wait3A_1537 = tpu.memref_slice %arg11[%dma_wait3A_1535, %dma_wait3A_1536] : memref<8x125xi32, #tpu.memory_space<vmem>> -> memref<1x125xi32, #tpu.memory_space<vmem>>
        %dma_wait3A_1538 = tpu.memref_squeeze %dma_wait3A_1537 : memref<1x125xi32, #tpu.memory_space<vmem>> -> memref<125xi32, #tpu.memory_space<vmem>>
        %dma_wait3A_1539 = arith.constant 0 : i32
        %dma_wait3A_1540 = arith.constant 0 : i32
        %dma_wait3A_1541 = tpu.memref_slice %arg16[%dma_wait3A_1539, %dma_wait3A_1540] : memref<10000x128xf32, #tpu.memory_space<vmem_shared>> -> memref<10000x128xf32, #tpu.memory_space<vmem_shared>>
        tpu.wait_indirect_dma semaphore(%arg21 : memref<!tpu.dma_semaphore, #tpu.memory_space<semaphore_mem>>) src(%arg13 : memref<125x128xf32, #tpu.memory_space<vmem>>) dst(%dma_wait3A_1541 : memref<10000x128xf32, #tpu.memory_space<vmem_shared>>)
      } else {
      }
      %dma_start3A_780 = arith.constant 4 : i32
      %dma_start3A_781 = arith.constant 0 : i32
      %dma_start3A_782 = tpu.memref_slice %arg9[%dma_start3A_780, %dma_start3A_781] : memref<8x125xi32, #tpu.memory_space<vmem>> -> memref<1x125xi32, #tpu.memory_space<vmem>>
      %dma_start3A_783 = tpu.memref_squeeze %dma_start3A_782 : memref<1x125xi32, #tpu.memory_space<vmem>> -> memref<125xi32, #tpu.memory_space<vmem>>
      %dma_start3A_784 = arith.constant 0 : i32
      %dma_start3A_785 = arith.constant 0 : i32
      %dma_start3A_786 = tpu.memref_slice %arg2[%dma_start3A_784, %dma_start3A_785] : memref<10000x128xf32, #tpu.memory_space<hbm>> -> memref<10000x128xf32, #tpu.memory_space<hbm>>
      tpu.enqueue_indirect_dma source(%dma_start3A_786 : memref<10000x128xf32, #tpu.memory_space<hbm>>) target(%arg13 : memref<125x128xf32, #tpu.memory_space<vmem>>) offsets(%dma_start3A_783 : memref<125xi32, #tpu.memory_space<vmem>>) semaphore(%arg19 : memref<!tpu.dma_semaphore, #tpu.memory_space<semaphore_mem>>)
      %mul3A_787 = arith.constant 8 : i32
      %mul3A_788 = arith.muli %add3A_533, %mul3A_787 : i32
      %add3A_789 = arith.constant 4 : i32
      %add3A_790 = arith.addi %mul3A_788, %add3A_789 : i32
      %dma_wait3A_791 = arith.constant 4 : i32
      %dma_wait3A_792 = arith.constant 0 : i32
      %dma_wait3A_793 = tpu.memref_slice %arg9[%dma_wait3A_791, %dma_wait3A_792] : memref<8x125xi32, #tpu.memory_space<vmem>> -> memref<1x125xi32, #tpu.memory_space<vmem>>
      %dma_wait3A_794 = tpu.memref_squeeze %dma_wait3A_793 : memref<1x125xi32, #tpu.memory_space<vmem>> -> memref<125xi32, #tpu.memory_space<vmem>>
      %dma_wait3A_795 = arith.constant 0 : i32
      %dma_wait3A_796 = arith.constant 0 : i32
      %dma_wait3A_797 = tpu.memref_slice %arg2[%dma_wait3A_795, %dma_wait3A_796] : memref<10000x128xf32, #tpu.memory_space<hbm>> -> memref<10000x128xf32, #tpu.memory_space<hbm>>
      tpu.wait_indirect_dma semaphore(%arg19 : memref<!tpu.dma_semaphore, #tpu.memory_space<semaphore_mem>>) src(%dma_wait3A_797 : memref<10000x128xf32, #tpu.memory_space<hbm>>) dst(%arg13 : memref<125x128xf32, #tpu.memory_space<vmem>>)
      %dma_start3A_798 = arith.constant 4 : i32
      %dma_start3A_799 = arith.constant 0 : i32
      %dma_start3A_800 = tpu.memref_slice %arg11[%dma_start3A_798, %dma_start3A_799] : memref<8x125xi32, #tpu.memory_space<vmem>> -> memref<1x125xi32, #tpu.memory_space<vmem>>
      %dma_start3A_801 = tpu.memref_squeeze %dma_start3A_800 : memref<1x125xi32, #tpu.memory_space<vmem>> -> memref<125xi32, #tpu.memory_space<vmem>>
      %dma_start3A_802 = arith.constant 0 : i32
      %dma_start3A_803 = arith.constant 0 : i32
      %dma_start3A_804 = tpu.memref_slice %arg16[%dma_start3A_802, %dma_start3A_803] : memref<10000x128xf32, #tpu.memory_space<vmem_shared>> -> memref<10000x128xf32, #tpu.memory_space<vmem_shared>>
      tpu.enqueue_indirect_dma source(%arg13 : memref<125x128xf32, #tpu.memory_space<vmem>>) target(%dma_start3A_804 : memref<10000x128xf32, #tpu.memory_space<vmem_shared>>) offsets(%dma_start3A_801 : memref<125xi32, #tpu.memory_space<vmem>>) semaphore(%arg21 : memref<!tpu.dma_semaphore, #tpu.memory_space<semaphore_mem>>) {add = true}
      %get3A_805 = arith.constant 4 : i32
      %get3A_806 = arith.index_cast %get3A_805 : i32 to index
      %get3A_807 = arith.constant 0 : index
      %get3A_808 = tpu.vector_load %arg11[%get3A_806, %get3A_807] {strides = array<i32>} : memref<8x125xi32, #tpu.memory_space<vmem>>, vector<16xi32>,
      tpu.vector_store_idx %arg15[%get3A_808], %broadcast_in_dim3A_122 {add = true} : memref<10000xf32, #tpu.memory_space<vmem>>[vector<16xi32>], vector<16xf32>,
      %get3A_809 = arith.constant 4 : i32
      %get3A_810 = arith.index_cast %get3A_809 : i32 to index
      %get3A_811 = arith.constant 16 : index
      %get3A_812 = tpu.vector_load %arg11[%get3A_810, %get3A_811] {strides = array<i32>} : memref<8x125xi32, #tpu.memory_space<vmem>>, vector<16xi32>,
      tpu.vector_store_idx %arg15[%get3A_812], %broadcast_in_dim3A_122 {add = true} : memref<10000xf32, #tpu.memory_space<vmem>>[vector<16xi32>], vector<16xf32>,
      %get3A_813 = arith.constant 4 : i32
      %get3A_814 = arith.index_cast %get3A_813 : i32 to index
      %get3A_815 = arith.constant 32 : index
      %get3A_816 = tpu.vector_load %arg11[%get3A_814, %get3A_815] {strides = array<i32>} : memref<8x125xi32, #tpu.memory_space<vmem>>, vector<16xi32>,
      tpu.vector_store_idx %arg15[%get3A_816], %broadcast_in_dim3A_122 {add = true} : memref<10000xf32, #tpu.memory_space<vmem>>[vector<16xi32>], vector<16xf32>,
      %get3A_817 = arith.constant 4 : i32
      %get3A_818 = arith.index_cast %get3A_817 : i32 to index
      %get3A_819 = arith.constant 48 : index
      %get3A_820 = tpu.vector_load %arg11[%get3A_818, %get3A_819] {strides = array<i32>} : memref<8x125xi32, #tpu.memory_space<vmem>>, vector<16xi32>,
      tpu.vector_store_idx %arg15[%get3A_820], %broadcast_in_dim3A_122 {add = true} : memref<10000xf32, #tpu.memory_space<vmem>>[vector<16xi32>], vector<16xf32>,
      %get3A_821 = arith.constant 4 : i32
      %get3A_822 = arith.index_cast %get3A_821 : i32 to index
      %get3A_823 = arith.constant 64 : index
      %get3A_824 = tpu.vector_load %arg11[%get3A_822, %get3A_823] {strides = array<i32>} : memref<8x125xi32, #tpu.memory_space<vmem>>, vector<16xi32>,
      tpu.vector_store_idx %arg15[%get3A_824], %broadcast_in_dim3A_122 {add = true} : memref<10000xf32, #tpu.memory_space<vmem>>[vector<16xi32>], vector<16xf32>,
      %get3A_825 = arith.constant 4 : i32
      %get3A_826 = arith.index_cast %get3A_825 : i32 to index
      %get3A_827 = arith.constant 80 : index
      %get3A_828 = tpu.vector_load %arg11[%get3A_826, %get3A_827] {strides = array<i32>} : memref<8x125xi32, #tpu.memory_space<vmem>>, vector<16xi32>,
      tpu.vector_store_idx %arg15[%get3A_828], %broadcast_in_dim3A_122 {add = true} : memref<10000xf32, #tpu.memory_space<vmem>>[vector<16xi32>], vector<16xf32>,
      %get3A_829 = arith.constant 4 : i32
      %get3A_830 = arith.index_cast %get3A_829 : i32 to index
      %get3A_831 = arith.constant 96 : index
      %get3A_832 = tpu.vector_load %arg11[%get3A_830, %get3A_831] {strides = array<i32>} : memref<8x125xi32, #tpu.memory_space<vmem>>, vector<16xi32>,
      tpu.vector_store_idx %arg15[%get3A_832], %broadcast_in_dim3A_122 {add = true} : memref<10000xf32, #tpu.memory_space<vmem>>[vector<16xi32>], vector<16xf32>,
      %get3A_833 = arith.constant 4 : i32
      %get3A_834 = arith.index_cast %get3A_833 : i32 to index
      %get3A_835 = arith.constant 109 : index
      %get3A_836 = tpu.vector_load %arg11[%get3A_834, %get3A_835] {strides = array<i32>} : memref<8x125xi32, #tpu.memory_space<vmem>>, vector<16xi32>,
      tpu.vector_store_idx %arg15[%get3A_836], %broadcast_in_dim3A_122 masked %ge3A_124 {add = true} : memref<10000xf32, #tpu.memory_space<vmem>>[vector<16xi32>], vector<16xf32>, vector<16xi1>
      %ge3A_837 = arith.constant 1 : i32
      %ge3A_838 = arith.cmpi sge, %add3A_790, %ge3A_837 : i32
      %convert_element_type3A_839 = arith.extui %ge3A_838 : i1 to i32
      %cond3A_840 = arith.constant 0 : i32
      %cond3A_841 = arith.cmpi ne, %convert_element_type3A_839, %cond3A_840 : i32
      scf.if %cond3A_841 {
        %dma_wait3A_1535 = arith.constant 5 : i32
        %dma_wait3A_1536 = arith.constant 0 : i32
        %dma_wait3A_1537 = tpu.memref_slice %arg11[%dma_wait3A_1535, %dma_wait3A_1536] : memref<8x125xi32, #tpu.memory_space<vmem>> -> memref<1x125xi32, #tpu.memory_space<vmem>>
        %dma_wait3A_1538 = tpu.memref_squeeze %dma_wait3A_1537 : memref<1x125xi32, #tpu.memory_space<vmem>> -> memref<125xi32, #tpu.memory_space<vmem>>
        %dma_wait3A_1539 = arith.constant 0 : i32
        %dma_wait3A_1540 = arith.constant 0 : i32
        %dma_wait3A_1541 = tpu.memref_slice %arg16[%dma_wait3A_1539, %dma_wait3A_1540] : memref<10000x128xf32, #tpu.memory_space<vmem_shared>> -> memref<10000x128xf32, #tpu.memory_space<vmem_shared>>
        tpu.wait_indirect_dma semaphore(%arg22 : memref<!tpu.dma_semaphore, #tpu.memory_space<semaphore_mem>>) src(%arg14 : memref<125x128xf32, #tpu.memory_space<vmem>>) dst(%dma_wait3A_1541 : memref<10000x128xf32, #tpu.memory_space<vmem_shared>>)
      } else {
      }
      %dma_start3A_842 = arith.constant 5 : i32
      %dma_start3A_843 = arith.constant 0 : i32
      %dma_start3A_844 = tpu.memref_slice %arg9[%dma_start3A_842, %dma_start3A_843] : memref<8x125xi32, #tpu.memory_space<vmem>> -> memref<1x125xi32, #tpu.memory_space<vmem>>
      %dma_start3A_845 = tpu.memref_squeeze %dma_start3A_844 : memref<1x125xi32, #tpu.memory_space<vmem>> -> memref<125xi32, #tpu.memory_space<vmem>>
      %dma_start3A_846 = arith.constant 0 : i32
      %dma_start3A_847 = arith.constant 0 : i32
      %dma_start3A_848 = tpu.memref_slice %arg2[%dma_start3A_846, %dma_start3A_847] : memref<10000x128xf32, #tpu.memory_space<hbm>> -> memref<10000x128xf32, #tpu.memory_space<hbm>>
      tpu.enqueue_indirect_dma source(%dma_start3A_848 : memref<10000x128xf32, #tpu.memory_space<hbm>>) target(%arg14 : memref<125x128xf32, #tpu.memory_space<vmem>>) offsets(%dma_start3A_845 : memref<125xi32, #tpu.memory_space<vmem>>) semaphore(%arg20 : memref<!tpu.dma_semaphore, #tpu.memory_space<semaphore_mem>>)
      %mul3A_849 = arith.constant 8 : i32
      %mul3A_850 = arith.muli %add3A_533, %mul3A_849 : i32
      %add3A_851 = arith.constant 5 : i32
      %add3A_852 = arith.addi %mul3A_850, %add3A_851 : i32
      %dma_wait3A_853 = arith.constant 5 : i32
      %dma_wait3A_854 = arith.constant 0 : i32
      %dma_wait3A_855 = tpu.memref_slice %arg9[%dma_wait3A_853, %dma_wait3A_854] : memref<8x125xi32, #tpu.memory_space<vmem>> -> memref<1x125xi32, #tpu.memory_space<vmem>>
      %dma_wait3A_856 = tpu.memref_squeeze %dma_wait3A_855 : memref<1x125xi32, #tpu.memory_space<vmem>> -> memref<125xi32, #tpu.memory_space<vmem>>
      %dma_wait3A_857 = arith.constant 0 : i32
      %dma_wait3A_858 = arith.constant 0 : i32
      %dma_wait3A_859 = tpu.memref_slice %arg2[%dma_wait3A_857, %dma_wait3A_858] : memref<10000x128xf32, #tpu.memory_space<hbm>> -> memref<10000x128xf32, #tpu.memory_space<hbm>>
      tpu.wait_indirect_dma semaphore(%arg20 : memref<!tpu.dma_semaphore, #tpu.memory_space<semaphore_mem>>) src(%dma_wait3A_859 : memref<10000x128xf32, #tpu.memory_space<hbm>>) dst(%arg14 : memref<125x128xf32, #tpu.memory_space<vmem>>)
      %dma_start3A_860 = arith.constant 5 : i32
      %dma_start3A_861 = arith.constant 0 : i32
      %dma_start3A_862 = tpu.memref_slice %arg11[%dma_start3A_860, %dma_start3A_861] : memref<8x125xi32, #tpu.memory_space<vmem>> -> memref<1x125xi32, #tpu.memory_space<vmem>>
      %dma_start3A_863 = tpu.memref_squeeze %dma_start3A_862 : memref<1x125xi32, #tpu.memory_space<vmem>> -> memref<125xi32, #tpu.memory_space<vmem>>
      %dma_start3A_864 = arith.constant 0 : i32
      %dma_start3A_865 = arith.constant 0 : i32
      %dma_start3A_866 = tpu.memref_slice %arg16[%dma_start3A_864, %dma_start3A_865] : memref<10000x128xf32, #tpu.memory_space<vmem_shared>> -> memref<10000x128xf32, #tpu.memory_space<vmem_shared>>
      tpu.enqueue_indirect_dma source(%arg14 : memref<125x128xf32, #tpu.memory_space<vmem>>) target(%dma_start3A_866 : memref<10000x128xf32, #tpu.memory_space<vmem_shared>>) offsets(%dma_start3A_863 : memref<125xi32, #tpu.memory_space<vmem>>) semaphore(%arg22 : memref<!tpu.dma_semaphore, #tpu.memory_space<semaphore_mem>>) {add = true}
      %get3A_867 = arith.constant 5 : i32
      %get3A_868 = arith.index_cast %get3A_867 : i32 to index
      %get3A_869 = arith.constant 0 : index
      %get3A_870 = tpu.vector_load %arg11[%get3A_868, %get3A_869] {strides = array<i32>} : memref<8x125xi32, #tpu.memory_space<vmem>>, vector<16xi32>,
      tpu.vector_store_idx %arg15[%get3A_870], %broadcast_in_dim3A_122 {add = true} : memref<10000xf32, #tpu.memory_space<vmem>>[vector<16xi32>], vector<16xf32>,
      %get3A_871 = arith.constant 5 : i32
      %get3A_872 = arith.index_cast %get3A_871 : i32 to index
      %get3A_873 = arith.constant 16 : index
      %get3A_874 = tpu.vector_load %arg11[%get3A_872, %get3A_873] {strides = array<i32>} : memref<8x125xi32, #tpu.memory_space<vmem>>, vector<16xi32>,
      tpu.vector_store_idx %arg15[%get3A_874], %broadcast_in_dim3A_122 {add = true} : memref<10000xf32, #tpu.memory_space<vmem>>[vector<16xi32>], vector<16xf32>,
      %get3A_875 = arith.constant 5 : i32
      %get3A_876 = arith.index_cast %get3A_875 : i32 to index
      %get3A_877 = arith.constant 32 : index
      %get3A_878 = tpu.vector_load %arg11[%get3A_876, %get3A_877] {strides = array<i32>} : memref<8x125xi32, #tpu.memory_space<vmem>>, vector<16xi32>,
      tpu.vector_store_idx %arg15[%get3A_878], %broadcast_in_dim3A_122 {add = true} : memref<10000xf32, #tpu.memory_space<vmem>>[vector<16xi32>], vector<16xf32>,
      %get3A_879 = arith.constant 5 : i32
      %get3A_880 = arith.index_cast %get3A_879 : i32 to index
      %get3A_881 = arith.constant 48 : index
      %get3A_882 = tpu.vector_load %arg11[%get3A_880, %get3A_881] {strides = array<i32>} : memref<8x125xi32, #tpu.memory_space<vmem>>, vector<16xi32>,
      tpu.vector_store_idx %arg15[%get3A_882], %broadcast_in_dim3A_122 {add = true} : memref<10000xf32, #tpu.memory_space<vmem>>[vector<16xi32>], vector<16xf32>,
      %get3A_883 = arith.constant 5 : i32
      %get3A_884 = arith.index_cast %get3A_883 : i32 to index
      %get3A_885 = arith.constant 64 : index
      %get3A_886 = tpu.vector_load %arg11[%get3A_884, %get3A_885] {strides = array<i32>} : memref<8x125xi32, #tpu.memory_space<vmem>>, vector<16xi32>,
      tpu.vector_store_idx %arg15[%get3A_886], %broadcast_in_dim3A_122 {add = true} : memref<10000xf32, #tpu.memory_space<vmem>>[vector<16xi32>], vector<16xf32>,
      %get3A_887 = arith.constant 5 : i32
      %get3A_888 = arith.index_cast %get3A_887 : i32 to index
      %get3A_889 = arith.constant 80 : index
      %get3A_890 = tpu.vector_load %arg11[%get3A_888, %get3A_889] {strides = array<i32>} : memref<8x125xi32, #tpu.memory_space<vmem>>, vector<16xi32>,
      tpu.vector_store_idx %arg15[%get3A_890], %broadcast_in_dim3A_122 {add = true} : memref<10000xf32, #tpu.memory_space<vmem>>[vector<16xi32>], vector<16xf32>,
      %get3A_891 = arith.constant 5 : i32
      %get3A_892 = arith.index_cast %get3A_891 : i32 to index
      %get3A_893 = arith.constant 96 : index
      %get3A_894 = tpu.vector_load %arg11[%get3A_892, %get3A_893] {strides = array<i32>} : memref<8x125xi32, #tpu.memory_space<vmem>>, vector<16xi32>,
      tpu.vector_store_idx %arg15[%get3A_894], %broadcast_in_dim3A_122 {add = true} : memref<10000xf32, #tpu.memory_space<vmem>>[vector<16xi32>], vector<16xf32>,
      %get3A_895 = arith.constant 5 : i32
      %get3A_896 = arith.index_cast %get3A_895 : i32 to index
      %get3A_897 = arith.constant 109 : index
      %get3A_898 = tpu.vector_load %arg11[%get3A_896, %get3A_897] {strides = array<i32>} : memref<8x125xi32, #tpu.memory_space<vmem>>, vector<16xi32>,
      tpu.vector_store_idx %arg15[%get3A_898], %broadcast_in_dim3A_122 masked %ge3A_124 {add = true} : memref<10000xf32, #tpu.memory_space<vmem>>[vector<16xi32>], vector<16xf32>, vector<16xi1>
      %ge3A_899 = arith.constant 1 : i32
      %ge3A_900 = arith.cmpi sge, %add3A_852, %ge3A_899 : i32
      %convert_element_type3A_901 = arith.extui %ge3A_900 : i1 to i32
      %cond3A_902 = arith.constant 0 : i32
      %cond3A_903 = arith.cmpi ne, %convert_element_type3A_901, %cond3A_902 : i32
      scf.if %cond3A_903 {
        %dma_wait3A_1535 = arith.constant 6 : i32
        %dma_wait3A_1536 = arith.constant 0 : i32
        %dma_wait3A_1537 = tpu.memref_slice %arg11[%dma_wait3A_1535, %dma_wait3A_1536] : memref<8x125xi32, #tpu.memory_space<vmem>> -> memref<1x125xi32, #tpu.memory_space<vmem>>
        %dma_wait3A_1538 = tpu.memref_squeeze %dma_wait3A_1537 : memref<1x125xi32, #tpu.memory_space<vmem>> -> memref<125xi32, #tpu.memory_space<vmem>>
        %dma_wait3A_1539 = arith.constant 0 : i32
        %dma_wait3A_1540 = arith.constant 0 : i32
        %dma_wait3A_1541 = tpu.memref_slice %arg16[%dma_wait3A_1539, %dma_wait3A_1540] : memref<10000x128xf32, #tpu.memory_space<vmem_shared>> -> memref<10000x128xf32, #tpu.memory_space<vmem_shared>>
        tpu.wait_indirect_dma semaphore(%arg21 : memref<!tpu.dma_semaphore, #tpu.memory_space<semaphore_mem>>) src(%arg13 : memref<125x128xf32, #tpu.memory_space<vmem>>) dst(%dma_wait3A_1541 : memref<10000x128xf32, #tpu.memory_space<vmem_shared>>)
      } else {
      }
      %dma_start3A_904 = arith.constant 6 : i32
      %dma_start3A_905 = arith.constant 0 : i32
      %dma_start3A_906 = tpu.memref_slice %arg9[%dma_start3A_904, %dma_start3A_905] : memref<8x125xi32, #tpu.memory_space<vmem>> -> memref<1x125xi32, #tpu.memory_space<vmem>>
      %dma_start3A_907 = tpu.memref_squeeze %dma_start3A_906 : memref<1x125xi32, #tpu.memory_space<vmem>> -> memref<125xi32, #tpu.memory_space<vmem>>
      %dma_start3A_908 = arith.constant 0 : i32
      %dma_start3A_909 = arith.constant 0 : i32
      %dma_start3A_910 = tpu.memref_slice %arg2[%dma_start3A_908, %dma_start3A_909] : memref<10000x128xf32, #tpu.memory_space<hbm>> -> memref<10000x128xf32, #tpu.memory_space<hbm>>
      tpu.enqueue_indirect_dma source(%dma_start3A_910 : memref<10000x128xf32, #tpu.memory_space<hbm>>) target(%arg13 : memref<125x128xf32, #tpu.memory_space<vmem>>) offsets(%dma_start3A_907 : memref<125xi32, #tpu.memory_space<vmem>>) semaphore(%arg19 : memref<!tpu.dma_semaphore, #tpu.memory_space<semaphore_mem>>)
      %mul3A_911 = arith.constant 8 : i32
      %mul3A_912 = arith.muli %add3A_533, %mul3A_911 : i32
      %add3A_913 = arith.constant 6 : i32
      %add3A_914 = arith.addi %mul3A_912, %add3A_913 : i32
      %dma_wait3A_915 = arith.constant 6 : i32
      %dma_wait3A_916 = arith.constant 0 : i32
      %dma_wait3A_917 = tpu.memref_slice %arg9[%dma_wait3A_915, %dma_wait3A_916] : memref<8x125xi32, #tpu.memory_space<vmem>> -> memref<1x125xi32, #tpu.memory_space<vmem>>
      %dma_wait3A_918 = tpu.memref_squeeze %dma_wait3A_917 : memref<1x125xi32, #tpu.memory_space<vmem>> -> memref<125xi32, #tpu.memory_space<vmem>>
      %dma_wait3A_919 = arith.constant 0 : i32
      %dma_wait3A_920 = arith.constant 0 : i32
      %dma_wait3A_921 = tpu.memref_slice %arg2[%dma_wait3A_919, %dma_wait3A_920] : memref<10000x128xf32, #tpu.memory_space<hbm>> -> memref<10000x128xf32, #tpu.memory_space<hbm>>
      tpu.wait_indirect_dma semaphore(%arg19 : memref<!tpu.dma_semaphore, #tpu.memory_space<semaphore_mem>>) src(%dma_wait3A_921 : memref<10000x128xf32, #tpu.memory_space<hbm>>) dst(%arg13 : memref<125x128xf32, #tpu.memory_space<vmem>>)
      %dma_start3A_922 = arith.constant 6 : i32
      %dma_start3A_923 = arith.constant 0 : i32
      %dma_start3A_924 = tpu.memref_slice %arg11[%dma_start3A_922, %dma_start3A_923] : memref<8x125xi32, #tpu.memory_space<vmem>> -> memref<1x125xi32, #tpu.memory_space<vmem>>
      %dma_start3A_925 = tpu.memref_squeeze %dma_start3A_924 : memref<1x125xi32, #tpu.memory_space<vmem>> -> memref<125xi32, #tpu.memory_space<vmem>>
      %dma_start3A_926 = arith.constant 0 : i32
      %dma_start3A_927 = arith.constant 0 : i32
      %dma_start3A_928 = tpu.memref_slice %arg16[%dma_start3A_926, %dma_start3A_927] : memref<10000x128xf32, #tpu.memory_space<vmem_shared>> -> memref<10000x128xf32, #tpu.memory_space<vmem_shared>>
      tpu.enqueue_indirect_dma source(%arg13 : memref<125x128xf32, #tpu.memory_space<vmem>>) target(%dma_start3A_928 : memref<10000x128xf32, #tpu.memory_space<vmem_shared>>) offsets(%dma_start3A_925 : memref<125xi32, #tpu.memory_space<vmem>>) semaphore(%arg21 : memref<!tpu.dma_semaphore, #tpu.memory_space<semaphore_mem>>) {add = true}
      %get3A_929 = arith.constant 6 : i32
      %get3A_930 = arith.index_cast %get3A_929 : i32 to index
      %get3A_931 = arith.constant 0 : index
      %get3A_932 = tpu.vector_load %arg11[%get3A_930, %get3A_931] {strides = array<i32>} : memref<8x125xi32, #tpu.memory_space<vmem>>, vector<16xi32>,
      tpu.vector_store_idx %arg15[%get3A_932], %broadcast_in_dim3A_122 {add = true} : memref<10000xf32, #tpu.memory_space<vmem>>[vector<16xi32>], vector<16xf32>,
      %get3A_933 = arith.constant 6 : i32
      %get3A_934 = arith.index_cast %get3A_933 : i32 to index
      %get3A_935 = arith.constant 16 : index
      %get3A_936 = tpu.vector_load %arg11[%get3A_934, %get3A_935] {strides = array<i32>} : memref<8x125xi32, #tpu.memory_space<vmem>>, vector<16xi32>,
      tpu.vector_store_idx %arg15[%get3A_936], %broadcast_in_dim3A_122 {add = true} : memref<10000xf32, #tpu.memory_space<vmem>>[vector<16xi32>], vector<16xf32>,
      %get3A_937 = arith.constant 6 : i32
      %get3A_938 = arith.index_cast %get3A_937 : i32 to index
      %get3A_939 = arith.constant 32 : index
      %get3A_940 = tpu.vector_load %arg11[%get3A_938, %get3A_939] {strides = array<i32>} : memref<8x125xi32, #tpu.memory_space<vmem>>, vector<16xi32>,
      tpu.vector_store_idx %arg15[%get3A_940], %broadcast_in_dim3A_122 {add = true} : memref<10000xf32, #tpu.memory_space<vmem>>[vector<16xi32>], vector<16xf32>,
      %get3A_941 = arith.constant 6 : i32
      %get3A_942 = arith.index_cast %get3A_941 : i32 to index
      %get3A_943 = arith.constant 48 : index
      %get3A_944 = tpu.vector_load %arg11[%get3A_942, %get3A_943] {strides = array<i32>} : memref<8x125xi32, #tpu.memory_space<vmem>>, vector<16xi32>,
      tpu.vector_store_idx %arg15[%get3A_944], %broadcast_in_dim3A_122 {add = true} : memref<10000xf32, #tpu.memory_space<vmem>>[vector<16xi32>], vector<16xf32>,
      %get3A_945 = arith.constant 6 : i32
      %get3A_946 = arith.index_cast %get3A_945 : i32 to index
      %get3A_947 = arith.constant 64 : index
      %get3A_948 = tpu.vector_load %arg11[%get3A_946, %get3A_947] {strides = array<i32>} : memref<8x125xi32, #tpu.memory_space<vmem>>, vector<16xi32>,
      tpu.vector_store_idx %arg15[%get3A_948], %broadcast_in_dim3A_122 {add = true} : memref<10000xf32, #tpu.memory_space<vmem>>[vector<16xi32>], vector<16xf32>,
      %get3A_949 = arith.constant 6 : i32
      %get3A_950 = arith.index_cast %get3A_949 : i32 to index
      %get3A_951 = arith.constant 80 : index
      %get3A_952 = tpu.vector_load %arg11[%get3A_950, %get3A_951] {strides = array<i32>} : memref<8x125xi32, #tpu.memory_space<vmem>>, vector<16xi32>,
      tpu.vector_store_idx %arg15[%get3A_952], %broadcast_in_dim3A_122 {add = true} : memref<10000xf32, #tpu.memory_space<vmem>>[vector<16xi32>], vector<16xf32>,
      %get3A_953 = arith.constant 6 : i32
      %get3A_954 = arith.index_cast %get3A_953 : i32 to index
      %get3A_955 = arith.constant 96 : index
      %get3A_956 = tpu.vector_load %arg11[%get3A_954, %get3A_955] {strides = array<i32>} : memref<8x125xi32, #tpu.memory_space<vmem>>, vector<16xi32>,
      tpu.vector_store_idx %arg15[%get3A_956], %broadcast_in_dim3A_122 {add = true} : memref<10000xf32, #tpu.memory_space<vmem>>[vector<16xi32>], vector<16xf32>,
      %get3A_957 = arith.constant 6 : i32
      %get3A_958 = arith.index_cast %get3A_957 : i32 to index
      %get3A_959 = arith.constant 109 : index
      %get3A_960 = tpu.vector_load %arg11[%get3A_958, %get3A_959] {strides = array<i32>} : memref<8x125xi32, #tpu.memory_space<vmem>>, vector<16xi32>,
      tpu.vector_store_idx %arg15[%get3A_960], %broadcast_in_dim3A_122 masked %ge3A_124 {add = true} : memref<10000xf32, #tpu.memory_space<vmem>>[vector<16xi32>], vector<16xf32>, vector<16xi1>
      %ge3A_961 = arith.constant 1 : i32
      %ge3A_962 = arith.cmpi sge, %add3A_914, %ge3A_961 : i32
      %convert_element_type3A_963 = arith.extui %ge3A_962 : i1 to i32
      %cond3A_964 = arith.constant 0 : i32
      %cond3A_965 = arith.cmpi ne, %convert_element_type3A_963, %cond3A_964 : i32
      scf.if %cond3A_965 {
        %dma_wait3A_1535 = arith.constant 7 : i32
        %dma_wait3A_1536 = arith.constant 0 : i32
        %dma_wait3A_1537 = tpu.memref_slice %arg11[%dma_wait3A_1535, %dma_wait3A_1536] : memref<8x125xi32, #tpu.memory_space<vmem>> -> memref<1x125xi32, #tpu.memory_space<vmem>>
        %dma_wait3A_1538 = tpu.memref_squeeze %dma_wait3A_1537 : memref<1x125xi32, #tpu.memory_space<vmem>> -> memref<125xi32, #tpu.memory_space<vmem>>
        %dma_wait3A_1539 = arith.constant 0 : i32
        %dma_wait3A_1540 = arith.constant 0 : i32
        %dma_wait3A_1541 = tpu.memref_slice %arg16[%dma_wait3A_1539, %dma_wait3A_1540] : memref<10000x128xf32, #tpu.memory_space<vmem_shared>> -> memref<10000x128xf32, #tpu.memory_space<vmem_shared>>
        tpu.wait_indirect_dma semaphore(%arg22 : memref<!tpu.dma_semaphore, #tpu.memory_space<semaphore_mem>>) src(%arg14 : memref<125x128xf32, #tpu.memory_space<vmem>>) dst(%dma_wait3A_1541 : memref<10000x128xf32, #tpu.memory_space<vmem_shared>>)
      } else {
      }
      %dma_start3A_966 = arith.constant 7 : i32
      %dma_start3A_967 = arith.constant 0 : i32
      %dma_start3A_968 = tpu.memref_slice %arg9[%dma_start3A_966, %dma_start3A_967] : memref<8x125xi32, #tpu.memory_space<vmem>> -> memref<1x125xi32, #tpu.memory_space<vmem>>
      %dma_start3A_969 = tpu.memref_squeeze %dma_start3A_968 : memref<1x125xi32, #tpu.memory_space<vmem>> -> memref<125xi32, #tpu.memory_space<vmem>>
      %dma_start3A_970 = arith.constant 0 : i32
      %dma_start3A_971 = arith.constant 0 : i32
      %dma_start3A_972 = tpu.memref_slice %arg2[%dma_start3A_970, %dma_start3A_971] : memref<10000x128xf32, #tpu.memory_space<hbm>> -> memref<10000x128xf32, #tpu.memory_space<hbm>>
      tpu.enqueue_indirect_dma source(%dma_start3A_972 : memref<10000x128xf32, #tpu.memory_space<hbm>>) target(%arg14 : memref<125x128xf32, #tpu.memory_space<vmem>>) offsets(%dma_start3A_969 : memref<125xi32, #tpu.memory_space<vmem>>) semaphore(%arg20 : memref<!tpu.dma_semaphore, #tpu.memory_space<semaphore_mem>>)
      %mul3A_973 = arith.constant 8 : i32
      %mul3A_974 = arith.muli %add3A_533, %mul3A_973 : i32
      %add3A_975 = arith.constant 7 : i32
      %add3A_976 = arith.addi %mul3A_974, %add3A_975 : i32
      %dma_wait3A_977 = arith.constant 7 : i32
      %dma_wait3A_978 = arith.constant 0 : i32
      %dma_wait3A_979 = tpu.memref_slice %arg9[%dma_wait3A_977, %dma_wait3A_978] : memref<8x125xi32, #tpu.memory_space<vmem>> -> memref<1x125xi32, #tpu.memory_space<vmem>>
      %dma_wait3A_980 = tpu.memref_squeeze %dma_wait3A_979 : memref<1x125xi32, #tpu.memory_space<vmem>> -> memref<125xi32, #tpu.memory_space<vmem>>
      %dma_wait3A_981 = arith.constant 0 : i32
      %dma_wait3A_982 = arith.constant 0 : i32
      %dma_wait3A_983 = tpu.memref_slice %arg2[%dma_wait3A_981, %dma_wait3A_982] : memref<10000x128xf32, #tpu.memory_space<hbm>> -> memref<10000x128xf32, #tpu.memory_space<hbm>>
      tpu.wait_indirect_dma semaphore(%arg20 : memref<!tpu.dma_semaphore, #tpu.memory_space<semaphore_mem>>) src(%dma_wait3A_983 : memref<10000x128xf32, #tpu.memory_space<hbm>>) dst(%arg14 : memref<125x128xf32, #tpu.memory_space<vmem>>)
      %dma_start3A_984 = arith.constant 7 : i32
      %dma_start3A_985 = arith.constant 0 : i32
      %dma_start3A_986 = tpu.memref_slice %arg11[%dma_start3A_984, %dma_start3A_985] : memref<8x125xi32, #tpu.memory_space<vmem>> -> memref<1x125xi32, #tpu.memory_space<vmem>>
      %dma_start3A_987 = tpu.memref_squeeze %dma_start3A_986 : memref<1x125xi32, #tpu.memory_space<vmem>> -> memref<125xi32, #tpu.memory_space<vmem>>
      %dma_start3A_988 = arith.constant 0 : i32
      %dma_start3A_989 = arith.constant 0 : i32
      %dma_start3A_990 = tpu.memref_slice %arg16[%dma_start3A_988, %dma_start3A_989] : memref<10000x128xf32, #tpu.memory_space<vmem_shared>> -> memref<10000x128xf32, #tpu.memory_space<vmem_shared>>
      tpu.enqueue_indirect_dma source(%arg14 : memref<125x128xf32, #tpu.memory_space<vmem>>) target(%dma_start3A_990 : memref<10000x128xf32, #tpu.memory_space<vmem_shared>>) offsets(%dma_start3A_987 : memref<125xi32, #tpu.memory_space<vmem>>) semaphore(%arg22 : memref<!tpu.dma_semaphore, #tpu.memory_space<semaphore_mem>>) {add = true}
      %get3A_991 = arith.constant 7 : i32
      %get3A_992 = arith.index_cast %get3A_991 : i32 to index
      %get3A_993 = arith.constant 0 : index
      %get3A_994 = tpu.vector_load %arg11[%get3A_992, %get3A_993] {strides = array<i32>} : memref<8x125xi32, #tpu.memory_space<vmem>>, vector<16xi32>,
      tpu.vector_store_idx %arg15[%get3A_994], %broadcast_in_dim3A_122 {add = true} : memref<10000xf32, #tpu.memory_space<vmem>>[vector<16xi32>], vector<16xf32>,
      %get3A_995 = arith.constant 7 : i32
      %get3A_996 = arith.index_cast %get3A_995 : i32 to index
      %get3A_997 = arith.constant 16 : index
      %get3A_998 = tpu.vector_load %arg11[%get3A_996, %get3A_997] {strides = array<i32>} : memref<8x125xi32, #tpu.memory_space<vmem>>, vector<16xi32>,
      tpu.vector_store_idx %arg15[%get3A_998], %broadcast_in_dim3A_122 {add = true} : memref<10000xf32, #tpu.memory_space<vmem>>[vector<16xi32>], vector<16xf32>,
      %get3A_999 = arith.constant 7 : i32
      %get3A_1000 = arith.index_cast %get3A_999 : i32 to index
      %get3A_1001 = arith.constant 32 : index
      %get3A_1002 = tpu.vector_load %arg11[%get3A_1000, %get3A_1001] {strides = array<i32>} : memref<8x125xi32, #tpu.memory_space<vmem>>, vector<16xi32>,
      tpu.vector_store_idx %arg15[%get3A_1002], %broadcast_in_dim3A_122 {add = true} : memref<10000xf32, #tpu.memory_space<vmem>>[vector<16xi32>], vector<16xf32>,
      %get3A_1003 = arith.constant 7 : i32
      %get3A_1004 = arith.index_cast %get3A_1003 : i32 to index
      %get3A_1005 = arith.constant 48 : index
      %get3A_1006 = tpu.vector_load %arg11[%get3A_1004, %get3A_1005] {strides = array<i32>} : memref<8x125xi32, #tpu.memory_space<vmem>>, vector<16xi32>,
      tpu.vector_store_idx %arg15[%get3A_1006], %broadcast_in_dim3A_122 {add = true} : memref<10000xf32, #tpu.memory_space<vmem>>[vector<16xi32>], vector<16xf32>,
      %get3A_1007 = arith.constant 7 : i32
      %get3A_1008 = arith.index_cast %get3A_1007 : i32 to index
      %get3A_1009 = arith.constant 64 : index
      %get3A_1010 = tpu.vector_load %arg11[%get3A_1008, %get3A_1009] {strides = array<i32>} : memref<8x125xi32, #tpu.memory_space<vmem>>, vector<16xi32>,
      tpu.vector_store_idx %arg15[%get3A_1010], %broadcast_in_dim3A_122 {add = true} : memref<10000xf32, #tpu.memory_space<vmem>>[vector<16xi32>], vector<16xf32>,
      %get3A_1011 = arith.constant 7 : i32
      %get3A_1012 = arith.index_cast %get3A_1011 : i32 to index
      %get3A_1013 = arith.constant 80 : index
      %get3A_1014 = tpu.vector_load %arg11[%get3A_1012, %get3A_1013] {strides = array<i32>} : memref<8x125xi32, #tpu.memory_space<vmem>>, vector<16xi32>,
      tpu.vector_store_idx %arg15[%get3A_1014], %broadcast_in_dim3A_122 {add = true} : memref<10000xf32, #tpu.memory_space<vmem>>[vector<16xi32>], vector<16xf32>,
      %get3A_1015 = arith.constant 7 : i32
      %get3A_1016 = arith.index_cast %get3A_1015 : i32 to index
      %get3A_1017 = arith.constant 96 : index
      %get3A_1018 = tpu.vector_load %arg11[%get3A_1016, %get3A_1017] {strides = array<i32>} : memref<8x125xi32, #tpu.memory_space<vmem>>, vector<16xi32>,
      tpu.vector_store_idx %arg15[%get3A_1018], %broadcast_in_dim3A_122 {add = true} : memref<10000xf32, #tpu.memory_space<vmem>>[vector<16xi32>], vector<16xf32>,
      %get3A_1019 = arith.constant 7 : i32
      %get3A_1020 = arith.index_cast %get3A_1019 : i32 to index
      %get3A_1021 = arith.constant 109 : index
      %get3A_1022 = tpu.vector_load %arg11[%get3A_1020, %get3A_1021] {strides = array<i32>} : memref<8x125xi32, #tpu.memory_space<vmem>>, vector<16xi32>,
      tpu.vector_store_idx %arg15[%get3A_1022], %broadcast_in_dim3A_122 masked %ge3A_124 {add = true} : memref<10000xf32, #tpu.memory_space<vmem>>[vector<16xi32>], vector<16xf32>, vector<16xi1>
      %add3A_1023 = arith.constant 1 : i32
      %add3A_1024 = arith.addi %add3A_976, %add3A_1023 : i32
      %lt3A_1025 = arith.constant 80 : i32
      %lt3A_1026 = arith.cmpi slt, %add3A_1024, %lt3A_1025 : i32
      %convert_element_type3A_1027 = arith.extui %lt3A_1026 : i1 to i32
      %cond3A_1028 = arith.constant 0 : i32
      %cond3A_1029 = arith.cmpi ne, %convert_element_type3A_1027, %cond3A_1028 : i32
      scf.if %cond3A_1029 {
        %dma_wait3A_1535 = arith.constant 7 : i32
        %dma_wait3A_1536 = arith.constant 0 : i32
        %dma_wait3A_1537 = tpu.memref_slice %arg11[%dma_wait3A_1535, %dma_wait3A_1536] : memref<8x125xi32, #tpu.memory_space<vmem>> -> memref<1x125xi32, #tpu.memory_space<vmem>>
        %dma_wait3A_1538 = tpu.memref_squeeze %dma_wait3A_1537 : memref<1x125xi32, #tpu.memory_space<vmem>> -> memref<125xi32, #tpu.memory_space<vmem>>
        %dma_wait3A_1539 = arith.constant 0 : i32
        %dma_wait3A_1540 = arith.constant 0 : i32
        %dma_wait3A_1541 = tpu.memref_slice %arg16[%dma_wait3A_1539, %dma_wait3A_1540] : memref<10000x128xf32, #tpu.memory_space<vmem_shared>> -> memref<10000x128xf32, #tpu.memory_space<vmem_shared>>
        tpu.wait_indirect_dma semaphore(%arg21 : memref<!tpu.dma_semaphore, #tpu.memory_space<semaphore_mem>>) src(%arg13 : memref<125x128xf32, #tpu.memory_space<vmem>>) dst(%dma_wait3A_1541 : memref<10000x128xf32, #tpu.memory_space<vmem_shared>>)
        %add3A_1542 = arith.constant 1 : i32
        %add3A_1543 = arith.addi %add3A_533, %add3A_1542 : i32
        %dma_wait3A_1544 = arith.constant 0 : i32
        %dma_wait3A_1545 = arith.constant 0 : i32
        %dma_wait3A_1546 = arith.constant 0 : i32
        %dma_wait3A_1547 = tpu.memref_slice %arg3[%add3A, %dma_wait3A_1544, %dma_wait3A_1545, %dma_wait3A_1546] : memref<32x10x8x125xi32, #tpu.memory_space<hbm>> -> memref<1x10x8x125xi32, #tpu.memory_space<hbm>>
        %dma_wait3A_1548 = tpu.memref_squeeze %dma_wait3A_1547 : memref<1x10x8x125xi32, #tpu.memory_space<hbm>> -> memref<10x8x125xi32, #tpu.memory_space<hbm>>
        %dma_wait3A_1549 = arith.constant 0 : i32
        %dma_wait3A_1550 = arith.constant 0 : i32
        %dma_wait3A_1551 = tpu.memref_slice %dma_wait3A_1548[%add3A_1543, %dma_wait3A_1549, %dma_wait3A_1550] : memref<10x8x125xi32, #tpu.memory_space<hbm>> -> memref<1x8x125xi32, #tpu.memory_space<hbm>>
        %dma_wait3A_1552 = tpu.memref_squeeze %dma_wait3A_1551 : memref<1x8x125xi32, #tpu.memory_space<hbm>> -> memref<8x125xi32, #tpu.memory_space<hbm>>
        %dma_wait3A_1553 = arith.constant 0 : i32
        %dma_wait3A_1554 = arith.constant 0 : i32
        %dma_wait3A_1555 = arith.constant 0 : i32
        %dma_wait3A_1556 = tpu.memref_slice %arg3[%add3A, %dma_wait3A_1553, %dma_wait3A_1554, %dma_wait3A_1555] : memref<32x10x8x125xi32, #tpu.memory_space<hbm>> -> memref<1x10x8x125xi32, #tpu.memory_space<hbm>>
        %dma_wait3A_1557 = tpu.memref_squeeze %dma_wait3A_1556 : memref<1x10x8x125xi32, #tpu.memory_space<hbm>> -> memref<10x8x125xi32, #tpu.memory_space<hbm>>
        %dma_wait3A_1558 = arith.constant 0 : i32
        %dma_wait3A_1559 = arith.constant 0 : i32
        %dma_wait3A_1560 = tpu.memref_slice %dma_wait3A_1557[%add3A_1543, %dma_wait3A_1558, %dma_wait3A_1559] : memref<10x8x125xi32, #tpu.memory_space<hbm>> -> memref<1x8x125xi32, #tpu.memory_space<hbm>>
        %dma_wait3A_1561 = tpu.memref_squeeze %dma_wait3A_1560 : memref<1x8x125xi32, #tpu.memory_space<hbm>> -> memref<8x125xi32, #tpu.memory_space<hbm>>
        tpu.wait_dma2 semaphore(%arg18 : memref<!tpu.dma_semaphore, #tpu.memory_space<semaphore_mem>>) src(%dma_wait3A_1561 : memref<8x125xi32, #tpu.memory_space<hbm>>) dst(%arg10 : memref<8x125xi32, #tpu.memory_space<vmem>>)
        %dma_wait3A_1562 = arith.constant 0 : i32
        %dma_wait3A_1563 = arith.constant 0 : i32
        %dma_wait3A_1564 = arith.constant 0 : i32
        %dma_wait3A_1565 = tpu.memref_slice %arg4[%add3A, %dma_wait3A_1562, %dma_wait3A_1563, %dma_wait3A_1564] : memref<32x10x8x125xi32, #tpu.memory_space<hbm>> -> memref<1x10x8x125xi32, #tpu.memory_space<hbm>>
        %dma_wait3A_1566 = tpu.memref_squeeze %dma_wait3A_1565 : memref<1x10x8x125xi32, #tpu.memory_space<hbm>> -> memref<10x8x125xi32, #tpu.memory_space<hbm>>
        %dma_wait3A_1567 = arith.constant 0 : i32
        %dma_wait3A_1568 = arith.constant 0 : i32
        %dma_wait3A_1569 = tpu.memref_slice %dma_wait3A_1566[%add3A_1543, %dma_wait3A_1567, %dma_wait3A_1568] : memref<10x8x125xi32, #tpu.memory_space<hbm>> -> memref<1x8x125xi32, #tpu.memory_space<hbm>>
        %dma_wait3A_1570 = tpu.memref_squeeze %dma_wait3A_1569 : memref<1x8x125xi32, #tpu.memory_space<hbm>> -> memref<8x125xi32, #tpu.memory_space<hbm>>
        %dma_wait3A_1571 = arith.constant 0 : i32
        %dma_wait3A_1572 = arith.constant 0 : i32
        %dma_wait3A_1573 = arith.constant 0 : i32
        %dma_wait3A_1574 = tpu.memref_slice %arg4[%add3A, %dma_wait3A_1571, %dma_wait3A_1572, %dma_wait3A_1573] : memref<32x10x8x125xi32, #tpu.memory_space<hbm>> -> memref<1x10x8x125xi32, #tpu.memory_space<hbm>>
        %dma_wait3A_1575 = tpu.memref_squeeze %dma_wait3A_1574 : memref<1x10x8x125xi32, #tpu.memory_space<hbm>> -> memref<10x8x125xi32, #tpu.memory_space<hbm>>
        %dma_wait3A_1576 = arith.constant 0 : i32
        %dma_wait3A_1577 = arith.constant 0 : i32
        %dma_wait3A_1578 = tpu.memref_slice %dma_wait3A_1575[%add3A_1543, %dma_wait3A_1576, %dma_wait3A_1577] : memref<10x8x125xi32, #tpu.memory_space<hbm>> -> memref<1x8x125xi32, #tpu.memory_space<hbm>>
        %dma_wait3A_1579 = tpu.memref_squeeze %dma_wait3A_1578 : memref<1x8x125xi32, #tpu.memory_space<hbm>> -> memref<8x125xi32, #tpu.memory_space<hbm>>
        tpu.wait_dma2 semaphore(%arg18 : memref<!tpu.dma_semaphore, #tpu.memory_space<semaphore_mem>>) src(%dma_wait3A_1579 : memref<8x125xi32, #tpu.memory_space<hbm>>) dst(%arg12 : memref<8x125xi32, #tpu.memory_space<vmem>>)
        %dma_start3A_1580 = arith.constant 0 : i32
        %dma_start3A_1581 = arith.constant 0 : i32
        %dma_start3A_1582 = tpu.memref_slice %arg10[%dma_start3A_1580, %dma_start3A_1581] : memref<8x125xi32, #tpu.memory_space<vmem>> -> memref<1x125xi32, #tpu.memory_space<vmem>>
        %dma_start3A_1583 = tpu.memref_squeeze %dma_start3A_1582 : memref<1x125xi32, #tpu.memory_space<vmem>> -> memref<125xi32, #tpu.memory_space<vmem>>
        %dma_start3A_1584 = arith.constant 0 : i32
        %dma_start3A_1585 = arith.constant 0 : i32
        %dma_start3A_1586 = tpu.memref_slice %arg2[%dma_start3A_1584, %dma_start3A_1585] : memref<10000x128xf32, #tpu.memory_space<hbm>> -> memref<10000x128xf32, #tpu.memory_space<hbm>>
        tpu.enqueue_indirect_dma source(%dma_start3A_1586 : memref<10000x128xf32, #tpu.memory_space<hbm>>) target(%arg13 : memref<125x128xf32, #tpu.memory_space<vmem>>) offsets(%dma_start3A_1583 : memref<125xi32, #tpu.memory_space<vmem>>) semaphore(%arg19 : memref<!tpu.dma_semaphore, #tpu.memory_space<semaphore_mem>>)
      } else {
      }
      %mul3A_1030 = arith.constant 2 : i32
      %mul3A_1031 = arith.muli %mul3A_1030, %scan3A_529 : i32
      %add3A_1032 = arith.constant 1 : i32
      %add3A_1033 = arith.addi %mul3A_1031, %add3A_1032 : i32
      %mul3A_1034 = arith.constant 8 : i32
      %mul3A_1035 = arith.muli %add3A_1033, %mul3A_1034 : i32
      %add3A_1036 = arith.constant 0 : i32
      %add3A_1037 = arith.addi %mul3A_1035, %add3A_1036 : i32
      %dma_wait3A_1038 = arith.constant 0 : i32
      %dma_wait3A_1039 = arith.constant 0 : i32
      %dma_wait3A_1040 = tpu.memref_slice %arg10[%dma_wait3A_1038, %dma_wait3A_1039] : memref<8x125xi32, #tpu.memory_space<vmem>> -> memref<1x125xi32, #tpu.memory_space<vmem>>
      %dma_wait3A_1041 = tpu.memref_squeeze %dma_wait3A_1040 : memref<1x125xi32, #tpu.memory_space<vmem>> -> memref<125xi32, #tpu.memory_space<vmem>>
      %dma_wait3A_1042 = arith.constant 0 : i32
      %dma_wait3A_1043 = arith.constant 0 : i32
      %dma_wait3A_1044 = tpu.memref_slice %arg2[%dma_wait3A_1042, %dma_wait3A_1043] : memref<10000x128xf32, #tpu.memory_space<hbm>> -> memref<10000x128xf32, #tpu.memory_space<hbm>>
      tpu.wait_indirect_dma semaphore(%arg19 : memref<!tpu.dma_semaphore, #tpu.memory_space<semaphore_mem>>) src(%dma_wait3A_1044 : memref<10000x128xf32, #tpu.memory_space<hbm>>) dst(%arg13 : memref<125x128xf32, #tpu.memory_space<vmem>>)
      %dma_start3A_1045 = arith.constant 0 : i32
      %dma_start3A_1046 = arith.constant 0 : i32
      %dma_start3A_1047 = tpu.memref_slice %arg12[%dma_start3A_1045, %dma_start3A_1046] : memref<8x125xi32, #tpu.memory_space<vmem>> -> memref<1x125xi32, #tpu.memory_space<vmem>>
      %dma_start3A_1048 = tpu.memref_squeeze %dma_start3A_1047 : memref<1x125xi32, #tpu.memory_space<vmem>> -> memref<125xi32, #tpu.memory_space<vmem>>
      %dma_start3A_1049 = arith.constant 0 : i32
      %dma_start3A_1050 = arith.constant 0 : i32
      %dma_start3A_1051 = tpu.memref_slice %arg16[%dma_start3A_1049, %dma_start3A_1050] : memref<10000x128xf32, #tpu.memory_space<vmem_shared>> -> memref<10000x128xf32, #tpu.memory_space<vmem_shared>>
      tpu.enqueue_indirect_dma source(%arg13 : memref<125x128xf32, #tpu.memory_space<vmem>>) target(%dma_start3A_1051 : memref<10000x128xf32, #tpu.memory_space<vmem_shared>>) offsets(%dma_start3A_1048 : memref<125xi32, #tpu.memory_space<vmem>>) semaphore(%arg21 : memref<!tpu.dma_semaphore, #tpu.memory_space<semaphore_mem>>) {add = true}
      %get3A_1052 = arith.constant 0 : i32
      %get3A_1053 = arith.index_cast %get3A_1052 : i32 to index
      %get3A_1054 = arith.constant 0 : index
      %get3A_1055 = tpu.vector_load %arg12[%get3A_1053, %get3A_1054] {strides = array<i32>} : memref<8x125xi32, #tpu.memory_space<vmem>>, vector<16xi32>,
      tpu.vector_store_idx %arg15[%get3A_1055], %broadcast_in_dim3A_122 {add = true} : memref<10000xf32, #tpu.memory_space<vmem>>[vector<16xi32>], vector<16xf32>,
      %get3A_1056 = arith.constant 0 : i32
      %get3A_1057 = arith.index_cast %get3A_1056 : i32 to index
      %get3A_1058 = arith.constant 16 : index
      %get3A_1059 = tpu.vector_load %arg12[%get3A_1057, %get3A_1058] {strides = array<i32>} : memref<8x125xi32, #tpu.memory_space<vmem>>, vector<16xi32>,
      tpu.vector_store_idx %arg15[%get3A_1059], %broadcast_in_dim3A_122 {add = true} : memref<10000xf32, #tpu.memory_space<vmem>>[vector<16xi32>], vector<16xf32>,
      %get3A_1060 = arith.constant 0 : i32
      %get3A_1061 = arith.index_cast %get3A_1060 : i32 to index
      %get3A_1062 = arith.constant 32 : index
      %get3A_1063 = tpu.vector_load %arg12[%get3A_1061, %get3A_1062] {strides = array<i32>} : memref<8x125xi32, #tpu.memory_space<vmem>>, vector<16xi32>,
      tpu.vector_store_idx %arg15[%get3A_1063], %broadcast_in_dim3A_122 {add = true} : memref<10000xf32, #tpu.memory_space<vmem>>[vector<16xi32>], vector<16xf32>,
      %get3A_1064 = arith.constant 0 : i32
      %get3A_1065 = arith.index_cast %get3A_1064 : i32 to index
      %get3A_1066 = arith.constant 48 : index
      %get3A_1067 = tpu.vector_load %arg12[%get3A_1065, %get3A_1066] {strides = array<i32>} : memref<8x125xi32, #tpu.memory_space<vmem>>, vector<16xi32>,
      tpu.vector_store_idx %arg15[%get3A_1067], %broadcast_in_dim3A_122 {add = true} : memref<10000xf32, #tpu.memory_space<vmem>>[vector<16xi32>], vector<16xf32>,
      %get3A_1068 = arith.constant 0 : i32
      %get3A_1069 = arith.index_cast %get3A_1068 : i32 to index
      %get3A_1070 = arith.constant 64 : index
      %get3A_1071 = tpu.vector_load %arg12[%get3A_1069, %get3A_1070] {strides = array<i32>} : memref<8x125xi32, #tpu.memory_space<vmem>>, vector<16xi32>,
      tpu.vector_store_idx %arg15[%get3A_1071], %broadcast_in_dim3A_122 {add = true} : memref<10000xf32, #tpu.memory_space<vmem>>[vector<16xi32>], vector<16xf32>,
      %get3A_1072 = arith.constant 0 : i32
      %get3A_1073 = arith.index_cast %get3A_1072 : i32 to index
      %get3A_1074 = arith.constant 80 : index
      %get3A_1075 = tpu.vector_load %arg12[%get3A_1073, %get3A_1074] {strides = array<i32>} : memref<8x125xi32, #tpu.memory_space<vmem>>, vector<16xi32>,
      tpu.vector_store_idx %arg15[%get3A_1075], %broadcast_in_dim3A_122 {add = true} : memref<10000xf32, #tpu.memory_space<vmem>>[vector<16xi32>], vector<16xf32>,
      %get3A_1076 = arith.constant 0 : i32
      %get3A_1077 = arith.index_cast %get3A_1076 : i32 to index
      %get3A_1078 = arith.constant 96 : index
      %get3A_1079 = tpu.vector_load %arg12[%get3A_1077, %get3A_1078] {strides = array<i32>} : memref<8x125xi32, #tpu.memory_space<vmem>>, vector<16xi32>,
      tpu.vector_store_idx %arg15[%get3A_1079], %broadcast_in_dim3A_122 {add = true} : memref<10000xf32, #tpu.memory_space<vmem>>[vector<16xi32>], vector<16xf32>,
      %get3A_1080 = arith.constant 0 : i32
      %get3A_1081 = arith.index_cast %get3A_1080 : i32 to index
      %get3A_1082 = arith.constant 109 : index
      %get3A_1083 = tpu.vector_load %arg12[%get3A_1081, %get3A_1082] {strides = array<i32>} : memref<8x125xi32, #tpu.memory_space<vmem>>, vector<16xi32>,
      tpu.vector_store_idx %arg15[%get3A_1083], %broadcast_in_dim3A_122 masked %ge3A_124 {add = true} : memref<10000xf32, #tpu.memory_space<vmem>>[vector<16xi32>], vector<16xf32>, vector<16xi1>
      %ge3A_1084 = arith.constant 1 : i32
      %ge3A_1085 = arith.cmpi sge, %add3A_1037, %ge3A_1084 : i32
      %convert_element_type3A_1086 = arith.extui %ge3A_1085 : i1 to i32
      %cond3A_1087 = arith.constant 0 : i32
      %cond3A_1088 = arith.cmpi ne, %convert_element_type3A_1086, %cond3A_1087 : i32
      scf.if %cond3A_1088 {
        %dma_wait3A_1535 = arith.constant 1 : i32
        %dma_wait3A_1536 = arith.constant 0 : i32
        %dma_wait3A_1537 = tpu.memref_slice %arg12[%dma_wait3A_1535, %dma_wait3A_1536] : memref<8x125xi32, #tpu.memory_space<vmem>> -> memref<1x125xi32, #tpu.memory_space<vmem>>
        %dma_wait3A_1538 = tpu.memref_squeeze %dma_wait3A_1537 : memref<1x125xi32, #tpu.memory_space<vmem>> -> memref<125xi32, #tpu.memory_space<vmem>>
        %dma_wait3A_1539 = arith.constant 0 : i32
        %dma_wait3A_1540 = arith.constant 0 : i32
        %dma_wait3A_1541 = tpu.memref_slice %arg16[%dma_wait3A_1539, %dma_wait3A_1540] : memref<10000x128xf32, #tpu.memory_space<vmem_shared>> -> memref<10000x128xf32, #tpu.memory_space<vmem_shared>>
        tpu.wait_indirect_dma semaphore(%arg22 : memref<!tpu.dma_semaphore, #tpu.memory_space<semaphore_mem>>) src(%arg14 : memref<125x128xf32, #tpu.memory_space<vmem>>) dst(%dma_wait3A_1541 : memref<10000x128xf32, #tpu.memory_space<vmem_shared>>)
      } else {
      }
      %dma_start3A_1089 = arith.constant 1 : i32
      %dma_start3A_1090 = arith.constant 0 : i32
      %dma_start3A_1091 = tpu.memref_slice %arg10[%dma_start3A_1089, %dma_start3A_1090] : memref<8x125xi32, #tpu.memory_space<vmem>> -> memref<1x125xi32, #tpu.memory_space<vmem>>
      %dma_start3A_1092 = tpu.memref_squeeze %dma_start3A_1091 : memref<1x125xi32, #tpu.memory_space<vmem>> -> memref<125xi32, #tpu.memory_space<vmem>>
      %dma_start3A_1093 = arith.constant 0 : i32
      %dma_start3A_1094 = arith.constant 0 : i32
      %dma_start3A_1095 = tpu.memref_slice %arg2[%dma_start3A_1093, %dma_start3A_1094] : memref<10000x128xf32, #tpu.memory_space<hbm>> -> memref<10000x128xf32, #tpu.memory_space<hbm>>
      tpu.enqueue_indirect_dma source(%dma_start3A_1095 : memref<10000x128xf32, #tpu.memory_space<hbm>>) target(%arg14 : memref<125x128xf32, #tpu.memory_space<vmem>>) offsets(%dma_start3A_1092 : memref<125xi32, #tpu.memory_space<vmem>>) semaphore(%arg20 : memref<!tpu.dma_semaphore, #tpu.memory_space<semaphore_mem>>)
      %mul3A_1096 = arith.constant 8 : i32
      %mul3A_1097 = arith.muli %add3A_1033, %mul3A_1096 : i32
      %add3A_1098 = arith.constant 1 : i32
      %add3A_1099 = arith.addi %mul3A_1097, %add3A_1098 : i32
      %dma_wait3A_1100 = arith.constant 1 : i32
      %dma_wait3A_1101 = arith.constant 0 : i32
      %dma_wait3A_1102 = tpu.memref_slice %arg10[%dma_wait3A_1100, %dma_wait3A_1101] : memref<8x125xi32, #tpu.memory_space<vmem>> -> memref<1x125xi32, #tpu.memory_space<vmem>>
      %dma_wait3A_1103 = tpu.memref_squeeze %dma_wait3A_1102 : memref<1x125xi32, #tpu.memory_space<vmem>> -> memref<125xi32, #tpu.memory_space<vmem>>
      %dma_wait3A_1104 = arith.constant 0 : i32
      %dma_wait3A_1105 = arith.constant 0 : i32
      %dma_wait3A_1106 = tpu.memref_slice %arg2[%dma_wait3A_1104, %dma_wait3A_1105] : memref<10000x128xf32, #tpu.memory_space<hbm>> -> memref<10000x128xf32, #tpu.memory_space<hbm>>
      tpu.wait_indirect_dma semaphore(%arg20 : memref<!tpu.dma_semaphore, #tpu.memory_space<semaphore_mem>>) src(%dma_wait3A_1106 : memref<10000x128xf32, #tpu.memory_space<hbm>>) dst(%arg14 : memref<125x128xf32, #tpu.memory_space<vmem>>)
      %dma_start3A_1107 = arith.constant 1 : i32
      %dma_start3A_1108 = arith.constant 0 : i32
      %dma_start3A_1109 = tpu.memref_slice %arg12[%dma_start3A_1107, %dma_start3A_1108] : memref<8x125xi32, #tpu.memory_space<vmem>> -> memref<1x125xi32, #tpu.memory_space<vmem>>
      %dma_start3A_1110 = tpu.memref_squeeze %dma_start3A_1109 : memref<1x125xi32, #tpu.memory_space<vmem>> -> memref<125xi32, #tpu.memory_space<vmem>>
      %dma_start3A_1111 = arith.constant 0 : i32
      %dma_start3A_1112 = arith.constant 0 : i32
      %dma_start3A_1113 = tpu.memref_slice %arg16[%dma_start3A_1111, %dma_start3A_1112] : memref<10000x128xf32, #tpu.memory_space<vmem_shared>> -> memref<10000x128xf32, #tpu.memory_space<vmem_shared>>
      tpu.enqueue_indirect_dma source(%arg14 : memref<125x128xf32, #tpu.memory_space<vmem>>) target(%dma_start3A_1113 : memref<10000x128xf32, #tpu.memory_space<vmem_shared>>) offsets(%dma_start3A_1110 : memref<125xi32, #tpu.memory_space<vmem>>) semaphore(%arg22 : memref<!tpu.dma_semaphore, #tpu.memory_space<semaphore_mem>>) {add = true}
      %get3A_1114 = arith.constant 1 : i32
      %get3A_1115 = arith.index_cast %get3A_1114 : i32 to index
      %get3A_1116 = arith.constant 0 : index
      %get3A_1117 = tpu.vector_load %arg12[%get3A_1115, %get3A_1116] {strides = array<i32>} : memref<8x125xi32, #tpu.memory_space<vmem>>, vector<16xi32>,
      tpu.vector_store_idx %arg15[%get3A_1117], %broadcast_in_dim3A_122 {add = true} : memref<10000xf32, #tpu.memory_space<vmem>>[vector<16xi32>], vector<16xf32>,
      %get3A_1118 = arith.constant 1 : i32
      %get3A_1119 = arith.index_cast %get3A_1118 : i32 to index
      %get3A_1120 = arith.constant 16 : index
      %get3A_1121 = tpu.vector_load %arg12[%get3A_1119, %get3A_1120] {strides = array<i32>} : memref<8x125xi32, #tpu.memory_space<vmem>>, vector<16xi32>,
      tpu.vector_store_idx %arg15[%get3A_1121], %broadcast_in_dim3A_122 {add = true} : memref<10000xf32, #tpu.memory_space<vmem>>[vector<16xi32>], vector<16xf32>,
      %get3A_1122 = arith.constant 1 : i32
      %get3A_1123 = arith.index_cast %get3A_1122 : i32 to index
      %get3A_1124 = arith.constant 32 : index
      %get3A_1125 = tpu.vector_load %arg12[%get3A_1123, %get3A_1124] {strides = array<i32>} : memref<8x125xi32, #tpu.memory_space<vmem>>, vector<16xi32>,
      tpu.vector_store_idx %arg15[%get3A_1125], %broadcast_in_dim3A_122 {add = true} : memref<10000xf32, #tpu.memory_space<vmem>>[vector<16xi32>], vector<16xf32>,
      %get3A_1126 = arith.constant 1 : i32
      %get3A_1127 = arith.index_cast %get3A_1126 : i32 to index
      %get3A_1128 = arith.constant 48 : index
      %get3A_1129 = tpu.vector_load %arg12[%get3A_1127, %get3A_1128] {strides = array<i32>} : memref<8x125xi32, #tpu.memory_space<vmem>>, vector<16xi32>,
      tpu.vector_store_idx %arg15[%get3A_1129], %broadcast_in_dim3A_122 {add = true} : memref<10000xf32, #tpu.memory_space<vmem>>[vector<16xi32>], vector<16xf32>,
      %get3A_1130 = arith.constant 1 : i32
      %get3A_1131 = arith.index_cast %get3A_1130 : i32 to index
      %get3A_1132 = arith.constant 64 : index
      %get3A_1133 = tpu.vector_load %arg12[%get3A_1131, %get3A_1132] {strides = array<i32>} : memref<8x125xi32, #tpu.memory_space<vmem>>, vector<16xi32>,
      tpu.vector_store_idx %arg15[%get3A_1133], %broadcast_in_dim3A_122 {add = true} : memref<10000xf32, #tpu.memory_space<vmem>>[vector<16xi32>], vector<16xf32>,
      %get3A_1134 = arith.constant 1 : i32
      %get3A_1135 = arith.index_cast %get3A_1134 : i32 to index
      %get3A_1136 = arith.constant 80 : index
      %get3A_1137 = tpu.vector_load %arg12[%get3A_1135, %get3A_1136] {strides = array<i32>} : memref<8x125xi32, #tpu.memory_space<vmem>>, vector<16xi32>,
      tpu.vector_store_idx %arg15[%get3A_1137], %broadcast_in_dim3A_122 {add = true} : memref<10000xf32, #tpu.memory_space<vmem>>[vector<16xi32>], vector<16xf32>,
      %get3A_1138 = arith.constant 1 : i32
      %get3A_1139 = arith.index_cast %get3A_1138 : i32 to index
      %get3A_1140 = arith.constant 96 : index
      %get3A_1141 = tpu.vector_load %arg12[%get3A_1139, %get3A_1140] {strides = array<i32>} : memref<8x125xi32, #tpu.memory_space<vmem>>, vector<16xi32>,
      tpu.vector_store_idx %arg15[%get3A_1141], %broadcast_in_dim3A_122 {add = true} : memref<10000xf32, #tpu.memory_space<vmem>>[vector<16xi32>], vector<16xf32>,
      %get3A_1142 = arith.constant 1 : i32
      %get3A_1143 = arith.index_cast %get3A_1142 : i32 to index
      %get3A_1144 = arith.constant 109 : index
      %get3A_1145 = tpu.vector_load %arg12[%get3A_1143, %get3A_1144] {strides = array<i32>} : memref<8x125xi32, #tpu.memory_space<vmem>>, vector<16xi32>,
      tpu.vector_store_idx %arg15[%get3A_1145], %broadcast_in_dim3A_122 masked %ge3A_124 {add = true} : memref<10000xf32, #tpu.memory_space<vmem>>[vector<16xi32>], vector<16xf32>, vector<16xi1>
      %ge3A_1146 = arith.constant 1 : i32
      %ge3A_1147 = arith.cmpi sge, %add3A_1099, %ge3A_1146 : i32
      %convert_element_type3A_1148 = arith.extui %ge3A_1147 : i1 to i32
      %cond3A_1149 = arith.constant 0 : i32
      %cond3A_1150 = arith.cmpi ne, %convert_element_type3A_1148, %cond3A_1149 : i32
      scf.if %cond3A_1150 {
        %dma_wait3A_1535 = arith.constant 2 : i32
        %dma_wait3A_1536 = arith.constant 0 : i32
        %dma_wait3A_1537 = tpu.memref_slice %arg12[%dma_wait3A_1535, %dma_wait3A_1536] : memref<8x125xi32, #tpu.memory_space<vmem>> -> memref<1x125xi32, #tpu.memory_space<vmem>>
        %dma_wait3A_1538 = tpu.memref_squeeze %dma_wait3A_1537 : memref<1x125xi32, #tpu.memory_space<vmem>> -> memref<125xi32, #tpu.memory_space<vmem>>
        %dma_wait3A_1539 = arith.constant 0 : i32
        %dma_wait3A_1540 = arith.constant 0 : i32
        %dma_wait3A_1541 = tpu.memref_slice %arg16[%dma_wait3A_1539, %dma_wait3A_1540] : memref<10000x128xf32, #tpu.memory_space<vmem_shared>> -> memref<10000x128xf32, #tpu.memory_space<vmem_shared>>
        tpu.wait_indirect_dma semaphore(%arg21 : memref<!tpu.dma_semaphore, #tpu.memory_space<semaphore_mem>>) src(%arg13 : memref<125x128xf32, #tpu.memory_space<vmem>>) dst(%dma_wait3A_1541 : memref<10000x128xf32, #tpu.memory_space<vmem_shared>>)
      } else {
      }
      %dma_start3A_1151 = arith.constant 2 : i32
      %dma_start3A_1152 = arith.constant 0 : i32
      %dma_start3A_1153 = tpu.memref_slice %arg10[%dma_start3A_1151, %dma_start3A_1152] : memref<8x125xi32, #tpu.memory_space<vmem>> -> memref<1x125xi32, #tpu.memory_space<vmem>>
      %dma_start3A_1154 = tpu.memref_squeeze %dma_start3A_1153 : memref<1x125xi32, #tpu.memory_space<vmem>> -> memref<125xi32, #tpu.memory_space<vmem>>
      %dma_start3A_1155 = arith.constant 0 : i32
      %dma_start3A_1156 = arith.constant 0 : i32
      %dma_start3A_1157 = tpu.memref_slice %arg2[%dma_start3A_1155, %dma_start3A_1156] : memref<10000x128xf32, #tpu.memory_space<hbm>> -> memref<10000x128xf32, #tpu.memory_space<hbm>>
      tpu.enqueue_indirect_dma source(%dma_start3A_1157 : memref<10000x128xf32, #tpu.memory_space<hbm>>) target(%arg13 : memref<125x128xf32, #tpu.memory_space<vmem>>) offsets(%dma_start3A_1154 : memref<125xi32, #tpu.memory_space<vmem>>) semaphore(%arg19 : memref<!tpu.dma_semaphore, #tpu.memory_space<semaphore_mem>>)
      %mul3A_1158 = arith.constant 8 : i32
      %mul3A_1159 = arith.muli %add3A_1033, %mul3A_1158 : i32
      %add3A_1160 = arith.constant 2 : i32
      %add3A_1161 = arith.addi %mul3A_1159, %add3A_1160 : i32
      %dma_wait3A_1162 = arith.constant 2 : i32
      %dma_wait3A_1163 = arith.constant 0 : i32
      %dma_wait3A_1164 = tpu.memref_slice %arg10[%dma_wait3A_1162, %dma_wait3A_1163] : memref<8x125xi32, #tpu.memory_space<vmem>> -> memref<1x125xi32, #tpu.memory_space<vmem>>
      %dma_wait3A_1165 = tpu.memref_squeeze %dma_wait3A_1164 : memref<1x125xi32, #tpu.memory_space<vmem>> -> memref<125xi32, #tpu.memory_space<vmem>>
      %dma_wait3A_1166 = arith.constant 0 : i32
      %dma_wait3A_1167 = arith.constant 0 : i32
      %dma_wait3A_1168 = tpu.memref_slice %arg2[%dma_wait3A_1166, %dma_wait3A_1167] : memref<10000x128xf32, #tpu.memory_space<hbm>> -> memref<10000x128xf32, #tpu.memory_space<hbm>>
      tpu.wait_indirect_dma semaphore(%arg19 : memref<!tpu.dma_semaphore, #tpu.memory_space<semaphore_mem>>) src(%dma_wait3A_1168 : memref<10000x128xf32, #tpu.memory_space<hbm>>) dst(%arg13 : memref<125x128xf32, #tpu.memory_space<vmem>>)
      %dma_start3A_1169 = arith.constant 2 : i32
      %dma_start3A_1170 = arith.constant 0 : i32
      %dma_start3A_1171 = tpu.memref_slice %arg12[%dma_start3A_1169, %dma_start3A_1170] : memref<8x125xi32, #tpu.memory_space<vmem>> -> memref<1x125xi32, #tpu.memory_space<vmem>>
      %dma_start3A_1172 = tpu.memref_squeeze %dma_start3A_1171 : memref<1x125xi32, #tpu.memory_space<vmem>> -> memref<125xi32, #tpu.memory_space<vmem>>
      %dma_start3A_1173 = arith.constant 0 : i32
      %dma_start3A_1174 = arith.constant 0 : i32
      %dma_start3A_1175 = tpu.memref_slice %arg16[%dma_start3A_1173, %dma_start3A_1174] : memref<10000x128xf32, #tpu.memory_space<vmem_shared>> -> memref<10000x128xf32, #tpu.memory_space<vmem_shared>>
      tpu.enqueue_indirect_dma source(%arg13 : memref<125x128xf32, #tpu.memory_space<vmem>>) target(%dma_start3A_1175 : memref<10000x128xf32, #tpu.memory_space<vmem_shared>>) offsets(%dma_start3A_1172 : memref<125xi32, #tpu.memory_space<vmem>>) semaphore(%arg21 : memref<!tpu.dma_semaphore, #tpu.memory_space<semaphore_mem>>) {add = true}
      %get3A_1176 = arith.constant 2 : i32
      %get3A_1177 = arith.index_cast %get3A_1176 : i32 to index
      %get3A_1178 = arith.constant 0 : index
      %get3A_1179 = tpu.vector_load %arg12[%get3A_1177, %get3A_1178] {strides = array<i32>} : memref<8x125xi32, #tpu.memory_space<vmem>>, vector<16xi32>,
      tpu.vector_store_idx %arg15[%get3A_1179], %broadcast_in_dim3A_122 {add = true} : memref<10000xf32, #tpu.memory_space<vmem>>[vector<16xi32>], vector<16xf32>,
      %get3A_1180 = arith.constant 2 : i32
      %get3A_1181 = arith.index_cast %get3A_1180 : i32 to index
      %get3A_1182 = arith.constant 16 : index
      %get3A_1183 = tpu.vector_load %arg12[%get3A_1181, %get3A_1182] {strides = array<i32>} : memref<8x125xi32, #tpu.memory_space<vmem>>, vector<16xi32>,
      tpu.vector_store_idx %arg15[%get3A_1183], %broadcast_in_dim3A_122 {add = true} : memref<10000xf32, #tpu.memory_space<vmem>>[vector<16xi32>], vector<16xf32>,
      %get3A_1184 = arith.constant 2 : i32
      %get3A_1185 = arith.index_cast %get3A_1184 : i32 to index
      %get3A_1186 = arith.constant 32 : index
      %get3A_1187 = tpu.vector_load %arg12[%get3A_1185, %get3A_1186] {strides = array<i32>} : memref<8x125xi32, #tpu.memory_space<vmem>>, vector<16xi32>,
      tpu.vector_store_idx %arg15[%get3A_1187], %broadcast_in_dim3A_122 {add = true} : memref<10000xf32, #tpu.memory_space<vmem>>[vector<16xi32>], vector<16xf32>,
      %get3A_1188 = arith.constant 2 : i32
      %get3A_1189 = arith.index_cast %get3A_1188 : i32 to index
      %get3A_1190 = arith.constant 48 : index
      %get3A_1191 = tpu.vector_load %arg12[%get3A_1189, %get3A_1190] {strides = array<i32>} : memref<8x125xi32, #tpu.memory_space<vmem>>, vector<16xi32>,
      tpu.vector_store_idx %arg15[%get3A_1191], %broadcast_in_dim3A_122 {add = true} : memref<10000xf32, #tpu.memory_space<vmem>>[vector<16xi32>], vector<16xf32>,
      %get3A_1192 = arith.constant 2 : i32
      %get3A_1193 = arith.index_cast %get3A_1192 : i32 to index
      %get3A_1194 = arith.constant 64 : index
      %get3A_1195 = tpu.vector_load %arg12[%get3A_1193, %get3A_1194] {strides = array<i32>} : memref<8x125xi32, #tpu.memory_space<vmem>>, vector<16xi32>,
      tpu.vector_store_idx %arg15[%get3A_1195], %broadcast_in_dim3A_122 {add = true} : memref<10000xf32, #tpu.memory_space<vmem>>[vector<16xi32>], vector<16xf32>,
      %get3A_1196 = arith.constant 2 : i32
      %get3A_1197 = arith.index_cast %get3A_1196 : i32 to index
      %get3A_1198 = arith.constant 80 : index
      %get3A_1199 = tpu.vector_load %arg12[%get3A_1197, %get3A_1198] {strides = array<i32>} : memref<8x125xi32, #tpu.memory_space<vmem>>, vector<16xi32>,
      tpu.vector_store_idx %arg15[%get3A_1199], %broadcast_in_dim3A_122 {add = true} : memref<10000xf32, #tpu.memory_space<vmem>>[vector<16xi32>], vector<16xf32>,
      %get3A_1200 = arith.constant 2 : i32
      %get3A_1201 = arith.index_cast %get3A_1200 : i32 to index
      %get3A_1202 = arith.constant 96 : index
      %get3A_1203 = tpu.vector_load %arg12[%get3A_1201, %get3A_1202] {strides = array<i32>} : memref<8x125xi32, #tpu.memory_space<vmem>>, vector<16xi32>,
      tpu.vector_store_idx %arg15[%get3A_1203], %broadcast_in_dim3A_122 {add = true} : memref<10000xf32, #tpu.memory_space<vmem>>[vector<16xi32>], vector<16xf32>,
      %get3A_1204 = arith.constant 2 : i32
      %get3A_1205 = arith.index_cast %get3A_1204 : i32 to index
      %get3A_1206 = arith.constant 109 : index
      %get3A_1207 = tpu.vector_load %arg12[%get3A_1205, %get3A_1206] {strides = array<i32>} : memref<8x125xi32, #tpu.memory_space<vmem>>, vector<16xi32>,
      tpu.vector_store_idx %arg15[%get3A_1207], %broadcast_in_dim3A_122 masked %ge3A_124 {add = true} : memref<10000xf32, #tpu.memory_space<vmem>>[vector<16xi32>], vector<16xf32>, vector<16xi1>
      %ge3A_1208 = arith.constant 1 : i32
      %ge3A_1209 = arith.cmpi sge, %add3A_1161, %ge3A_1208 : i32
      %convert_element_type3A_1210 = arith.extui %ge3A_1209 : i1 to i32
      %cond3A_1211 = arith.constant 0 : i32
      %cond3A_1212 = arith.cmpi ne, %convert_element_type3A_1210, %cond3A_1211 : i32
      scf.if %cond3A_1212 {
        %dma_wait3A_1535 = arith.constant 3 : i32
        %dma_wait3A_1536 = arith.constant 0 : i32
        %dma_wait3A_1537 = tpu.memref_slice %arg12[%dma_wait3A_1535, %dma_wait3A_1536] : memref<8x125xi32, #tpu.memory_space<vmem>> -> memref<1x125xi32, #tpu.memory_space<vmem>>
        %dma_wait3A_1538 = tpu.memref_squeeze %dma_wait3A_1537 : memref<1x125xi32, #tpu.memory_space<vmem>> -> memref<125xi32, #tpu.memory_space<vmem>>
        %dma_wait3A_1539 = arith.constant 0 : i32
        %dma_wait3A_1540 = arith.constant 0 : i32
        %dma_wait3A_1541 = tpu.memref_slice %arg16[%dma_wait3A_1539, %dma_wait3A_1540] : memref<10000x128xf32, #tpu.memory_space<vmem_shared>> -> memref<10000x128xf32, #tpu.memory_space<vmem_shared>>
        tpu.wait_indirect_dma semaphore(%arg22 : memref<!tpu.dma_semaphore, #tpu.memory_space<semaphore_mem>>) src(%arg14 : memref<125x128xf32, #tpu.memory_space<vmem>>) dst(%dma_wait3A_1541 : memref<10000x128xf32, #tpu.memory_space<vmem_shared>>)
      } else {
      }
      %dma_start3A_1213 = arith.constant 3 : i32
      %dma_start3A_1214 = arith.constant 0 : i32
      %dma_start3A_1215 = tpu.memref_slice %arg10[%dma_start3A_1213, %dma_start3A_1214] : memref<8x125xi32, #tpu.memory_space<vmem>> -> memref<1x125xi32, #tpu.memory_space<vmem>>
      %dma_start3A_1216 = tpu.memref_squeeze %dma_start3A_1215 : memref<1x125xi32, #tpu.memory_space<vmem>> -> memref<125xi32, #tpu.memory_space<vmem>>
      %dma_start3A_1217 = arith.constant 0 : i32
      %dma_start3A_1218 = arith.constant 0 : i32
      %dma_start3A_1219 = tpu.memref_slice %arg2[%dma_start3A_1217, %dma_start3A_1218] : memref<10000x128xf32, #tpu.memory_space<hbm>> -> memref<10000x128xf32, #tpu.memory_space<hbm>>
      tpu.enqueue_indirect_dma source(%dma_start3A_1219 : memref<10000x128xf32, #tpu.memory_space<hbm>>) target(%arg14 : memref<125x128xf32, #tpu.memory_space<vmem>>) offsets(%dma_start3A_1216 : memref<125xi32, #tpu.memory_space<vmem>>) semaphore(%arg20 : memref<!tpu.dma_semaphore, #tpu.memory_space<semaphore_mem>>)
      %ge3A_1220 = arith.constant 1 : i32
      %ge3A_1221 = arith.cmpi sge, %add3A_1033, %ge3A_1220 : i32
      %add3A_1222 = arith.constant 1 : i32
      %add3A_1223 = arith.addi %add3A_1033, %add3A_1222 : i32
      %lt3A_1224 = arith.constant 10 : i32
      %lt3A_1225 = arith.cmpi slt, %add3A_1223, %lt3A_1224 : i32
      %and3A_1226 = arith.andi %ge3A_1221, %lt3A_1225 : i1
      %convert_element_type3A_1227 = arith.extui %and3A_1226 : i1 to i32
      %cond3A_1228 = arith.constant 0 : i32
      %cond3A_1229 = arith.cmpi ne, %convert_element_type3A_1227, %cond3A_1228 : i32
      scf.if %cond3A_1229 {
        %add3A_1535 = arith.constant 1 : i32
        %add3A_1536 = arith.addi %add3A_1033, %add3A_1535 : i32
        %dma_start3A_1537 = arith.constant 0 : i32
        %dma_start3A_1538 = arith.constant 0 : i32
        %dma_start3A_1539 = arith.constant 0 : i32
        %dma_start3A_1540 = tpu.memref_slice %arg3[%add3A, %dma_start3A_1537, %dma_start3A_1538, %dma_start3A_1539] : memref<32x10x8x125xi32, #tpu.memory_space<hbm>> -> memref<1x10x8x125xi32, #tpu.memory_space<hbm>>
        %dma_start3A_1541 = tpu.memref_squeeze %dma_start3A_1540 : memref<1x10x8x125xi32, #tpu.memory_space<hbm>> -> memref<10x8x125xi32, #tpu.memory_space<hbm>>
        %dma_start3A_1542 = arith.constant 0 : i32
        %dma_start3A_1543 = arith.constant 0 : i32
        %dma_start3A_1544 = tpu.memref_slice %dma_start3A_1541[%add3A_1536, %dma_start3A_1542, %dma_start3A_1543] : memref<10x8x125xi32, #tpu.memory_space<hbm>> -> memref<1x8x125xi32, #tpu.memory_space<hbm>>
        %dma_start3A_1545 = tpu.memref_squeeze %dma_start3A_1544 : memref<1x8x125xi32, #tpu.memory_space<hbm>> -> memref<8x125xi32, #tpu.memory_space<hbm>>
        %dma_start3A_1546 = arith.constant 0 : i32
        %dma_start3A_1547 = arith.constant 0 : i32
        %dma_start3A_1548 = arith.constant 0 : i32
        %dma_start3A_1549 = tpu.memref_slice %arg3[%add3A, %dma_start3A_1546, %dma_start3A_1547, %dma_start3A_1548] : memref<32x10x8x125xi32, #tpu.memory_space<hbm>> -> memref<1x10x8x125xi32, #tpu.memory_space<hbm>>
        %dma_start3A_1550 = tpu.memref_squeeze %dma_start3A_1549 : memref<1x10x8x125xi32, #tpu.memory_space<hbm>> -> memref<10x8x125xi32, #tpu.memory_space<hbm>>
        %dma_start3A_1551 = arith.constant 0 : i32
        %dma_start3A_1552 = arith.constant 0 : i32
        %dma_start3A_1553 = tpu.memref_slice %dma_start3A_1550[%add3A_1536, %dma_start3A_1551, %dma_start3A_1552] : memref<10x8x125xi32, #tpu.memory_space<hbm>> -> memref<1x8x125xi32, #tpu.memory_space<hbm>>
        %dma_start3A_1554 = tpu.memref_squeeze %dma_start3A_1553 : memref<1x8x125xi32, #tpu.memory_space<hbm>> -> memref<8x125xi32, #tpu.memory_space<hbm>>
        tpu.enqueue_dma source(%dma_start3A_1554 : memref<8x125xi32, #tpu.memory_space<hbm>>) target(%arg9 : memref<8x125xi32, #tpu.memory_space<vmem>>) target_semaphore(%arg17 : memref<!tpu.dma_semaphore, #tpu.memory_space<semaphore_mem>>)
        %dma_start3A_1555 = arith.constant 0 : i32
        %dma_start3A_1556 = arith.constant 0 : i32
        %dma_start3A_1557 = arith.constant 0 : i32
        %dma_start3A_1558 = tpu.memref_slice %arg4[%add3A, %dma_start3A_1555, %dma_start3A_1556, %dma_start3A_1557] : memref<32x10x8x125xi32, #tpu.memory_space<hbm>> -> memref<1x10x8x125xi32, #tpu.memory_space<hbm>>
        %dma_start3A_1559 = tpu.memref_squeeze %dma_start3A_1558 : memref<1x10x8x125xi32, #tpu.memory_space<hbm>> -> memref<10x8x125xi32, #tpu.memory_space<hbm>>
        %dma_start3A_1560 = arith.constant 0 : i32
        %dma_start3A_1561 = arith.constant 0 : i32
        %dma_start3A_1562 = tpu.memref_slice %dma_start3A_1559[%add3A_1536, %dma_start3A_1560, %dma_start3A_1561] : memref<10x8x125xi32, #tpu.memory_space<hbm>> -> memref<1x8x125xi32, #tpu.memory_space<hbm>>
        %dma_start3A_1563 = tpu.memref_squeeze %dma_start3A_1562 : memref<1x8x125xi32, #tpu.memory_space<hbm>> -> memref<8x125xi32, #tpu.memory_space<hbm>>
        %dma_start3A_1564 = arith.constant 0 : i32
        %dma_start3A_1565 = arith.constant 0 : i32
        %dma_start3A_1566 = arith.constant 0 : i32
        %dma_start3A_1567 = tpu.memref_slice %arg4[%add3A, %dma_start3A_1564, %dma_start3A_1565, %dma_start3A_1566] : memref<32x10x8x125xi32, #tpu.memory_space<hbm>> -> memref<1x10x8x125xi32, #tpu.memory_space<hbm>>
        %dma_start3A_1568 = tpu.memref_squeeze %dma_start3A_1567 : memref<1x10x8x125xi32, #tpu.memory_space<hbm>> -> memref<10x8x125xi32, #tpu.memory_space<hbm>>
        %dma_start3A_1569 = arith.constant 0 : i32
        %dma_start3A_1570 = arith.constant 0 : i32
        %dma_start3A_1571 = tpu.memref_slice %dma_start3A_1568[%add3A_1536, %dma_start3A_1569, %dma_start3A_1570] : memref<10x8x125xi32, #tpu.memory_space<hbm>> -> memref<1x8x125xi32, #tpu.memory_space<hbm>>
        %dma_start3A_1572 = tpu.memref_squeeze %dma_start3A_1571 : memref<1x8x125xi32, #tpu.memory_space<hbm>> -> memref<8x125xi32, #tpu.memory_space<hbm>>
        tpu.enqueue_dma source(%dma_start3A_1572 : memref<8x125xi32, #tpu.memory_space<hbm>>) target(%arg11 : memref<8x125xi32, #tpu.memory_space<vmem>>) target_semaphore(%arg17 : memref<!tpu.dma_semaphore, #tpu.memory_space<semaphore_mem>>)
      } else {
      }
      %mul3A_1230 = arith.constant 8 : i32
      %mul3A_1231 = arith.muli %add3A_1033, %mul3A_1230 : i32
      %add3A_1232 = arith.constant 3 : i32
      %add3A_1233 = arith.addi %mul3A_1231, %add3A_1232 : i32
      %dma_wait3A_1234 = arith.constant 3 : i32
      %dma_wait3A_1235 = arith.constant 0 : i32
      %dma_wait3A_1236 = tpu.memref_slice %arg10[%dma_wait3A_1234, %dma_wait3A_1235] : memref<8x125xi32, #tpu.memory_space<vmem>> -> memref<1x125xi32, #tpu.memory_space<vmem>>
      %dma_wait3A_1237 = tpu.memref_squeeze %dma_wait3A_1236 : memref<1x125xi32, #tpu.memory_space<vmem>> -> memref<125xi32, #tpu.memory_space<vmem>>
      %dma_wait3A_1238 = arith.constant 0 : i32
      %dma_wait3A_1239 = arith.constant 0 : i32
      %dma_wait3A_1240 = tpu.memref_slice %arg2[%dma_wait3A_1238, %dma_wait3A_1239] : memref<10000x128xf32, #tpu.memory_space<hbm>> -> memref<10000x128xf32, #tpu.memory_space<hbm>>
      tpu.wait_indirect_dma semaphore(%arg20 : memref<!tpu.dma_semaphore, #tpu.memory_space<semaphore_mem>>) src(%dma_wait3A_1240 : memref<10000x128xf32, #tpu.memory_space<hbm>>) dst(%arg14 : memref<125x128xf32, #tpu.memory_space<vmem>>)
      %dma_start3A_1241 = arith.constant 3 : i32
      %dma_start3A_1242 = arith.constant 0 : i32
      %dma_start3A_1243 = tpu.memref_slice %arg12[%dma_start3A_1241, %dma_start3A_1242] : memref<8x125xi32, #tpu.memory_space<vmem>> -> memref<1x125xi32, #tpu.memory_space<vmem>>
      %dma_start3A_1244 = tpu.memref_squeeze %dma_start3A_1243 : memref<1x125xi32, #tpu.memory_space<vmem>> -> memref<125xi32, #tpu.memory_space<vmem>>
      %dma_start3A_1245 = arith.constant 0 : i32
      %dma_start3A_1246 = arith.constant 0 : i32
      %dma_start3A_1247 = tpu.memref_slice %arg16[%dma_start3A_1245, %dma_start3A_1246] : memref<10000x128xf32, #tpu.memory_space<vmem_shared>> -> memref<10000x128xf32, #tpu.memory_space<vmem_shared>>
      tpu.enqueue_indirect_dma source(%arg14 : memref<125x128xf32, #tpu.memory_space<vmem>>) target(%dma_start3A_1247 : memref<10000x128xf32, #tpu.memory_space<vmem_shared>>) offsets(%dma_start3A_1244 : memref<125xi32, #tpu.memory_space<vmem>>) semaphore(%arg22 : memref<!tpu.dma_semaphore, #tpu.memory_space<semaphore_mem>>) {add = true}
      %get3A_1248 = arith.constant 3 : i32
      %get3A_1249 = arith.index_cast %get3A_1248 : i32 to index
      %get3A_1250 = arith.constant 0 : index
      %get3A_1251 = tpu.vector_load %arg12[%get3A_1249, %get3A_1250] {strides = array<i32>} : memref<8x125xi32, #tpu.memory_space<vmem>>, vector<16xi32>,
      tpu.vector_store_idx %arg15[%get3A_1251], %broadcast_in_dim3A_122 {add = true} : memref<10000xf32, #tpu.memory_space<vmem>>[vector<16xi32>], vector<16xf32>,
      %get3A_1252 = arith.constant 3 : i32
      %get3A_1253 = arith.index_cast %get3A_1252 : i32 to index
      %get3A_1254 = arith.constant 16 : index
      %get3A_1255 = tpu.vector_load %arg12[%get3A_1253, %get3A_1254] {strides = array<i32>} : memref<8x125xi32, #tpu.memory_space<vmem>>, vector<16xi32>,
      tpu.vector_store_idx %arg15[%get3A_1255], %broadcast_in_dim3A_122 {add = true} : memref<10000xf32, #tpu.memory_space<vmem>>[vector<16xi32>], vector<16xf32>,
      %get3A_1256 = arith.constant 3 : i32
      %get3A_1257 = arith.index_cast %get3A_1256 : i32 to index
      %get3A_1258 = arith.constant 32 : index
      %get3A_1259 = tpu.vector_load %arg12[%get3A_1257, %get3A_1258] {strides = array<i32>} : memref<8x125xi32, #tpu.memory_space<vmem>>, vector<16xi32>,
      tpu.vector_store_idx %arg15[%get3A_1259], %broadcast_in_dim3A_122 {add = true} : memref<10000xf32, #tpu.memory_space<vmem>>[vector<16xi32>], vector<16xf32>,
      %get3A_1260 = arith.constant 3 : i32
      %get3A_1261 = arith.index_cast %get3A_1260 : i32 to index
      %get3A_1262 = arith.constant 48 : index
      %get3A_1263 = tpu.vector_load %arg12[%get3A_1261, %get3A_1262] {strides = array<i32>} : memref<8x125xi32, #tpu.memory_space<vmem>>, vector<16xi32>,
      tpu.vector_store_idx %arg15[%get3A_1263], %broadcast_in_dim3A_122 {add = true} : memref<10000xf32, #tpu.memory_space<vmem>>[vector<16xi32>], vector<16xf32>,
      %get3A_1264 = arith.constant 3 : i32
      %get3A_1265 = arith.index_cast %get3A_1264 : i32 to index
      %get3A_1266 = arith.constant 64 : index
      %get3A_1267 = tpu.vector_load %arg12[%get3A_1265, %get3A_1266] {strides = array<i32>} : memref<8x125xi32, #tpu.memory_space<vmem>>, vector<16xi32>,
      tpu.vector_store_idx %arg15[%get3A_1267], %broadcast_in_dim3A_122 {add = true} : memref<10000xf32, #tpu.memory_space<vmem>>[vector<16xi32>], vector<16xf32>,
      %get3A_1268 = arith.constant 3 : i32
      %get3A_1269 = arith.index_cast %get3A_1268 : i32 to index
      %get3A_1270 = arith.constant 80 : index
      %get3A_1271 = tpu.vector_load %arg12[%get3A_1269, %get3A_1270] {strides = array<i32>} : memref<8x125xi32, #tpu.memory_space<vmem>>, vector<16xi32>,
      tpu.vector_store_idx %arg15[%get3A_1271], %broadcast_in_dim3A_122 {add = true} : memref<10000xf32, #tpu.memory_space<vmem>>[vector<16xi32>], vector<16xf32>,
      %get3A_1272 = arith.constant 3 : i32
      %get3A_1273 = arith.index_cast %get3A_1272 : i32 to index
      %get3A_1274 = arith.constant 96 : index
      %get3A_1275 = tpu.vector_load %arg12[%get3A_1273, %get3A_1274] {strides = array<i32>} : memref<8x125xi32, #tpu.memory_space<vmem>>, vector<16xi32>,
      tpu.vector_store_idx %arg15[%get3A_1275], %broadcast_in_dim3A_122 {add = true} : memref<10000xf32, #tpu.memory_space<vmem>>[vector<16xi32>], vector<16xf32>,
      %get3A_1276 = arith.constant 3 : i32
      %get3A_1277 = arith.index_cast %get3A_1276 : i32 to index
      %get3A_1278 = arith.constant 109 : index
      %get3A_1279 = tpu.vector_load %arg12[%get3A_1277, %get3A_1278] {strides = array<i32>} : memref<8x125xi32, #tpu.memory_space<vmem>>, vector<16xi32>,
      tpu.vector_store_idx %arg15[%get3A_1279], %broadcast_in_dim3A_122 masked %ge3A_124 {add = true} : memref<10000xf32, #tpu.memory_space<vmem>>[vector<16xi32>], vector<16xf32>, vector<16xi1>
      %ge3A_1280 = arith.constant 1 : i32
      %ge3A_1281 = arith.cmpi sge, %add3A_1233, %ge3A_1280 : i32
      %convert_element_type3A_1282 = arith.extui %ge3A_1281 : i1 to i32
      %cond3A_1283 = arith.constant 0 : i32
      %cond3A_1284 = arith.cmpi ne, %convert_element_type3A_1282, %cond3A_1283 : i32
      scf.if %cond3A_1284 {
        %dma_wait3A_1535 = arith.constant 4 : i32
        %dma_wait3A_1536 = arith.constant 0 : i32
        %dma_wait3A_1537 = tpu.memref_slice %arg12[%dma_wait3A_1535, %dma_wait3A_1536] : memref<8x125xi32, #tpu.memory_space<vmem>> -> memref<1x125xi32, #tpu.memory_space<vmem>>
        %dma_wait3A_1538 = tpu.memref_squeeze %dma_wait3A_1537 : memref<1x125xi32, #tpu.memory_space<vmem>> -> memref<125xi32, #tpu.memory_space<vmem>>
        %dma_wait3A_1539 = arith.constant 0 : i32
        %dma_wait3A_1540 = arith.constant 0 : i32
        %dma_wait3A_1541 = tpu.memref_slice %arg16[%dma_wait3A_1539, %dma_wait3A_1540] : memref<10000x128xf32, #tpu.memory_space<vmem_shared>> -> memref<10000x128xf32, #tpu.memory_space<vmem_shared>>
        tpu.wait_indirect_dma semaphore(%arg21 : memref<!tpu.dma_semaphore, #tpu.memory_space<semaphore_mem>>) src(%arg13 : memref<125x128xf32, #tpu.memory_space<vmem>>) dst(%dma_wait3A_1541 : memref<10000x128xf32, #tpu.memory_space<vmem_shared>>)
      } else {
      }
      %dma_start3A_1285 = arith.constant 4 : i32
      %dma_start3A_1286 = arith.constant 0 : i32
      %dma_start3A_1287 = tpu.memref_slice %arg10[%dma_start3A_1285, %dma_start3A_1286] : memref<8x125xi32, #tpu.memory_space<vmem>> -> memref<1x125xi32, #tpu.memory_space<vmem>>
      %dma_start3A_1288 = tpu.memref_squeeze %dma_start3A_1287 : memref<1x125xi32, #tpu.memory_space<vmem>> -> memref<125xi32, #tpu.memory_space<vmem>>
      %dma_start3A_1289 = arith.constant 0 : i32
      %dma_start3A_1290 = arith.constant 0 : i32
      %dma_start3A_1291 = tpu.memref_slice %arg2[%dma_start3A_1289, %dma_start3A_1290] : memref<10000x128xf32, #tpu.memory_space<hbm>> -> memref<10000x128xf32, #tpu.memory_space<hbm>>
      tpu.enqueue_indirect_dma source(%dma_start3A_1291 : memref<10000x128xf32, #tpu.memory_space<hbm>>) target(%arg13 : memref<125x128xf32, #tpu.memory_space<vmem>>) offsets(%dma_start3A_1288 : memref<125xi32, #tpu.memory_space<vmem>>) semaphore(%arg19 : memref<!tpu.dma_semaphore, #tpu.memory_space<semaphore_mem>>)
      %mul3A_1292 = arith.constant 8 : i32
      %mul3A_1293 = arith.muli %add3A_1033, %mul3A_1292 : i32
      %add3A_1294 = arith.constant 4 : i32
      %add3A_1295 = arith.addi %mul3A_1293, %add3A_1294 : i32
      %dma_wait3A_1296 = arith.constant 4 : i32
      %dma_wait3A_1297 = arith.constant 0 : i32
      %dma_wait3A_1298 = tpu.memref_slice %arg10[%dma_wait3A_1296, %dma_wait3A_1297] : memref<8x125xi32, #tpu.memory_space<vmem>> -> memref<1x125xi32, #tpu.memory_space<vmem>>
      %dma_wait3A_1299 = tpu.memref_squeeze %dma_wait3A_1298 : memref<1x125xi32, #tpu.memory_space<vmem>> -> memref<125xi32, #tpu.memory_space<vmem>>
      %dma_wait3A_1300 = arith.constant 0 : i32
      %dma_wait3A_1301 = arith.constant 0 : i32
      %dma_wait3A_1302 = tpu.memref_slice %arg2[%dma_wait3A_1300, %dma_wait3A_1301] : memref<10000x128xf32, #tpu.memory_space<hbm>> -> memref<10000x128xf32, #tpu.memory_space<hbm>>
      tpu.wait_indirect_dma semaphore(%arg19 : memref<!tpu.dma_semaphore, #tpu.memory_space<semaphore_mem>>) src(%dma_wait3A_1302 : memref<10000x128xf32, #tpu.memory_space<hbm>>) dst(%arg13 : memref<125x128xf32, #tpu.memory_space<vmem>>)
      %dma_start3A_1303 = arith.constant 4 : i32
      %dma_start3A_1304 = arith.constant 0 : i32
      %dma_start3A_1305 = tpu.memref_slice %arg12[%dma_start3A_1303, %dma_start3A_1304] : memref<8x125xi32, #tpu.memory_space<vmem>> -> memref<1x125xi32, #tpu.memory_space<vmem>>
      %dma_start3A_1306 = tpu.memref_squeeze %dma_start3A_1305 : memref<1x125xi32, #tpu.memory_space<vmem>> -> memref<125xi32, #tpu.memory_space<vmem>>
      %dma_start3A_1307 = arith.constant 0 : i32
      %dma_start3A_1308 = arith.constant 0 : i32
      %dma_start3A_1309 = tpu.memref_slice %arg16[%dma_start3A_1307, %dma_start3A_1308] : memref<10000x128xf32, #tpu.memory_space<vmem_shared>> -> memref<10000x128xf32, #tpu.memory_space<vmem_shared>>
      tpu.enqueue_indirect_dma source(%arg13 : memref<125x128xf32, #tpu.memory_space<vmem>>) target(%dma_start3A_1309 : memref<10000x128xf32, #tpu.memory_space<vmem_shared>>) offsets(%dma_start3A_1306 : memref<125xi32, #tpu.memory_space<vmem>>) semaphore(%arg21 : memref<!tpu.dma_semaphore, #tpu.memory_space<semaphore_mem>>) {add = true}
      %get3A_1310 = arith.constant 4 : i32
      %get3A_1311 = arith.index_cast %get3A_1310 : i32 to index
      %get3A_1312 = arith.constant 0 : index
      %get3A_1313 = tpu.vector_load %arg12[%get3A_1311, %get3A_1312] {strides = array<i32>} : memref<8x125xi32, #tpu.memory_space<vmem>>, vector<16xi32>,
      tpu.vector_store_idx %arg15[%get3A_1313], %broadcast_in_dim3A_122 {add = true} : memref<10000xf32, #tpu.memory_space<vmem>>[vector<16xi32>], vector<16xf32>,
      %get3A_1314 = arith.constant 4 : i32
      %get3A_1315 = arith.index_cast %get3A_1314 : i32 to index
      %get3A_1316 = arith.constant 16 : index
      %get3A_1317 = tpu.vector_load %arg12[%get3A_1315, %get3A_1316] {strides = array<i32>} : memref<8x125xi32, #tpu.memory_space<vmem>>, vector<16xi32>,
      tpu.vector_store_idx %arg15[%get3A_1317], %broadcast_in_dim3A_122 {add = true} : memref<10000xf32, #tpu.memory_space<vmem>>[vector<16xi32>], vector<16xf32>,
      %get3A_1318 = arith.constant 4 : i32
      %get3A_1319 = arith.index_cast %get3A_1318 : i32 to index
      %get3A_1320 = arith.constant 32 : index
      %get3A_1321 = tpu.vector_load %arg12[%get3A_1319, %get3A_1320] {strides = array<i32>} : memref<8x125xi32, #tpu.memory_space<vmem>>, vector<16xi32>,
      tpu.vector_store_idx %arg15[%get3A_1321], %broadcast_in_dim3A_122 {add = true} : memref<10000xf32, #tpu.memory_space<vmem>>[vector<16xi32>], vector<16xf32>,
      %get3A_1322 = arith.constant 4 : i32
      %get3A_1323 = arith.index_cast %get3A_1322 : i32 to index
      %get3A_1324 = arith.constant 48 : index
      %get3A_1325 = tpu.vector_load %arg12[%get3A_1323, %get3A_1324] {strides = array<i32>} : memref<8x125xi32, #tpu.memory_space<vmem>>, vector<16xi32>,
      tpu.vector_store_idx %arg15[%get3A_1325], %broadcast_in_dim3A_122 {add = true} : memref<10000xf32, #tpu.memory_space<vmem>>[vector<16xi32>], vector<16xf32>,
      %get3A_1326 = arith.constant 4 : i32
      %get3A_1327 = arith.index_cast %get3A_1326 : i32 to index
      %get3A_1328 = arith.constant 64 : index
      %get3A_1329 = tpu.vector_load %arg12[%get3A_1327, %get3A_1328] {strides = array<i32>} : memref<8x125xi32, #tpu.memory_space<vmem>>, vector<16xi32>,
      tpu.vector_store_idx %arg15[%get3A_1329], %broadcast_in_dim3A_122 {add = true} : memref<10000xf32, #tpu.memory_space<vmem>>[vector<16xi32>], vector<16xf32>,
      %get3A_1330 = arith.constant 4 : i32
      %get3A_1331 = arith.index_cast %get3A_1330 : i32 to index
      %get3A_1332 = arith.constant 80 : index
      %get3A_1333 = tpu.vector_load %arg12[%get3A_1331, %get3A_1332] {strides = array<i32>} : memref<8x125xi32, #tpu.memory_space<vmem>>, vector<16xi32>,
      tpu.vector_store_idx %arg15[%get3A_1333], %broadcast_in_dim3A_122 {add = true} : memref<10000xf32, #tpu.memory_space<vmem>>[vector<16xi32>], vector<16xf32>,
      %get3A_1334 = arith.constant 4 : i32
      %get3A_1335 = arith.index_cast %get3A_1334 : i32 to index
      %get3A_1336 = arith.constant 96 : index
      %get3A_1337 = tpu.vector_load %arg12[%get3A_1335, %get3A_1336] {strides = array<i32>} : memref<8x125xi32, #tpu.memory_space<vmem>>, vector<16xi32>,
      tpu.vector_store_idx %arg15[%get3A_1337], %broadcast_in_dim3A_122 {add = true} : memref<10000xf32, #tpu.memory_space<vmem>>[vector<16xi32>], vector<16xf32>,
      %get3A_1338 = arith.constant 4 : i32
      %get3A_1339 = arith.index_cast %get3A_1338 : i32 to index
      %get3A_1340 = arith.constant 109 : index
      %get3A_1341 = tpu.vector_load %arg12[%get3A_1339, %get3A_1340] {strides = array<i32>} : memref<8x125xi32, #tpu.memory_space<vmem>>, vector<16xi32>,
      tpu.vector_store_idx %arg15[%get3A_1341], %broadcast_in_dim3A_122 masked %ge3A_124 {add = true} : memref<10000xf32, #tpu.memory_space<vmem>>[vector<16xi32>], vector<16xf32>, vector<16xi1>
      %ge3A_1342 = arith.constant 1 : i32
      %ge3A_1343 = arith.cmpi sge, %add3A_1295, %ge3A_1342 : i32
      %convert_element_type3A_1344 = arith.extui %ge3A_1343 : i1 to i32
      %cond3A_1345 = arith.constant 0 : i32
      %cond3A_1346 = arith.cmpi ne, %convert_element_type3A_1344, %cond3A_1345 : i32
      scf.if %cond3A_1346 {
        %dma_wait3A_1535 = arith.constant 5 : i32
        %dma_wait3A_1536 = arith.constant 0 : i32
        %dma_wait3A_1537 = tpu.memref_slice %arg12[%dma_wait3A_1535, %dma_wait3A_1536] : memref<8x125xi32, #tpu.memory_space<vmem>> -> memref<1x125xi32, #tpu.memory_space<vmem>>
        %dma_wait3A_1538 = tpu.memref_squeeze %dma_wait3A_1537 : memref<1x125xi32, #tpu.memory_space<vmem>> -> memref<125xi32, #tpu.memory_space<vmem>>
        %dma_wait3A_1539 = arith.constant 0 : i32
        %dma_wait3A_1540 = arith.constant 0 : i32
        %dma_wait3A_1541 = tpu.memref_slice %arg16[%dma_wait3A_1539, %dma_wait3A_1540] : memref<10000x128xf32, #tpu.memory_space<vmem_shared>> -> memref<10000x128xf32, #tpu.memory_space<vmem_shared>>
        tpu.wait_indirect_dma semaphore(%arg22 : memref<!tpu.dma_semaphore, #tpu.memory_space<semaphore_mem>>) src(%arg14 : memref<125x128xf32, #tpu.memory_space<vmem>>) dst(%dma_wait3A_1541 : memref<10000x128xf32, #tpu.memory_space<vmem_shared>>)
      } else {
      }
      %dma_start3A_1347 = arith.constant 5 : i32
      %dma_start3A_1348 = arith.constant 0 : i32
      %dma_start3A_1349 = tpu.memref_slice %arg10[%dma_start3A_1347, %dma_start3A_1348] : memref<8x125xi32, #tpu.memory_space<vmem>> -> memref<1x125xi32, #tpu.memory_space<vmem>>
      %dma_start3A_1350 = tpu.memref_squeeze %dma_start3A_1349 : memref<1x125xi32, #tpu.memory_space<vmem>> -> memref<125xi32, #tpu.memory_space<vmem>>
      %dma_start3A_1351 = arith.constant 0 : i32
      %dma_start3A_1352 = arith.constant 0 : i32
      %dma_start3A_1353 = tpu.memref_slice %arg2[%dma_start3A_1351, %dma_start3A_1352] : memref<10000x128xf32, #tpu.memory_space<hbm>> -> memref<10000x128xf32, #tpu.memory_space<hbm>>
      tpu.enqueue_indirect_dma source(%dma_start3A_1353 : memref<10000x128xf32, #tpu.memory_space<hbm>>) target(%arg14 : memref<125x128xf32, #tpu.memory_space<vmem>>) offsets(%dma_start3A_1350 : memref<125xi32, #tpu.memory_space<vmem>>) semaphore(%arg20 : memref<!tpu.dma_semaphore, #tpu.memory_space<semaphore_mem>>)
      %mul3A_1354 = arith.constant 8 : i32
      %mul3A_1355 = arith.muli %add3A_1033, %mul3A_1354 : i32
      %add3A_1356 = arith.constant 5 : i32
      %add3A_1357 = arith.addi %mul3A_1355, %add3A_1356 : i32
      %dma_wait3A_1358 = arith.constant 5 : i32
      %dma_wait3A_1359 = arith.constant 0 : i32
      %dma_wait3A_1360 = tpu.memref_slice %arg10[%dma_wait3A_1358, %dma_wait3A_1359] : memref<8x125xi32, #tpu.memory_space<vmem>> -> memref<1x125xi32, #tpu.memory_space<vmem>>
      %dma_wait3A_1361 = tpu.memref_squeeze %dma_wait3A_1360 : memref<1x125xi32, #tpu.memory_space<vmem>> -> memref<125xi32, #tpu.memory_space<vmem>>
      %dma_wait3A_1362 = arith.constant 0 : i32
      %dma_wait3A_1363 = arith.constant 0 : i32
      %dma_wait3A_1364 = tpu.memref_slice %arg2[%dma_wait3A_1362, %dma_wait3A_1363] : memref<10000x128xf32, #tpu.memory_space<hbm>> -> memref<10000x128xf32, #tpu.memory_space<hbm>>
      tpu.wait_indirect_dma semaphore(%arg20 : memref<!tpu.dma_semaphore, #tpu.memory_space<semaphore_mem>>) src(%dma_wait3A_1364 : memref<10000x128xf32, #tpu.memory_space<hbm>>) dst(%arg14 : memref<125x128xf32, #tpu.memory_space<vmem>>)
      %dma_start3A_1365 = arith.constant 5 : i32
      %dma_start3A_1366 = arith.constant 0 : i32
      %dma_start3A_1367 = tpu.memref_slice %arg12[%dma_start3A_1365, %dma_start3A_1366] : memref<8x125xi32, #tpu.memory_space<vmem>> -> memref<1x125xi32, #tpu.memory_space<vmem>>
      %dma_start3A_1368 = tpu.memref_squeeze %dma_start3A_1367 : memref<1x125xi32, #tpu.memory_space<vmem>> -> memref<125xi32, #tpu.memory_space<vmem>>
      %dma_start3A_1369 = arith.constant 0 : i32
      %dma_start3A_1370 = arith.constant 0 : i32
      %dma_start3A_1371 = tpu.memref_slice %arg16[%dma_start3A_1369, %dma_start3A_1370] : memref<10000x128xf32, #tpu.memory_space<vmem_shared>> -> memref<10000x128xf32, #tpu.memory_space<vmem_shared>>
      tpu.enqueue_indirect_dma source(%arg14 : memref<125x128xf32, #tpu.memory_space<vmem>>) target(%dma_start3A_1371 : memref<10000x128xf32, #tpu.memory_space<vmem_shared>>) offsets(%dma_start3A_1368 : memref<125xi32, #tpu.memory_space<vmem>>) semaphore(%arg22 : memref<!tpu.dma_semaphore, #tpu.memory_space<semaphore_mem>>) {add = true}
      %get3A_1372 = arith.constant 5 : i32
      %get3A_1373 = arith.index_cast %get3A_1372 : i32 to index
      %get3A_1374 = arith.constant 0 : index
      %get3A_1375 = tpu.vector_load %arg12[%get3A_1373, %get3A_1374] {strides = array<i32>} : memref<8x125xi32, #tpu.memory_space<vmem>>, vector<16xi32>,
      tpu.vector_store_idx %arg15[%get3A_1375], %broadcast_in_dim3A_122 {add = true} : memref<10000xf32, #tpu.memory_space<vmem>>[vector<16xi32>], vector<16xf32>,
      %get3A_1376 = arith.constant 5 : i32
      %get3A_1377 = arith.index_cast %get3A_1376 : i32 to index
      %get3A_1378 = arith.constant 16 : index
      %get3A_1379 = tpu.vector_load %arg12[%get3A_1377, %get3A_1378] {strides = array<i32>} : memref<8x125xi32, #tpu.memory_space<vmem>>, vector<16xi32>,
      tpu.vector_store_idx %arg15[%get3A_1379], %broadcast_in_dim3A_122 {add = true} : memref<10000xf32, #tpu.memory_space<vmem>>[vector<16xi32>], vector<16xf32>,
      %get3A_1380 = arith.constant 5 : i32
      %get3A_1381 = arith.index_cast %get3A_1380 : i32 to index
      %get3A_1382 = arith.constant 32 : index
      %get3A_1383 = tpu.vector_load %arg12[%get3A_1381, %get3A_1382] {strides = array<i32>} : memref<8x125xi32, #tpu.memory_space<vmem>>, vector<16xi32>,
      tpu.vector_store_idx %arg15[%get3A_1383], %broadcast_in_dim3A_122 {add = true} : memref<10000xf32, #tpu.memory_space<vmem>>[vector<16xi32>], vector<16xf32>,
      %get3A_1384 = arith.constant 5 : i32
      %get3A_1385 = arith.index_cast %get3A_1384 : i32 to index
      %get3A_1386 = arith.constant 48 : index
      %get3A_1387 = tpu.vector_load %arg12[%get3A_1385, %get3A_1386] {strides = array<i32>} : memref<8x125xi32, #tpu.memory_space<vmem>>, vector<16xi32>,
      tpu.vector_store_idx %arg15[%get3A_1387], %broadcast_in_dim3A_122 {add = true} : memref<10000xf32, #tpu.memory_space<vmem>>[vector<16xi32>], vector<16xf32>,
      %get3A_1388 = arith.constant 5 : i32
      %get3A_1389 = arith.index_cast %get3A_1388 : i32 to index
      %get3A_1390 = arith.constant 64 : index
      %get3A_1391 = tpu.vector_load %arg12[%get3A_1389, %get3A_1390] {strides = array<i32>} : memref<8x125xi32, #tpu.memory_space<vmem>>, vector<16xi32>,
      tpu.vector_store_idx %arg15[%get3A_1391], %broadcast_in_dim3A_122 {add = true} : memref<10000xf32, #tpu.memory_space<vmem>>[vector<16xi32>], vector<16xf32>,
      %get3A_1392 = arith.constant 5 : i32
      %get3A_1393 = arith.index_cast %get3A_1392 : i32 to index
      %get3A_1394 = arith.constant 80 : index
      %get3A_1395 = tpu.vector_load %arg12[%get3A_1393, %get3A_1394] {strides = array<i32>} : memref<8x125xi32, #tpu.memory_space<vmem>>, vector<16xi32>,
      tpu.vector_store_idx %arg15[%get3A_1395], %broadcast_in_dim3A_122 {add = true} : memref<10000xf32, #tpu.memory_space<vmem>>[vector<16xi32>], vector<16xf32>,
      %get3A_1396 = arith.constant 5 : i32
      %get3A_1397 = arith.index_cast %get3A_1396 : i32 to index
      %get3A_1398 = arith.constant 96 : index
      %get3A_1399 = tpu.vector_load %arg12[%get3A_1397, %get3A_1398] {strides = array<i32>} : memref<8x125xi32, #tpu.memory_space<vmem>>, vector<16xi32>,
      tpu.vector_store_idx %arg15[%get3A_1399], %broadcast_in_dim3A_122 {add = true} : memref<10000xf32, #tpu.memory_space<vmem>>[vector<16xi32>], vector<16xf32>,
      %get3A_1400 = arith.constant 5 : i32
      %get3A_1401 = arith.index_cast %get3A_1400 : i32 to index
      %get3A_1402 = arith.constant 109 : index
      %get3A_1403 = tpu.vector_load %arg12[%get3A_1401, %get3A_1402] {strides = array<i32>} : memref<8x125xi32, #tpu.memory_space<vmem>>, vector<16xi32>,
      tpu.vector_store_idx %arg15[%get3A_1403], %broadcast_in_dim3A_122 masked %ge3A_124 {add = true} : memref<10000xf32, #tpu.memory_space<vmem>>[vector<16xi32>], vector<16xf32>, vector<16xi1>
      %ge3A_1404 = arith.constant 1 : i32
      %ge3A_1405 = arith.cmpi sge, %add3A_1357, %ge3A_1404 : i32
      %convert_element_type3A_1406 = arith.extui %ge3A_1405 : i1 to i32
      %cond3A_1407 = arith.constant 0 : i32
      %cond3A_1408 = arith.cmpi ne, %convert_element_type3A_1406, %cond3A_1407 : i32
      scf.if %cond3A_1408 {
        %dma_wait3A_1535 = arith.constant 6 : i32
        %dma_wait3A_1536 = arith.constant 0 : i32
        %dma_wait3A_1537 = tpu.memref_slice %arg12[%dma_wait3A_1535, %dma_wait3A_1536] : memref<8x125xi32, #tpu.memory_space<vmem>> -> memref<1x125xi32, #tpu.memory_space<vmem>>
        %dma_wait3A_1538 = tpu.memref_squeeze %dma_wait3A_1537 : memref<1x125xi32, #tpu.memory_space<vmem>> -> memref<125xi32, #tpu.memory_space<vmem>>
        %dma_wait3A_1539 = arith.constant 0 : i32
        %dma_wait3A_1540 = arith.constant 0 : i32
        %dma_wait3A_1541 = tpu.memref_slice %arg16[%dma_wait3A_1539, %dma_wait3A_1540] : memref<10000x128xf32, #tpu.memory_space<vmem_shared>> -> memref<10000x128xf32, #tpu.memory_space<vmem_shared>>
        tpu.wait_indirect_dma semaphore(%arg21 : memref<!tpu.dma_semaphore, #tpu.memory_space<semaphore_mem>>) src(%arg13 : memref<125x128xf32, #tpu.memory_space<vmem>>) dst(%dma_wait3A_1541 : memref<10000x128xf32, #tpu.memory_space<vmem_shared>>)
      } else {
      }
      %dma_start3A_1409 = arith.constant 6 : i32
      %dma_start3A_1410 = arith.constant 0 : i32
      %dma_start3A_1411 = tpu.memref_slice %arg10[%dma_start3A_1409, %dma_start3A_1410] : memref<8x125xi32, #tpu.memory_space<vmem>> -> memref<1x125xi32, #tpu.memory_space<vmem>>
      %dma_start3A_1412 = tpu.memref_squeeze %dma_start3A_1411 : memref<1x125xi32, #tpu.memory_space<vmem>> -> memref<125xi32, #tpu.memory_space<vmem>>
      %dma_start3A_1413 = arith.constant 0 : i32
      %dma_start3A_1414 = arith.constant 0 : i32
      %dma_start3A_1415 = tpu.memref_slice %arg2[%dma_start3A_1413, %dma_start3A_1414] : memref<10000x128xf32, #tpu.memory_space<hbm>> -> memref<10000x128xf32, #tpu.memory_space<hbm>>
      tpu.enqueue_indirect_dma source(%dma_start3A_1415 : memref<10000x128xf32, #tpu.memory_space<hbm>>) target(%arg13 : memref<125x128xf32, #tpu.memory_space<vmem>>) offsets(%dma_start3A_1412 : memref<125xi32, #tpu.memory_space<vmem>>) semaphore(%arg19 : memref<!tpu.dma_semaphore, #tpu.memory_space<semaphore_mem>>)
      %mul3A_1416 = arith.constant 8 : i32
      %mul3A_1417 = arith.muli %add3A_1033, %mul3A_1416 : i32
      %add3A_1418 = arith.constant 6 : i32
      %add3A_1419 = arith.addi %mul3A_1417, %add3A_1418 : i32
      %dma_wait3A_1420 = arith.constant 6 : i32
      %dma_wait3A_1421 = arith.constant 0 : i32
      %dma_wait3A_1422 = tpu.memref_slice %arg10[%dma_wait3A_1420, %dma_wait3A_1421] : memref<8x125xi32, #tpu.memory_space<vmem>> -> memref<1x125xi32, #tpu.memory_space<vmem>>
      %dma_wait3A_1423 = tpu.memref_squeeze %dma_wait3A_1422 : memref<1x125xi32, #tpu.memory_space<vmem>> -> memref<125xi32, #tpu.memory_space<vmem>>
      %dma_wait3A_1424 = arith.constant 0 : i32
      %dma_wait3A_1425 = arith.constant 0 : i32
      %dma_wait3A_1426 = tpu.memref_slice %arg2[%dma_wait3A_1424, %dma_wait3A_1425] : memref<10000x128xf32, #tpu.memory_space<hbm>> -> memref<10000x128xf32, #tpu.memory_space<hbm>>
      tpu.wait_indirect_dma semaphore(%arg19 : memref<!tpu.dma_semaphore, #tpu.memory_space<semaphore_mem>>) src(%dma_wait3A_1426 : memref<10000x128xf32, #tpu.memory_space<hbm>>) dst(%arg13 : memref<125x128xf32, #tpu.memory_space<vmem>>)
      %dma_start3A_1427 = arith.constant 6 : i32
      %dma_start3A_1428 = arith.constant 0 : i32
      %dma_start3A_1429 = tpu.memref_slice %arg12[%dma_start3A_1427, %dma_start3A_1428] : memref<8x125xi32, #tpu.memory_space<vmem>> -> memref<1x125xi32, #tpu.memory_space<vmem>>
      %dma_start3A_1430 = tpu.memref_squeeze %dma_start3A_1429 : memref<1x125xi32, #tpu.memory_space<vmem>> -> memref<125xi32, #tpu.memory_space<vmem>>
      %dma_start3A_1431 = arith.constant 0 : i32
      %dma_start3A_1432 = arith.constant 0 : i32
      %dma_start3A_1433 = tpu.memref_slice %arg16[%dma_start3A_1431, %dma_start3A_1432] : memref<10000x128xf32, #tpu.memory_space<vmem_shared>> -> memref<10000x128xf32, #tpu.memory_space<vmem_shared>>
      tpu.enqueue_indirect_dma source(%arg13 : memref<125x128xf32, #tpu.memory_space<vmem>>) target(%dma_start3A_1433 : memref<10000x128xf32, #tpu.memory_space<vmem_shared>>) offsets(%dma_start3A_1430 : memref<125xi32, #tpu.memory_space<vmem>>) semaphore(%arg21 : memref<!tpu.dma_semaphore, #tpu.memory_space<semaphore_mem>>) {add = true}
      %get3A_1434 = arith.constant 6 : i32
      %get3A_1435 = arith.index_cast %get3A_1434 : i32 to index
      %get3A_1436 = arith.constant 0 : index
      %get3A_1437 = tpu.vector_load %arg12[%get3A_1435, %get3A_1436] {strides = array<i32>} : memref<8x125xi32, #tpu.memory_space<vmem>>, vector<16xi32>,
      tpu.vector_store_idx %arg15[%get3A_1437], %broadcast_in_dim3A_122 {add = true} : memref<10000xf32, #tpu.memory_space<vmem>>[vector<16xi32>], vector<16xf32>,
      %get3A_1438 = arith.constant 6 : i32
      %get3A_1439 = arith.index_cast %get3A_1438 : i32 to index
      %get3A_1440 = arith.constant 16 : index
      %get3A_1441 = tpu.vector_load %arg12[%get3A_1439, %get3A_1440] {strides = array<i32>} : memref<8x125xi32, #tpu.memory_space<vmem>>, vector<16xi32>,
      tpu.vector_store_idx %arg15[%get3A_1441], %broadcast_in_dim3A_122 {add = true} : memref<10000xf32, #tpu.memory_space<vmem>>[vector<16xi32>], vector<16xf32>,
      %get3A_1442 = arith.constant 6 : i32
      %get3A_1443 = arith.index_cast %get3A_1442 : i32 to index
      %get3A_1444 = arith.constant 32 : index
      %get3A_1445 = tpu.vector_load %arg12[%get3A_1443, %get3A_1444] {strides = array<i32>} : memref<8x125xi32, #tpu.memory_space<vmem>>, vector<16xi32>,
      tpu.vector_store_idx %arg15[%get3A_1445], %broadcast_in_dim3A_122 {add = true} : memref<10000xf32, #tpu.memory_space<vmem>>[vector<16xi32>], vector<16xf32>,
      %get3A_1446 = arith.constant 6 : i32
      %get3A_1447 = arith.index_cast %get3A_1446 : i32 to index
      %get3A_1448 = arith.constant 48 : index
      %get3A_1449 = tpu.vector_load %arg12[%get3A_1447, %get3A_1448] {strides = array<i32>} : memref<8x125xi32, #tpu.memory_space<vmem>>, vector<16xi32>,
      tpu.vector_store_idx %arg15[%get3A_1449], %broadcast_in_dim3A_122 {add = true} : memref<10000xf32, #tpu.memory_space<vmem>>[vector<16xi32>], vector<16xf32>,
      %get3A_1450 = arith.constant 6 : i32
      %get3A_1451 = arith.index_cast %get3A_1450 : i32 to index
      %get3A_1452 = arith.constant 64 : index
      %get3A_1453 = tpu.vector_load %arg12[%get3A_1451, %get3A_1452] {strides = array<i32>} : memref<8x125xi32, #tpu.memory_space<vmem>>, vector<16xi32>,
      tpu.vector_store_idx %arg15[%get3A_1453], %broadcast_in_dim3A_122 {add = true} : memref<10000xf32, #tpu.memory_space<vmem>>[vector<16xi32>], vector<16xf32>,
      %get3A_1454 = arith.constant 6 : i32
      %get3A_1455 = arith.index_cast %get3A_1454 : i32 to index
      %get3A_1456 = arith.constant 80 : index
      %get3A_1457 = tpu.vector_load %arg12[%get3A_1455, %get3A_1456] {strides = array<i32>} : memref<8x125xi32, #tpu.memory_space<vmem>>, vector<16xi32>,
      tpu.vector_store_idx %arg15[%get3A_1457], %broadcast_in_dim3A_122 {add = true} : memref<10000xf32, #tpu.memory_space<vmem>>[vector<16xi32>], vector<16xf32>,
      %get3A_1458 = arith.constant 6 : i32
      %get3A_1459 = arith.index_cast %get3A_1458 : i32 to index
      %get3A_1460 = arith.constant 96 : index
      %get3A_1461 = tpu.vector_load %arg12[%get3A_1459, %get3A_1460] {strides = array<i32>} : memref<8x125xi32, #tpu.memory_space<vmem>>, vector<16xi32>,
      tpu.vector_store_idx %arg15[%get3A_1461], %broadcast_in_dim3A_122 {add = true} : memref<10000xf32, #tpu.memory_space<vmem>>[vector<16xi32>], vector<16xf32>,
      %get3A_1462 = arith.constant 6 : i32
      %get3A_1463 = arith.index_cast %get3A_1462 : i32 to index
      %get3A_1464 = arith.constant 109 : index
      %get3A_1465 = tpu.vector_load %arg12[%get3A_1463, %get3A_1464] {strides = array<i32>} : memref<8x125xi32, #tpu.memory_space<vmem>>, vector<16xi32>,
      tpu.vector_store_idx %arg15[%get3A_1465], %broadcast_in_dim3A_122 masked %ge3A_124 {add = true} : memref<10000xf32, #tpu.memory_space<vmem>>[vector<16xi32>], vector<16xf32>, vector<16xi1>
      %ge3A_1466 = arith.constant 1 : i32
      %ge3A_1467 = arith.cmpi sge, %add3A_1419, %ge3A_1466 : i32
      %convert_element_type3A_1468 = arith.extui %ge3A_1467 : i1 to i32
      %cond3A_1469 = arith.constant 0 : i32
      %cond3A_1470 = arith.cmpi ne, %convert_element_type3A_1468, %cond3A_1469 : i32
      scf.if %cond3A_1470 {
        %dma_wait3A_1535 = arith.constant 7 : i32
        %dma_wait3A_1536 = arith.constant 0 : i32
        %dma_wait3A_1537 = tpu.memref_slice %arg12[%dma_wait3A_1535, %dma_wait3A_1536] : memref<8x125xi32, #tpu.memory_space<vmem>> -> memref<1x125xi32, #tpu.memory_space<vmem>>
        %dma_wait3A_1538 = tpu.memref_squeeze %dma_wait3A_1537 : memref<1x125xi32, #tpu.memory_space<vmem>> -> memref<125xi32, #tpu.memory_space<vmem>>
        %dma_wait3A_1539 = arith.constant 0 : i32
        %dma_wait3A_1540 = arith.constant 0 : i32
        %dma_wait3A_1541 = tpu.memref_slice %arg16[%dma_wait3A_1539, %dma_wait3A_1540] : memref<10000x128xf32, #tpu.memory_space<vmem_shared>> -> memref<10000x128xf32, #tpu.memory_space<vmem_shared>>
        tpu.wait_indirect_dma semaphore(%arg22 : memref<!tpu.dma_semaphore, #tpu.memory_space<semaphore_mem>>) src(%arg14 : memref<125x128xf32, #tpu.memory_space<vmem>>) dst(%dma_wait3A_1541 : memref<10000x128xf32, #tpu.memory_space<vmem_shared>>)
      } else {
      }
      %dma_start3A_1471 = arith.constant 7 : i32
      %dma_start3A_1472 = arith.constant 0 : i32
      %dma_start3A_1473 = tpu.memref_slice %arg10[%dma_start3A_1471, %dma_start3A_1472] : memref<8x125xi32, #tpu.memory_space<vmem>> -> memref<1x125xi32, #tpu.memory_space<vmem>>
      %dma_start3A_1474 = tpu.memref_squeeze %dma_start3A_1473 : memref<1x125xi32, #tpu.memory_space<vmem>> -> memref<125xi32, #tpu.memory_space<vmem>>
      %dma_start3A_1475 = arith.constant 0 : i32
      %dma_start3A_1476 = arith.constant 0 : i32
      %dma_start3A_1477 = tpu.memref_slice %arg2[%dma_start3A_1475, %dma_start3A_1476] : memref<10000x128xf32, #tpu.memory_space<hbm>> -> memref<10000x128xf32, #tpu.memory_space<hbm>>
      tpu.enqueue_indirect_dma source(%dma_start3A_1477 : memref<10000x128xf32, #tpu.memory_space<hbm>>) target(%arg14 : memref<125x128xf32, #tpu.memory_space<vmem>>) offsets(%dma_start3A_1474 : memref<125xi32, #tpu.memory_space<vmem>>) semaphore(%arg20 : memref<!tpu.dma_semaphore, #tpu.memory_space<semaphore_mem>>)
      %mul3A_1478 = arith.constant 8 : i32
      %mul3A_1479 = arith.muli %add3A_1033, %mul3A_1478 : i32
      %add3A_1480 = arith.constant 7 : i32
      %add3A_1481 = arith.addi %mul3A_1479, %add3A_1480 : i32
      %dma_wait3A_1482 = arith.constant 7 : i32
      %dma_wait3A_1483 = arith.constant 0 : i32
      %dma_wait3A_1484 = tpu.memref_slice %arg10[%dma_wait3A_1482, %dma_wait3A_1483] : memref<8x125xi32, #tpu.memory_space<vmem>> -> memref<1x125xi32, #tpu.memory_space<vmem>>
      %dma_wait3A_1485 = tpu.memref_squeeze %dma_wait3A_1484 : memref<1x125xi32, #tpu.memory_space<vmem>> -> memref<125xi32, #tpu.memory_space<vmem>>
      %dma_wait3A_1486 = arith.constant 0 : i32
      %dma_wait3A_1487 = arith.constant 0 : i32
      %dma_wait3A_1488 = tpu.memref_slice %arg2[%dma_wait3A_1486, %dma_wait3A_1487] : memref<10000x128xf32, #tpu.memory_space<hbm>> -> memref<10000x128xf32, #tpu.memory_space<hbm>>
      tpu.wait_indirect_dma semaphore(%arg20 : memref<!tpu.dma_semaphore, #tpu.memory_space<semaphore_mem>>) src(%dma_wait3A_1488 : memref<10000x128xf32, #tpu.memory_space<hbm>>) dst(%arg14 : memref<125x128xf32, #tpu.memory_space<vmem>>)
      %dma_start3A_1489 = arith.constant 7 : i32
      %dma_start3A_1490 = arith.constant 0 : i32
      %dma_start3A_1491 = tpu.memref_slice %arg12[%dma_start3A_1489, %dma_start3A_1490] : memref<8x125xi32, #tpu.memory_space<vmem>> -> memref<1x125xi32, #tpu.memory_space<vmem>>
      %dma_start3A_1492 = tpu.memref_squeeze %dma_start3A_1491 : memref<1x125xi32, #tpu.memory_space<vmem>> -> memref<125xi32, #tpu.memory_space<vmem>>
      %dma_start3A_1493 = arith.constant 0 : i32
      %dma_start3A_1494 = arith.constant 0 : i32
      %dma_start3A_1495 = tpu.memref_slice %arg16[%dma_start3A_1493, %dma_start3A_1494] : memref<10000x128xf32, #tpu.memory_space<vmem_shared>> -> memref<10000x128xf32, #tpu.memory_space<vmem_shared>>
      tpu.enqueue_indirect_dma source(%arg14 : memref<125x128xf32, #tpu.memory_space<vmem>>) target(%dma_start3A_1495 : memref<10000x128xf32, #tpu.memory_space<vmem_shared>>) offsets(%dma_start3A_1492 : memref<125xi32, #tpu.memory_space<vmem>>) semaphore(%arg22 : memref<!tpu.dma_semaphore, #tpu.memory_space<semaphore_mem>>) {add = true}
      %get3A_1496 = arith.constant 7 : i32
      %get3A_1497 = arith.index_cast %get3A_1496 : i32 to index
      %get3A_1498 = arith.constant 0 : index
      %get3A_1499 = tpu.vector_load %arg12[%get3A_1497, %get3A_1498] {strides = array<i32>} : memref<8x125xi32, #tpu.memory_space<vmem>>, vector<16xi32>,
      tpu.vector_store_idx %arg15[%get3A_1499], %broadcast_in_dim3A_122 {add = true} : memref<10000xf32, #tpu.memory_space<vmem>>[vector<16xi32>], vector<16xf32>,
      %get3A_1500 = arith.constant 7 : i32
      %get3A_1501 = arith.index_cast %get3A_1500 : i32 to index
      %get3A_1502 = arith.constant 16 : index
      %get3A_1503 = tpu.vector_load %arg12[%get3A_1501, %get3A_1502] {strides = array<i32>} : memref<8x125xi32, #tpu.memory_space<vmem>>, vector<16xi32>,
      tpu.vector_store_idx %arg15[%get3A_1503], %broadcast_in_dim3A_122 {add = true} : memref<10000xf32, #tpu.memory_space<vmem>>[vector<16xi32>], vector<16xf32>,
      %get3A_1504 = arith.constant 7 : i32
      %get3A_1505 = arith.index_cast %get3A_1504 : i32 to index
      %get3A_1506 = arith.constant 32 : index
      %get3A_1507 = tpu.vector_load %arg12[%get3A_1505, %get3A_1506] {strides = array<i32>} : memref<8x125xi32, #tpu.memory_space<vmem>>, vector<16xi32>,
      tpu.vector_store_idx %arg15[%get3A_1507], %broadcast_in_dim3A_122 {add = true} : memref<10000xf32, #tpu.memory_space<vmem>>[vector<16xi32>], vector<16xf32>,
      %get3A_1508 = arith.constant 7 : i32
      %get3A_1509 = arith.index_cast %get3A_1508 : i32 to index
      %get3A_1510 = arith.constant 48 : index
      %get3A_1511 = tpu.vector_load %arg12[%get3A_1509, %get3A_1510] {strides = array<i32>} : memref<8x125xi32, #tpu.memory_space<vmem>>, vector<16xi32>,
      tpu.vector_store_idx %arg15[%get3A_1511], %broadcast_in_dim3A_122 {add = true} : memref<10000xf32, #tpu.memory_space<vmem>>[vector<16xi32>], vector<16xf32>,
      %get3A_1512 = arith.constant 7 : i32
      %get3A_1513 = arith.index_cast %get3A_1512 : i32 to index
      %get3A_1514 = arith.constant 64 : index
      %get3A_1515 = tpu.vector_load %arg12[%get3A_1513, %get3A_1514] {strides = array<i32>} : memref<8x125xi32, #tpu.memory_space<vmem>>, vector<16xi32>,
      tpu.vector_store_idx %arg15[%get3A_1515], %broadcast_in_dim3A_122 {add = true} : memref<10000xf32, #tpu.memory_space<vmem>>[vector<16xi32>], vector<16xf32>,
      %get3A_1516 = arith.constant 7 : i32
      %get3A_1517 = arith.index_cast %get3A_1516 : i32 to index
      %get3A_1518 = arith.constant 80 : index
      %get3A_1519 = tpu.vector_load %arg12[%get3A_1517, %get3A_1518] {strides = array<i32>} : memref<8x125xi32, #tpu.memory_space<vmem>>, vector<16xi32>,
      tpu.vector_store_idx %arg15[%get3A_1519], %broadcast_in_dim3A_122 {add = true} : memref<10000xf32, #tpu.memory_space<vmem>>[vector<16xi32>], vector<16xf32>,
      %get3A_1520 = arith.constant 7 : i32
      %get3A_1521 = arith.index_cast %get3A_1520 : i32 to index
      %get3A_1522 = arith.constant 96 : index
      %get3A_1523 = tpu.vector_load %arg12[%get3A_1521, %get3A_1522] {strides = array<i32>} : memref<8x125xi32, #tpu.memory_space<vmem>>, vector<16xi32>,
      tpu.vector_store_idx %arg15[%get3A_1523], %broadcast_in_dim3A_122 {add = true} : memref<10000xf32, #tpu.memory_space<vmem>>[vector<16xi32>], vector<16xf32>,
      %get3A_1524 = arith.constant 7 : i32
      %get3A_1525 = arith.index_cast %get3A_1524 : i32 to index
      %get3A_1526 = arith.constant 109 : index
      %get3A_1527 = tpu.vector_load %arg12[%get3A_1525, %get3A_1526] {strides = array<i32>} : memref<8x125xi32, #tpu.memory_space<vmem>>, vector<16xi32>,
      tpu.vector_store_idx %arg15[%get3A_1527], %broadcast_in_dim3A_122 masked %ge3A_124 {add = true} : memref<10000xf32, #tpu.memory_space<vmem>>[vector<16xi32>], vector<16xf32>, vector<16xi1>
      %add3A_1528 = arith.constant 1 : i32
      %add3A_1529 = arith.addi %add3A_1481, %add3A_1528 : i32
      %lt3A_1530 = arith.constant 80 : i32
      %lt3A_1531 = arith.cmpi slt, %add3A_1529, %lt3A_1530 : i32
      %convert_element_type3A_1532 = arith.extui %lt3A_1531 : i1 to i32
      %cond3A_1533 = arith.constant 0 : i32
      %cond3A_1534 = arith.cmpi ne, %convert_element_type3A_1532, %cond3A_1533 : i32
      scf.if %cond3A_1534 {
        %dma_wait3A_1535 = arith.constant 7 : i32
        %dma_wait3A_1536 = arith.constant 0 : i32
        %dma_wait3A_1537 = tpu.memref_slice %arg12[%dma_wait3A_1535, %dma_wait3A_1536] : memref<8x125xi32, #tpu.memory_space<vmem>> -> memref<1x125xi32, #tpu.memory_space<vmem>>
        %dma_wait3A_1538 = tpu.memref_squeeze %dma_wait3A_1537 : memref<1x125xi32, #tpu.memory_space<vmem>> -> memref<125xi32, #tpu.memory_space<vmem>>
        %dma_wait3A_1539 = arith.constant 0 : i32
        %dma_wait3A_1540 = arith.constant 0 : i32
        %dma_wait3A_1541 = tpu.memref_slice %arg16[%dma_wait3A_1539, %dma_wait3A_1540] : memref<10000x128xf32, #tpu.memory_space<vmem_shared>> -> memref<10000x128xf32, #tpu.memory_space<vmem_shared>>
        tpu.wait_indirect_dma semaphore(%arg21 : memref<!tpu.dma_semaphore, #tpu.memory_space<semaphore_mem>>) src(%arg13 : memref<125x128xf32, #tpu.memory_space<vmem>>) dst(%dma_wait3A_1541 : memref<10000x128xf32, #tpu.memory_space<vmem_shared>>)
        %add3A_1542 = arith.constant 1 : i32
        %add3A_1543 = arith.addi %add3A_1033, %add3A_1542 : i32
        %dma_wait3A_1544 = arith.constant 0 : i32
        %dma_wait3A_1545 = arith.constant 0 : i32
        %dma_wait3A_1546 = arith.constant 0 : i32
        %dma_wait3A_1547 = tpu.memref_slice %arg3[%add3A, %dma_wait3A_1544, %dma_wait3A_1545, %dma_wait3A_1546] : memref<32x10x8x125xi32, #tpu.memory_space<hbm>> -> memref<1x10x8x125xi32, #tpu.memory_space<hbm>>
        %dma_wait3A_1548 = tpu.memref_squeeze %dma_wait3A_1547 : memref<1x10x8x125xi32, #tpu.memory_space<hbm>> -> memref<10x8x125xi32, #tpu.memory_space<hbm>>
        %dma_wait3A_1549 = arith.constant 0 : i32
        %dma_wait3A_1550 = arith.constant 0 : i32
        %dma_wait3A_1551 = tpu.memref_slice %dma_wait3A_1548[%add3A_1543, %dma_wait3A_1549, %dma_wait3A_1550] : memref<10x8x125xi32, #tpu.memory_space<hbm>> -> memref<1x8x125xi32, #tpu.memory_space<hbm>>
        %dma_wait3A_1552 = tpu.memref_squeeze %dma_wait3A_1551 : memref<1x8x125xi32, #tpu.memory_space<hbm>> -> memref<8x125xi32, #tpu.memory_space<hbm>>
        %dma_wait3A_1553 = arith.constant 0 : i32
        %dma_wait3A_1554 = arith.constant 0 : i32
        %dma_wait3A_1555 = arith.constant 0 : i32
        %dma_wait3A_1556 = tpu.memref_slice %arg3[%add3A, %dma_wait3A_1553, %dma_wait3A_1554, %dma_wait3A_1555] : memref<32x10x8x125xi32, #tpu.memory_space<hbm>> -> memref<1x10x8x125xi32, #tpu.memory_space<hbm>>
        %dma_wait3A_1557 = tpu.memref_squeeze %dma_wait3A_1556 : memref<1x10x8x125xi32, #tpu.memory_space<hbm>> -> memref<10x8x125xi32, #tpu.memory_space<hbm>>
        %dma_wait3A_1558 = arith.constant 0 : i32
        %dma_wait3A_1559 = arith.constant 0 : i32
        %dma_wait3A_1560 = tpu.memref_slice %dma_wait3A_1557[%add3A_1543, %dma_wait3A_1558, %dma_wait3A_1559] : memref<10x8x125xi32, #tpu.memory_space<hbm>> -> memref<1x8x125xi32, #tpu.memory_space<hbm>>
        %dma_wait3A_1561 = tpu.memref_squeeze %dma_wait3A_1560 : memref<1x8x125xi32, #tpu.memory_space<hbm>> -> memref<8x125xi32, #tpu.memory_space<hbm>>
        tpu.wait_dma2 semaphore(%arg17 : memref<!tpu.dma_semaphore, #tpu.memory_space<semaphore_mem>>) src(%dma_wait3A_1561 : memref<8x125xi32, #tpu.memory_space<hbm>>) dst(%arg9 : memref<8x125xi32, #tpu.memory_space<vmem>>)
        %dma_wait3A_1562 = arith.constant 0 : i32
        %dma_wait3A_1563 = arith.constant 0 : i32
        %dma_wait3A_1564 = arith.constant 0 : i32
        %dma_wait3A_1565 = tpu.memref_slice %arg4[%add3A, %dma_wait3A_1562, %dma_wait3A_1563, %dma_wait3A_1564] : memref<32x10x8x125xi32, #tpu.memory_space<hbm>> -> memref<1x10x8x125xi32, #tpu.memory_space<hbm>>
        %dma_wait3A_1566 = tpu.memref_squeeze %dma_wait3A_1565 : memref<1x10x8x125xi32, #tpu.memory_space<hbm>> -> memref<10x8x125xi32, #tpu.memory_space<hbm>>
        %dma_wait3A_1567 = arith.constant 0 : i32
        %dma_wait3A_1568 = arith.constant 0 : i32
        %dma_wait3A_1569 = tpu.memref_slice %dma_wait3A_1566[%add3A_1543, %dma_wait3A_1567, %dma_wait3A_1568] : memref<10x8x125xi32, #tpu.memory_space<hbm>> -> memref<1x8x125xi32, #tpu.memory_space<hbm>>
        %dma_wait3A_1570 = tpu.memref_squeeze %dma_wait3A_1569 : memref<1x8x125xi32, #tpu.memory_space<hbm>> -> memref<8x125xi32, #tpu.memory_space<hbm>>
        %dma_wait3A_1571 = arith.constant 0 : i32
        %dma_wait3A_1572 = arith.constant 0 : i32
        %dma_wait3A_1573 = arith.constant 0 : i32
        %dma_wait3A_1574 = tpu.memref_slice %arg4[%add3A, %dma_wait3A_1571, %dma_wait3A_1572, %dma_wait3A_1573] : memref<32x10x8x125xi32, #tpu.memory_space<hbm>> -> memref<1x10x8x125xi32, #tpu.memory_space<hbm>>
        %dma_wait3A_1575 = tpu.memref_squeeze %dma_wait3A_1574 : memref<1x10x8x125xi32, #tpu.memory_space<hbm>> -> memref<10x8x125xi32, #tpu.memory_space<hbm>>
        %dma_wait3A_1576 = arith.constant 0 : i32
        %dma_wait3A_1577 = arith.constant 0 : i32
        %dma_wait3A_1578 = tpu.memref_slice %dma_wait3A_1575[%add3A_1543, %dma_wait3A_1576, %dma_wait3A_1577] : memref<10x8x125xi32, #tpu.memory_space<hbm>> -> memref<1x8x125xi32, #tpu.memory_space<hbm>>
        %dma_wait3A_1579 = tpu.memref_squeeze %dma_wait3A_1578 : memref<1x8x125xi32, #tpu.memory_space<hbm>> -> memref<8x125xi32, #tpu.memory_space<hbm>>
        tpu.wait_dma2 semaphore(%arg17 : memref<!tpu.dma_semaphore, #tpu.memory_space<semaphore_mem>>) src(%dma_wait3A_1579 : memref<8x125xi32, #tpu.memory_space<hbm>>) dst(%arg11 : memref<8x125xi32, #tpu.memory_space<vmem>>)
        %dma_start3A_1580 = arith.constant 0 : i32
        %dma_start3A_1581 = arith.constant 0 : i32
        %dma_start3A_1582 = tpu.memref_slice %arg9[%dma_start3A_1580, %dma_start3A_1581] : memref<8x125xi32, #tpu.memory_space<vmem>> -> memref<1x125xi32, #tpu.memory_space<vmem>>
        %dma_start3A_1583 = tpu.memref_squeeze %dma_start3A_1582 : memref<1x125xi32, #tpu.memory_space<vmem>> -> memref<125xi32, #tpu.memory_space<vmem>>
        %dma_start3A_1584 = arith.constant 0 : i32
        %dma_start3A_1585 = arith.constant 0 : i32
        %dma_start3A_1586 = tpu.memref_slice %arg2[%dma_start3A_1584, %dma_start3A_1585] : memref<10000x128xf32, #tpu.memory_space<hbm>> -> memref<10000x128xf32, #tpu.memory_space<hbm>>
        tpu.enqueue_indirect_dma source(%dma_start3A_1586 : memref<10000x128xf32, #tpu.memory_space<hbm>>) target(%arg13 : memref<125x128xf32, #tpu.memory_space<vmem>>) offsets(%dma_start3A_1583 : memref<125xi32, #tpu.memory_space<vmem>>) semaphore(%arg19 : memref<!tpu.dma_semaphore, #tpu.memory_space<semaphore_mem>>)
      } else {
      }
    }
    %scan3A_129 = arith.constant 5 : i32
    %dma_wait3A_130 = arith.constant 0 : i32
    %dma_wait3A_131 = arith.constant 0 : i32
    %dma_wait3A_132 = tpu.memref_slice %arg12[%dma_wait3A_130, %dma_wait3A_131] : memref<8x125xi32, #tpu.memory_space<vmem>> -> memref<1x125xi32, #tpu.memory_space<vmem>>
    %dma_wait3A_133 = tpu.memref_squeeze %dma_wait3A_132 : memref<1x125xi32, #tpu.memory_space<vmem>> -> memref<125xi32, #tpu.memory_space<vmem>>
    %dma_wait3A_134 = arith.constant 0 : i32
    %dma_wait3A_135 = arith.constant 0 : i32
    %dma_wait3A_136 = tpu.memref_slice %arg16[%dma_wait3A_134, %dma_wait3A_135] : memref<10000x128xf32, #tpu.memory_space<vmem_shared>> -> memref<10000x128xf32, #tpu.memory_space<vmem_shared>>
    tpu.wait_indirect_dma semaphore(%arg21 : memref<!tpu.dma_semaphore, #tpu.memory_space<semaphore_mem>>) src(%arg13 : memref<125x128xf32, #tpu.memory_space<vmem>>) dst(%dma_wait3A_136 : memref<10000x128xf32, #tpu.memory_space<vmem_shared>>)
    %dma_wait3A_137 = arith.constant 1 : i32
    %dma_wait3A_138 = arith.constant 0 : i32
    %dma_wait3A_139 = tpu.memref_slice %arg12[%dma_wait3A_137, %dma_wait3A_138] : memref<8x125xi32, #tpu.memory_space<vmem>> -> memref<1x125xi32, #tpu.memory_space<vmem>>
    %dma_wait3A_140 = tpu.memref_squeeze %dma_wait3A_139 : memref<1x125xi32, #tpu.memory_space<vmem>> -> memref<125xi32, #tpu.memory_space<vmem>>
    %dma_wait3A_141 = arith.constant 0 : i32
    %dma_wait3A_142 = arith.constant 0 : i32
    %dma_wait3A_143 = tpu.memref_slice %arg16[%dma_wait3A_141, %dma_wait3A_142] : memref<10000x128xf32, #tpu.memory_space<vmem_shared>> -> memref<10000x128xf32, #tpu.memory_space<vmem_shared>>
    tpu.wait_indirect_dma semaphore(%arg22 : memref<!tpu.dma_semaphore, #tpu.memory_space<semaphore_mem>>) src(%arg14 : memref<125x128xf32, #tpu.memory_space<vmem>>) dst(%dma_wait3A_143 : memref<10000x128xf32, #tpu.memory_space<vmem_shared>>)
    %dma_start3A_144 = arith.constant 0 : i32
    %dma_start3A_145 = arith.constant 0 : i32
    %dma_start3A_146 = tpu.memref_slice %arg15[%dma_start3A_145] : memref<10000xf32, #tpu.memory_space<vmem>> -> memref<1000xf32, #tpu.memory_space<vmem>>
    %dma_start3A_147 = arith.constant 0 : i32
    %dma_start3A_148 = arith.constant 0 : i32
    %dma_start3A_149 = tpu.memref_slice %arg8[%dma_start3A_144, %dma_start3A_147, %dma_start3A_148] : memref<10x32x1000xf32, #tpu.memory_space<hbm>> -> memref<1x32x1000xf32, #tpu.memory_space<hbm>>
    %dma_start3A_150 = tpu.memref_squeeze %dma_start3A_149 : memref<1x32x1000xf32, #tpu.memory_space<hbm>> -> memref<32x1000xf32, #tpu.memory_space<hbm>>
    %dma_start3A_151 = arith.constant 0 : i32
    %dma_start3A_152 = tpu.memref_slice %dma_start3A_150[%add3A, %dma_start3A_151] : memref<32x1000xf32, #tpu.memory_space<hbm>> -> memref<1x1000xf32, #tpu.memory_space<hbm>>
    %dma_start3A_153 = tpu.memref_squeeze %dma_start3A_152 : memref<1x1000xf32, #tpu.memory_space<hbm>> -> memref<1000xf32, #tpu.memory_space<hbm>>
    %dma_start3A_154 = arith.constant 0 : i32
    %dma_start3A_155 = arith.constant 0 : i32
    %dma_start3A_156 = tpu.memref_slice %arg8[%dma_start3A_144, %dma_start3A_154, %dma_start3A_155] : memref<10x32x1000xf32, #tpu.memory_space<hbm>> -> memref<1x32x1000xf32, #tpu.memory_space<hbm>>
    %dma_start3A_157 = tpu.memref_squeeze %dma_start3A_156 : memref<1x32x1000xf32, #tpu.memory_space<hbm>> -> memref<32x1000xf32, #tpu.memory_space<hbm>>
    %dma_start3A_158 = arith.constant 0 : i32
    %dma_start3A_159 = tpu.memref_slice %dma_start3A_157[%add3A, %dma_start3A_158] : memref<32x1000xf32, #tpu.memory_space<hbm>> -> memref<1x1000xf32, #tpu.memory_space<hbm>>
    %dma_start3A_160 = tpu.memref_squeeze %dma_start3A_159 : memref<1x1000xf32, #tpu.memory_space<hbm>> -> memref<1000xf32, #tpu.memory_space<hbm>>
    %dma_start3A_161 = arith.constant 0 : i32
    %dma_start3A_162 = tpu.memref_slice %arg15[%dma_start3A_161] : memref<10000xf32, #tpu.memory_space<vmem>> -> memref<1000xf32, #tpu.memory_space<vmem>>
    tpu.enqueue_dma source(%dma_start3A_162 : memref<1000xf32, #tpu.memory_space<vmem>>) target(%dma_start3A_160 : memref<1000xf32, #tpu.memory_space<hbm>>) target_semaphore(%arg17 : memref<!tpu.dma_semaphore, #tpu.memory_space<semaphore_mem>>)
    %dma_start3A_163 = arith.constant 1 : i32
    %dma_start3A_164 = arith.constant 1000 : i32
    %dma_start3A_165 = tpu.memref_slice %arg15[%dma_start3A_164] : memref<10000xf32, #tpu.memory_space<vmem>> -> memref<1000xf32, #tpu.memory_space<vmem>>
    %dma_start3A_166 = arith.constant 0 : i32
    %dma_start3A_167 = arith.constant 0 : i32
    %dma_start3A_168 = tpu.memref_slice %arg8[%dma_start3A_163, %dma_start3A_166, %dma_start3A_167] : memref<10x32x1000xf32, #tpu.memory_space<hbm>> -> memref<1x32x1000xf32, #tpu.memory_space<hbm>>
    %dma_start3A_169 = tpu.memref_squeeze %dma_start3A_168 : memref<1x32x1000xf32, #tpu.memory_space<hbm>> -> memref<32x1000xf32, #tpu.memory_space<hbm>>
    %dma_start3A_170 = arith.constant 0 : i32
    %dma_start3A_171 = tpu.memref_slice %dma_start3A_169[%add3A, %dma_start3A_170] : memref<32x1000xf32, #tpu.memory_space<hbm>> -> memref<1x1000xf32, #tpu.memory_space<hbm>>
    %dma_start3A_172 = tpu.memref_squeeze %dma_start3A_171 : memref<1x1000xf32, #tpu.memory_space<hbm>> -> memref<1000xf32, #tpu.memory_space<hbm>>
    %dma_start3A_173 = arith.constant 0 : i32
    %dma_start3A_174 = arith.constant 0 : i32
    %dma_start3A_175 = tpu.memref_slice %arg8[%dma_start3A_163, %dma_start3A_173, %dma_start3A_174] : memref<10x32x1000xf32, #tpu.memory_space<hbm>> -> memref<1x32x1000xf32, #tpu.memory_space<hbm>>
    %dma_start3A_176 = tpu.memref_squeeze %dma_start3A_175 : memref<1x32x1000xf32, #tpu.memory_space<hbm>> -> memref<32x1000xf32, #tpu.memory_space<hbm>>
    %dma_start3A_177 = arith.constant 0 : i32
    %dma_start3A_178 = tpu.memref_slice %dma_start3A_176[%add3A, %dma_start3A_177] : memref<32x1000xf32, #tpu.memory_space<hbm>> -> memref<1x1000xf32, #tpu.memory_space<hbm>>
    %dma_start3A_179 = tpu.memref_squeeze %dma_start3A_178 : memref<1x1000xf32, #tpu.memory_space<hbm>> -> memref<1000xf32, #tpu.memory_space<hbm>>
    %dma_start3A_180 = arith.constant 1000 : i32
    %dma_start3A_181 = tpu.memref_slice %arg15[%dma_start3A_180] : memref<10000xf32, #tpu.memory_space<vmem>> -> memref<1000xf32, #tpu.memory_space<vmem>>
    tpu.enqueue_dma source(%dma_start3A_181 : memref<1000xf32, #tpu.memory_space<vmem>>) target(%dma_start3A_179 : memref<1000xf32, #tpu.memory_space<hbm>>) target_semaphore(%arg17 : memref<!tpu.dma_semaphore, #tpu.memory_space<semaphore_mem>>)
    %dma_start3A_182 = arith.constant 2 : i32
    %dma_start3A_183 = arith.constant 2000 : i32
    %dma_start3A_184 = tpu.memref_slice %arg15[%dma_start3A_183] : memref<10000xf32, #tpu.memory_space<vmem>> -> memref<1000xf32, #tpu.memory_space<vmem>>
    %dma_start3A_185 = arith.constant 0 : i32
    %dma_start3A_186 = arith.constant 0 : i32
    %dma_start3A_187 = tpu.memref_slice %arg8[%dma_start3A_182, %dma_start3A_185, %dma_start3A_186] : memref<10x32x1000xf32, #tpu.memory_space<hbm>> -> memref<1x32x1000xf32, #tpu.memory_space<hbm>>
    %dma_start3A_188 = tpu.memref_squeeze %dma_start3A_187 : memref<1x32x1000xf32, #tpu.memory_space<hbm>> -> memref<32x1000xf32, #tpu.memory_space<hbm>>
    %dma_start3A_189 = arith.constant 0 : i32
    %dma_start3A_190 = tpu.memref_slice %dma_start3A_188[%add3A, %dma_start3A_189] : memref<32x1000xf32, #tpu.memory_space<hbm>> -> memref<1x1000xf32, #tpu.memory_space<hbm>>
    %dma_start3A_191 = tpu.memref_squeeze %dma_start3A_190 : memref<1x1000xf32, #tpu.memory_space<hbm>> -> memref<1000xf32, #tpu.memory_space<hbm>>
    %dma_start3A_192 = arith.constant 0 : i32
    %dma_start3A_193 = arith.constant 0 : i32
    %dma_start3A_194 = tpu.memref_slice %arg8[%dma_start3A_182, %dma_start3A_192, %dma_start3A_193] : memref<10x32x1000xf32, #tpu.memory_space<hbm>> -> memref<1x32x1000xf32, #tpu.memory_space<hbm>>
    %dma_start3A_195 = tpu.memref_squeeze %dma_start3A_194 : memref<1x32x1000xf32, #tpu.memory_space<hbm>> -> memref<32x1000xf32, #tpu.memory_space<hbm>>
    %dma_start3A_196 = arith.constant 0 : i32
    %dma_start3A_197 = tpu.memref_slice %dma_start3A_195[%add3A, %dma_start3A_196] : memref<32x1000xf32, #tpu.memory_space<hbm>> -> memref<1x1000xf32, #tpu.memory_space<hbm>>
    %dma_start3A_198 = tpu.memref_squeeze %dma_start3A_197 : memref<1x1000xf32, #tpu.memory_space<hbm>> -> memref<1000xf32, #tpu.memory_space<hbm>>
    %dma_start3A_199 = arith.constant 2000 : i32
    %dma_start3A_200 = tpu.memref_slice %arg15[%dma_start3A_199] : memref<10000xf32, #tpu.memory_space<vmem>> -> memref<1000xf32, #tpu.memory_space<vmem>>
    tpu.enqueue_dma source(%dma_start3A_200 : memref<1000xf32, #tpu.memory_space<vmem>>) target(%dma_start3A_198 : memref<1000xf32, #tpu.memory_space<hbm>>) target_semaphore(%arg17 : memref<!tpu.dma_semaphore, #tpu.memory_space<semaphore_mem>>)
    %dma_start3A_201 = arith.constant 3 : i32
    %dma_start3A_202 = arith.constant 3000 : i32
    %dma_start3A_203 = tpu.memref_slice %arg15[%dma_start3A_202] : memref<10000xf32, #tpu.memory_space<vmem>> -> memref<1000xf32, #tpu.memory_space<vmem>>
    %dma_start3A_204 = arith.constant 0 : i32
    %dma_start3A_205 = arith.constant 0 : i32
    %dma_start3A_206 = tpu.memref_slice %arg8[%dma_start3A_201, %dma_start3A_204, %dma_start3A_205] : memref<10x32x1000xf32, #tpu.memory_space<hbm>> -> memref<1x32x1000xf32, #tpu.memory_space<hbm>>
    %dma_start3A_207 = tpu.memref_squeeze %dma_start3A_206 : memref<1x32x1000xf32, #tpu.memory_space<hbm>> -> memref<32x1000xf32, #tpu.memory_space<hbm>>
    %dma_start3A_208 = arith.constant 0 : i32
    %dma_start3A_209 = tpu.memref_slice %dma_start3A_207[%add3A, %dma_start3A_208] : memref<32x1000xf32, #tpu.memory_space<hbm>> -> memref<1x1000xf32, #tpu.memory_space<hbm>>
    %dma_start3A_210 = tpu.memref_squeeze %dma_start3A_209 : memref<1x1000xf32, #tpu.memory_space<hbm>> -> memref<1000xf32, #tpu.memory_space<hbm>>
    %dma_start3A_211 = arith.constant 0 : i32
    %dma_start3A_212 = arith.constant 0 : i32
    %dma_start3A_213 = tpu.memref_slice %arg8[%dma_start3A_201, %dma_start3A_211, %dma_start3A_212] : memref<10x32x1000xf32, #tpu.memory_space<hbm>> -> memref<1x32x1000xf32, #tpu.memory_space<hbm>>
    %dma_start3A_214 = tpu.memref_squeeze %dma_start3A_213 : memref<1x32x1000xf32, #tpu.memory_space<hbm>> -> memref<32x1000xf32, #tpu.memory_space<hbm>>
    %dma_start3A_215 = arith.constant 0 : i32
    %dma_start3A_216 = tpu.memref_slice %dma_start3A_214[%add3A, %dma_start3A_215] : memref<32x1000xf32, #tpu.memory_space<hbm>> -> memref<1x1000xf32, #tpu.memory_space<hbm>>
    %dma_start3A_217 = tpu.memref_squeeze %dma_start3A_216 : memref<1x1000xf32, #tpu.memory_space<hbm>> -> memref<1000xf32, #tpu.memory_space<hbm>>
    %dma_start3A_218 = arith.constant 3000 : i32
    %dma_start3A_219 = tpu.memref_slice %arg15[%dma_start3A_218] : memref<10000xf32, #tpu.memory_space<vmem>> -> memref<1000xf32, #tpu.memory_space<vmem>>
    tpu.enqueue_dma source(%dma_start3A_219 : memref<1000xf32, #tpu.memory_space<vmem>>) target(%dma_start3A_217 : memref<1000xf32, #tpu.memory_space<hbm>>) target_semaphore(%arg17 : memref<!tpu.dma_semaphore, #tpu.memory_space<semaphore_mem>>)
    %dma_start3A_220 = arith.constant 4 : i32
    %dma_start3A_221 = arith.constant 4000 : i32
    %dma_start3A_222 = tpu.memref_slice %arg15[%dma_start3A_221] : memref<10000xf32, #tpu.memory_space<vmem>> -> memref<1000xf32, #tpu.memory_space<vmem>>
    %dma_start3A_223 = arith.constant 0 : i32
    %dma_start3A_224 = arith.constant 0 : i32
    %dma_start3A_225 = tpu.memref_slice %arg8[%dma_start3A_220, %dma_start3A_223, %dma_start3A_224] : memref<10x32x1000xf32, #tpu.memory_space<hbm>> -> memref<1x32x1000xf32, #tpu.memory_space<hbm>>
    %dma_start3A_226 = tpu.memref_squeeze %dma_start3A_225 : memref<1x32x1000xf32, #tpu.memory_space<hbm>> -> memref<32x1000xf32, #tpu.memory_space<hbm>>
    %dma_start3A_227 = arith.constant 0 : i32
    %dma_start3A_228 = tpu.memref_slice %dma_start3A_226[%add3A, %dma_start3A_227] : memref<32x1000xf32, #tpu.memory_space<hbm>> -> memref<1x1000xf32, #tpu.memory_space<hbm>>
    %dma_start3A_229 = tpu.memref_squeeze %dma_start3A_228 : memref<1x1000xf32, #tpu.memory_space<hbm>> -> memref<1000xf32, #tpu.memory_space<hbm>>
    %dma_start3A_230 = arith.constant 0 : i32
    %dma_start3A_231 = arith.constant 0 : i32
    %dma_start3A_232 = tpu.memref_slice %arg8[%dma_start3A_220, %dma_start3A_230, %dma_start3A_231] : memref<10x32x1000xf32, #tpu.memory_space<hbm>> -> memref<1x32x1000xf32, #tpu.memory_space<hbm>>
    %dma_start3A_233 = tpu.memref_squeeze %dma_start3A_232 : memref<1x32x1000xf32, #tpu.memory_space<hbm>> -> memref<32x1000xf32, #tpu.memory_space<hbm>>
    %dma_start3A_234 = arith.constant 0 : i32
    %dma_start3A_235 = tpu.memref_slice %dma_start3A_233[%add3A, %dma_start3A_234] : memref<32x1000xf32, #tpu.memory_space<hbm>> -> memref<1x1000xf32, #tpu.memory_space<hbm>>
    %dma_start3A_236 = tpu.memref_squeeze %dma_start3A_235 : memref<1x1000xf32, #tpu.memory_space<hbm>> -> memref<1000xf32, #tpu.memory_space<hbm>>
    %dma_start3A_237 = arith.constant 4000 : i32
    %dma_start3A_238 = tpu.memref_slice %arg15[%dma_start3A_237] : memref<10000xf32, #tpu.memory_space<vmem>> -> memref<1000xf32, #tpu.memory_space<vmem>>
    tpu.enqueue_dma source(%dma_start3A_238 : memref<1000xf32, #tpu.memory_space<vmem>>) target(%dma_start3A_236 : memref<1000xf32, #tpu.memory_space<hbm>>) target_semaphore(%arg17 : memref<!tpu.dma_semaphore, #tpu.memory_space<semaphore_mem>>)
    %dma_start3A_239 = arith.constant 5 : i32
    %dma_start3A_240 = arith.constant 5000 : i32
    %dma_start3A_241 = tpu.memref_slice %arg15[%dma_start3A_240] : memref<10000xf32, #tpu.memory_space<vmem>> -> memref<1000xf32, #tpu.memory_space<vmem>>
    %dma_start3A_242 = arith.constant 0 : i32
    %dma_start3A_243 = arith.constant 0 : i32
    %dma_start3A_244 = tpu.memref_slice %arg8[%dma_start3A_239, %dma_start3A_242, %dma_start3A_243] : memref<10x32x1000xf32, #tpu.memory_space<hbm>> -> memref<1x32x1000xf32, #tpu.memory_space<hbm>>
    %dma_start3A_245 = tpu.memref_squeeze %dma_start3A_244 : memref<1x32x1000xf32, #tpu.memory_space<hbm>> -> memref<32x1000xf32, #tpu.memory_space<hbm>>
    %dma_start3A_246 = arith.constant 0 : i32
    %dma_start3A_247 = tpu.memref_slice %dma_start3A_245[%add3A, %dma_start3A_246] : memref<32x1000xf32, #tpu.memory_space<hbm>> -> memref<1x1000xf32, #tpu.memory_space<hbm>>
    %dma_start3A_248 = tpu.memref_squeeze %dma_start3A_247 : memref<1x1000xf32, #tpu.memory_space<hbm>> -> memref<1000xf32, #tpu.memory_space<hbm>>
    %dma_start3A_249 = arith.constant 0 : i32
    %dma_start3A_250 = arith.constant 0 : i32
    %dma_start3A_251 = tpu.memref_slice %arg8[%dma_start3A_239, %dma_start3A_249, %dma_start3A_250] : memref<10x32x1000xf32, #tpu.memory_space<hbm>> -> memref<1x32x1000xf32, #tpu.memory_space<hbm>>
    %dma_start3A_252 = tpu.memref_squeeze %dma_start3A_251 : memref<1x32x1000xf32, #tpu.memory_space<hbm>> -> memref<32x1000xf32, #tpu.memory_space<hbm>>
    %dma_start3A_253 = arith.constant 0 : i32
    %dma_start3A_254 = tpu.memref_slice %dma_start3A_252[%add3A, %dma_start3A_253] : memref<32x1000xf32, #tpu.memory_space<hbm>> -> memref<1x1000xf32, #tpu.memory_space<hbm>>
    %dma_start3A_255 = tpu.memref_squeeze %dma_start3A_254 : memref<1x1000xf32, #tpu.memory_space<hbm>> -> memref<1000xf32, #tpu.memory_space<hbm>>
    %dma_start3A_256 = arith.constant 5000 : i32
    %dma_start3A_257 = tpu.memref_slice %arg15[%dma_start3A_256] : memref<10000xf32, #tpu.memory_space<vmem>> -> memref<1000xf32, #tpu.memory_space<vmem>>
    tpu.enqueue_dma source(%dma_start3A_257 : memref<1000xf32, #tpu.memory_space<vmem>>) target(%dma_start3A_255 : memref<1000xf32, #tpu.memory_space<hbm>>) target_semaphore(%arg17 : memref<!tpu.dma_semaphore, #tpu.memory_space<semaphore_mem>>)
    %dma_start3A_258 = arith.constant 6 : i32
    %dma_start3A_259 = arith.constant 6000 : i32
    %dma_start3A_260 = tpu.memref_slice %arg15[%dma_start3A_259] : memref<10000xf32, #tpu.memory_space<vmem>> -> memref<1000xf32, #tpu.memory_space<vmem>>
    %dma_start3A_261 = arith.constant 0 : i32
    %dma_start3A_262 = arith.constant 0 : i32
    %dma_start3A_263 = tpu.memref_slice %arg8[%dma_start3A_258, %dma_start3A_261, %dma_start3A_262] : memref<10x32x1000xf32, #tpu.memory_space<hbm>> -> memref<1x32x1000xf32, #tpu.memory_space<hbm>>
    %dma_start3A_264 = tpu.memref_squeeze %dma_start3A_263 : memref<1x32x1000xf32, #tpu.memory_space<hbm>> -> memref<32x1000xf32, #tpu.memory_space<hbm>>
    %dma_start3A_265 = arith.constant 0 : i32
    %dma_start3A_266 = tpu.memref_slice %dma_start3A_264[%add3A, %dma_start3A_265] : memref<32x1000xf32, #tpu.memory_space<hbm>> -> memref<1x1000xf32, #tpu.memory_space<hbm>>
    %dma_start3A_267 = tpu.memref_squeeze %dma_start3A_266 : memref<1x1000xf32, #tpu.memory_space<hbm>> -> memref<1000xf32, #tpu.memory_space<hbm>>
    %dma_start3A_268 = arith.constant 0 : i32
    %dma_start3A_269 = arith.constant 0 : i32
    %dma_start3A_270 = tpu.memref_slice %arg8[%dma_start3A_258, %dma_start3A_268, %dma_start3A_269] : memref<10x32x1000xf32, #tpu.memory_space<hbm>> -> memref<1x32x1000xf32, #tpu.memory_space<hbm>>
    %dma_start3A_271 = tpu.memref_squeeze %dma_start3A_270 : memref<1x32x1000xf32, #tpu.memory_space<hbm>> -> memref<32x1000xf32, #tpu.memory_space<hbm>>
    %dma_start3A_272 = arith.constant 0 : i32
    %dma_start3A_273 = tpu.memref_slice %dma_start3A_271[%add3A, %dma_start3A_272] : memref<32x1000xf32, #tpu.memory_space<hbm>> -> memref<1x1000xf32, #tpu.memory_space<hbm>>
    %dma_start3A_274 = tpu.memref_squeeze %dma_start3A_273 : memref<1x1000xf32, #tpu.memory_space<hbm>> -> memref<1000xf32, #tpu.memory_space<hbm>>
    %dma_start3A_275 = arith.constant 6000 : i32
    %dma_start3A_276 = tpu.memref_slice %arg15[%dma_start3A_275] : memref<10000xf32, #tpu.memory_space<vmem>> -> memref<1000xf32, #tpu.memory_space<vmem>>
    tpu.enqueue_dma source(%dma_start3A_276 : memref<1000xf32, #tpu.memory_space<vmem>>) target(%dma_start3A_274 : memref<1000xf32, #tpu.memory_space<hbm>>) target_semaphore(%arg17 : memref<!tpu.dma_semaphore, #tpu.memory_space<semaphore_mem>>)
    %dma_start3A_277 = arith.constant 7 : i32
    %dma_start3A_278 = arith.constant 7000 : i32
    %dma_start3A_279 = tpu.memref_slice %arg15[%dma_start3A_278] : memref<10000xf32, #tpu.memory_space<vmem>> -> memref<1000xf32, #tpu.memory_space<vmem>>
    %dma_start3A_280 = arith.constant 0 : i32
    %dma_start3A_281 = arith.constant 0 : i32
    %dma_start3A_282 = tpu.memref_slice %arg8[%dma_start3A_277, %dma_start3A_280, %dma_start3A_281] : memref<10x32x1000xf32, #tpu.memory_space<hbm>> -> memref<1x32x1000xf32, #tpu.memory_space<hbm>>
    %dma_start3A_283 = tpu.memref_squeeze %dma_start3A_282 : memref<1x32x1000xf32, #tpu.memory_space<hbm>> -> memref<32x1000xf32, #tpu.memory_space<hbm>>
    %dma_start3A_284 = arith.constant 0 : i32
    %dma_start3A_285 = tpu.memref_slice %dma_start3A_283[%add3A, %dma_start3A_284] : memref<32x1000xf32, #tpu.memory_space<hbm>> -> memref<1x1000xf32, #tpu.memory_space<hbm>>
    %dma_start3A_286 = tpu.memref_squeeze %dma_start3A_285 : memref<1x1000xf32, #tpu.memory_space<hbm>> -> memref<1000xf32, #tpu.memory_space<hbm>>
    %dma_start3A_287 = arith.constant 0 : i32
    %dma_start3A_288 = arith.constant 0 : i32
    %dma_start3A_289 = tpu.memref_slice %arg8[%dma_start3A_277, %dma_start3A_287, %dma_start3A_288] : memref<10x32x1000xf32, #tpu.memory_space<hbm>> -> memref<1x32x1000xf32, #tpu.memory_space<hbm>>
    %dma_start3A_290 = tpu.memref_squeeze %dma_start3A_289 : memref<1x32x1000xf32, #tpu.memory_space<hbm>> -> memref<32x1000xf32, #tpu.memory_space<hbm>>
    %dma_start3A_291 = arith.constant 0 : i32
    %dma_start3A_292 = tpu.memref_slice %dma_start3A_290[%add3A, %dma_start3A_291] : memref<32x1000xf32, #tpu.memory_space<hbm>> -> memref<1x1000xf32, #tpu.memory_space<hbm>>
    %dma_start3A_293 = tpu.memref_squeeze %dma_start3A_292 : memref<1x1000xf32, #tpu.memory_space<hbm>> -> memref<1000xf32, #tpu.memory_space<hbm>>
    %dma_start3A_294 = arith.constant 7000 : i32
    %dma_start3A_295 = tpu.memref_slice %arg15[%dma_start3A_294] : memref<10000xf32, #tpu.memory_space<vmem>> -> memref<1000xf32, #tpu.memory_space<vmem>>
    tpu.enqueue_dma source(%dma_start3A_295 : memref<1000xf32, #tpu.memory_space<vmem>>) target(%dma_start3A_293 : memref<1000xf32, #tpu.memory_space<hbm>>) target_semaphore(%arg17 : memref<!tpu.dma_semaphore, #tpu.memory_space<semaphore_mem>>)
    %dma_start3A_296 = arith.constant 8 : i32
    %dma_start3A_297 = arith.constant 8000 : i32
    %dma_start3A_298 = tpu.memref_slice %arg15[%dma_start3A_297] : memref<10000xf32, #tpu.memory_space<vmem>> -> memref<1000xf32, #tpu.memory_space<vmem>>
    %dma_start3A_299 = arith.constant 0 : i32
    %dma_start3A_300 = arith.constant 0 : i32
    %dma_start3A_301 = tpu.memref_slice %arg8[%dma_start3A_296, %dma_start3A_299, %dma_start3A_300] : memref<10x32x1000xf32, #tpu.memory_space<hbm>> -> memref<1x32x1000xf32, #tpu.memory_space<hbm>>
    %dma_start3A_302 = tpu.memref_squeeze %dma_start3A_301 : memref<1x32x1000xf32, #tpu.memory_space<hbm>> -> memref<32x1000xf32, #tpu.memory_space<hbm>>
    %dma_start3A_303 = arith.constant 0 : i32
    %dma_start3A_304 = tpu.memref_slice %dma_start3A_302[%add3A, %dma_start3A_303] : memref<32x1000xf32, #tpu.memory_space<hbm>> -> memref<1x1000xf32, #tpu.memory_space<hbm>>
    %dma_start3A_305 = tpu.memref_squeeze %dma_start3A_304 : memref<1x1000xf32, #tpu.memory_space<hbm>> -> memref<1000xf32, #tpu.memory_space<hbm>>
    %dma_start3A_306 = arith.constant 0 : i32
    %dma_start3A_307 = arith.constant 0 : i32
    %dma_start3A_308 = tpu.memref_slice %arg8[%dma_start3A_296, %dma_start3A_306, %dma_start3A_307] : memref<10x32x1000xf32, #tpu.memory_space<hbm>> -> memref<1x32x1000xf32, #tpu.memory_space<hbm>>
    %dma_start3A_309 = tpu.memref_squeeze %dma_start3A_308 : memref<1x32x1000xf32, #tpu.memory_space<hbm>> -> memref<32x1000xf32, #tpu.memory_space<hbm>>
    %dma_start3A_310 = arith.constant 0 : i32
    %dma_start3A_311 = tpu.memref_slice %dma_start3A_309[%add3A, %dma_start3A_310] : memref<32x1000xf32, #tpu.memory_space<hbm>> -> memref<1x1000xf32, #tpu.memory_space<hbm>>
    %dma_start3A_312 = tpu.memref_squeeze %dma_start3A_311 : memref<1x1000xf32, #tpu.memory_space<hbm>> -> memref<1000xf32, #tpu.memory_space<hbm>>
    %dma_start3A_313 = arith.constant 8000 : i32
    %dma_start3A_314 = tpu.memref_slice %arg15[%dma_start3A_313] : memref<10000xf32, #tpu.memory_space<vmem>> -> memref<1000xf32, #tpu.memory_space<vmem>>
    tpu.enqueue_dma source(%dma_start3A_314 : memref<1000xf32, #tpu.memory_space<vmem>>) target(%dma_start3A_312 : memref<1000xf32, #tpu.memory_space<hbm>>) target_semaphore(%arg17 : memref<!tpu.dma_semaphore, #tpu.memory_space<semaphore_mem>>)
    %dma_start3A_315 = arith.constant 9 : i32
    %dma_start3A_316 = arith.constant 9000 : i32
    %dma_start3A_317 = tpu.memref_slice %arg15[%dma_start3A_316] : memref<10000xf32, #tpu.memory_space<vmem>> -> memref<1000xf32, #tpu.memory_space<vmem>>
    %dma_start3A_318 = arith.constant 0 : i32
    %dma_start3A_319 = arith.constant 0 : i32
    %dma_start3A_320 = tpu.memref_slice %arg8[%dma_start3A_315, %dma_start3A_318, %dma_start3A_319] : memref<10x32x1000xf32, #tpu.memory_space<hbm>> -> memref<1x32x1000xf32, #tpu.memory_space<hbm>>
    %dma_start3A_321 = tpu.memref_squeeze %dma_start3A_320 : memref<1x32x1000xf32, #tpu.memory_space<hbm>> -> memref<32x1000xf32, #tpu.memory_space<hbm>>
    %dma_start3A_322 = arith.constant 0 : i32
    %dma_start3A_323 = tpu.memref_slice %dma_start3A_321[%add3A, %dma_start3A_322] : memref<32x1000xf32, #tpu.memory_space<hbm>> -> memref<1x1000xf32, #tpu.memory_space<hbm>>
    %dma_start3A_324 = tpu.memref_squeeze %dma_start3A_323 : memref<1x1000xf32, #tpu.memory_space<hbm>> -> memref<1000xf32, #tpu.memory_space<hbm>>
    %dma_start3A_325 = arith.constant 0 : i32
    %dma_start3A_326 = arith.constant 0 : i32
    %dma_start3A_327 = tpu.memref_slice %arg8[%dma_start3A_315, %dma_start3A_325, %dma_start3A_326] : memref<10x32x1000xf32, #tpu.memory_space<hbm>> -> memref<1x32x1000xf32, #tpu.memory_space<hbm>>
    %dma_start3A_328 = tpu.memref_squeeze %dma_start3A_327 : memref<1x32x1000xf32, #tpu.memory_space<hbm>> -> memref<32x1000xf32, #tpu.memory_space<hbm>>
    %dma_start3A_329 = arith.constant 0 : i32
    %dma_start3A_330 = tpu.memref_slice %dma_start3A_328[%add3A, %dma_start3A_329] : memref<32x1000xf32, #tpu.memory_space<hbm>> -> memref<1x1000xf32, #tpu.memory_space<hbm>>
    %dma_start3A_331 = tpu.memref_squeeze %dma_start3A_330 : memref<1x1000xf32, #tpu.memory_space<hbm>> -> memref<1000xf32, #tpu.memory_space<hbm>>
    %dma_start3A_332 = arith.constant 9000 : i32
    %dma_start3A_333 = tpu.memref_slice %arg15[%dma_start3A_332] : memref<10000xf32, #tpu.memory_space<vmem>> -> memref<1000xf32, #tpu.memory_space<vmem>>
    tpu.enqueue_dma source(%dma_start3A_333 : memref<1000xf32, #tpu.memory_space<vmem>>) target(%dma_start3A_331 : memref<1000xf32, #tpu.memory_space<hbm>>) target_semaphore(%arg17 : memref<!tpu.dma_semaphore, #tpu.memory_space<semaphore_mem>>)
    %dma_wait3A_334 = arith.constant 0 : i32
    %dma_wait3A_335 = arith.constant 0 : i32
    %dma_wait3A_336 = tpu.memref_slice %arg15[%dma_wait3A_335] : memref<10000xf32, #tpu.memory_space<vmem>> -> memref<1000xf32, #tpu.memory_space<vmem>>
    %dma_wait3A_337 = arith.constant 0 : i32
    %dma_wait3A_338 = arith.constant 0 : i32
    %dma_wait3A_339 = tpu.memref_slice %arg8[%dma_wait3A_334, %dma_wait3A_337, %dma_wait3A_338] : memref<10x32x1000xf32, #tpu.memory_space<hbm>> -> memref<1x32x1000xf32, #tpu.memory_space<hbm>>
    %dma_wait3A_340 = tpu.memref_squeeze %dma_wait3A_339 : memref<1x32x1000xf32, #tpu.memory_space<hbm>> -> memref<32x1000xf32, #tpu.memory_space<hbm>>
    %dma_wait3A_341 = arith.constant 0 : i32
    %dma_wait3A_342 = tpu.memref_slice %dma_wait3A_340[%add3A, %dma_wait3A_341] : memref<32x1000xf32, #tpu.memory_space<hbm>> -> memref<1x1000xf32, #tpu.memory_space<hbm>>
    %dma_wait3A_343 = tpu.memref_squeeze %dma_wait3A_342 : memref<1x1000xf32, #tpu.memory_space<hbm>> -> memref<1000xf32, #tpu.memory_space<hbm>>
    %dma_wait3A_344 = arith.constant 0 : i32
    %dma_wait3A_345 = arith.constant 0 : i32
    %dma_wait3A_346 = tpu.memref_slice %arg8[%dma_wait3A_334, %dma_wait3A_344, %dma_wait3A_345] : memref<10x32x1000xf32, #tpu.memory_space<hbm>> -> memref<1x32x1000xf32, #tpu.memory_space<hbm>>
    %dma_wait3A_347 = tpu.memref_squeeze %dma_wait3A_346 : memref<1x32x1000xf32, #tpu.memory_space<hbm>> -> memref<32x1000xf32, #tpu.memory_space<hbm>>
    %dma_wait3A_348 = arith.constant 0 : i32
    %dma_wait3A_349 = tpu.memref_slice %dma_wait3A_347[%add3A, %dma_wait3A_348] : memref<32x1000xf32, #tpu.memory_space<hbm>> -> memref<1x1000xf32, #tpu.memory_space<hbm>>
    %dma_wait3A_350 = tpu.memref_squeeze %dma_wait3A_349 : memref<1x1000xf32, #tpu.memory_space<hbm>> -> memref<1000xf32, #tpu.memory_space<hbm>>
    %dma_wait3A_351 = arith.constant 0 : i32
    %dma_wait3A_352 = tpu.memref_slice %arg15[%dma_wait3A_351] : memref<10000xf32, #tpu.memory_space<vmem>> -> memref<1000xf32, #tpu.memory_space<vmem>>
    tpu.wait_dma2 semaphore(%arg17 : memref<!tpu.dma_semaphore, #tpu.memory_space<semaphore_mem>>) src(%dma_wait3A_352 : memref<1000xf32, #tpu.memory_space<vmem>>) dst(%dma_wait3A_350 : memref<1000xf32, #tpu.memory_space<hbm>>)
    %dma_wait3A_353 = arith.constant 1 : i32
    %dma_wait3A_354 = arith.constant 1000 : i32
    %dma_wait3A_355 = tpu.memref_slice %arg15[%dma_wait3A_354] : memref<10000xf32, #tpu.memory_space<vmem>> -> memref<1000xf32, #tpu.memory_space<vmem>>
    %dma_wait3A_356 = arith.constant 0 : i32
    %dma_wait3A_357 = arith.constant 0 : i32
    %dma_wait3A_358 = tpu.memref_slice %arg8[%dma_wait3A_353, %dma_wait3A_356, %dma_wait3A_357] : memref<10x32x1000xf32, #tpu.memory_space<hbm>> -> memref<1x32x1000xf32, #tpu.memory_space<hbm>>
    %dma_wait3A_359 = tpu.memref_squeeze %dma_wait3A_358 : memref<1x32x1000xf32, #tpu.memory_space<hbm>> -> memref<32x1000xf32, #tpu.memory_space<hbm>>
    %dma_wait3A_360 = arith.constant 0 : i32
    %dma_wait3A_361 = tpu.memref_slice %dma_wait3A_359[%add3A, %dma_wait3A_360] : memref<32x1000xf32, #tpu.memory_space<hbm>> -> memref<1x1000xf32, #tpu.memory_space<hbm>>
    %dma_wait3A_362 = tpu.memref_squeeze %dma_wait3A_361 : memref<1x1000xf32, #tpu.memory_space<hbm>> -> memref<1000xf32, #tpu.memory_space<hbm>>
    %dma_wait3A_363 = arith.constant 0 : i32
    %dma_wait3A_364 = arith.constant 0 : i32
    %dma_wait3A_365 = tpu.memref_slice %arg8[%dma_wait3A_353, %dma_wait3A_363, %dma_wait3A_364] : memref<10x32x1000xf32, #tpu.memory_space<hbm>> -> memref<1x32x1000xf32, #tpu.memory_space<hbm>>
    %dma_wait3A_366 = tpu.memref_squeeze %dma_wait3A_365 : memref<1x32x1000xf32, #tpu.memory_space<hbm>> -> memref<32x1000xf32, #tpu.memory_space<hbm>>
    %dma_wait3A_367 = arith.constant 0 : i32
    %dma_wait3A_368 = tpu.memref_slice %dma_wait3A_366[%add3A, %dma_wait3A_367] : memref<32x1000xf32, #tpu.memory_space<hbm>> -> memref<1x1000xf32, #tpu.memory_space<hbm>>
    %dma_wait3A_369 = tpu.memref_squeeze %dma_wait3A_368 : memref<1x1000xf32, #tpu.memory_space<hbm>> -> memref<1000xf32, #tpu.memory_space<hbm>>
    %dma_wait3A_370 = arith.constant 1000 : i32
    %dma_wait3A_371 = tpu.memref_slice %arg15[%dma_wait3A_370] : memref<10000xf32, #tpu.memory_space<vmem>> -> memref<1000xf32, #tpu.memory_space<vmem>>
    tpu.wait_dma2 semaphore(%arg17 : memref<!tpu.dma_semaphore, #tpu.memory_space<semaphore_mem>>) src(%dma_wait3A_371 : memref<1000xf32, #tpu.memory_space<vmem>>) dst(%dma_wait3A_369 : memref<1000xf32, #tpu.memory_space<hbm>>)
    %dma_wait3A_372 = arith.constant 2 : i32
    %dma_wait3A_373 = arith.constant 2000 : i32
    %dma_wait3A_374 = tpu.memref_slice %arg15[%dma_wait3A_373] : memref<10000xf32, #tpu.memory_space<vmem>> -> memref<1000xf32, #tpu.memory_space<vmem>>
    %dma_wait3A_375 = arith.constant 0 : i32
    %dma_wait3A_376 = arith.constant 0 : i32
    %dma_wait3A_377 = tpu.memref_slice %arg8[%dma_wait3A_372, %dma_wait3A_375, %dma_wait3A_376] : memref<10x32x1000xf32, #tpu.memory_space<hbm>> -> memref<1x32x1000xf32, #tpu.memory_space<hbm>>
    %dma_wait3A_378 = tpu.memref_squeeze %dma_wait3A_377 : memref<1x32x1000xf32, #tpu.memory_space<hbm>> -> memref<32x1000xf32, #tpu.memory_space<hbm>>
    %dma_wait3A_379 = arith.constant 0 : i32
    %dma_wait3A_380 = tpu.memref_slice %dma_wait3A_378[%add3A, %dma_wait3A_379] : memref<32x1000xf32, #tpu.memory_space<hbm>> -> memref<1x1000xf32, #tpu.memory_space<hbm>>
    %dma_wait3A_381 = tpu.memref_squeeze %dma_wait3A_380 : memref<1x1000xf32, #tpu.memory_space<hbm>> -> memref<1000xf32, #tpu.memory_space<hbm>>
    %dma_wait3A_382 = arith.constant 0 : i32
    %dma_wait3A_383 = arith.constant 0 : i32
    %dma_wait3A_384 = tpu.memref_slice %arg8[%dma_wait3A_372, %dma_wait3A_382, %dma_wait3A_383] : memref<10x32x1000xf32, #tpu.memory_space<hbm>> -> memref<1x32x1000xf32, #tpu.memory_space<hbm>>
    %dma_wait3A_385 = tpu.memref_squeeze %dma_wait3A_384 : memref<1x32x1000xf32, #tpu.memory_space<hbm>> -> memref<32x1000xf32, #tpu.memory_space<hbm>>
    %dma_wait3A_386 = arith.constant 0 : i32
    %dma_wait3A_387 = tpu.memref_slice %dma_wait3A_385[%add3A, %dma_wait3A_386] : memref<32x1000xf32, #tpu.memory_space<hbm>> -> memref<1x1000xf32, #tpu.memory_space<hbm>>
    %dma_wait3A_388 = tpu.memref_squeeze %dma_wait3A_387 : memref<1x1000xf32, #tpu.memory_space<hbm>> -> memref<1000xf32, #tpu.memory_space<hbm>>
    %dma_wait3A_389 = arith.constant 2000 : i32
    %dma_wait3A_390 = tpu.memref_slice %arg15[%dma_wait3A_389] : memref<10000xf32, #tpu.memory_space<vmem>> -> memref<1000xf32, #tpu.memory_space<vmem>>
    tpu.wait_dma2 semaphore(%arg17 : memref<!tpu.dma_semaphore, #tpu.memory_space<semaphore_mem>>) src(%dma_wait3A_390 : memref<1000xf32, #tpu.memory_space<vmem>>) dst(%dma_wait3A_388 : memref<1000xf32, #tpu.memory_space<hbm>>)
    %dma_wait3A_391 = arith.constant 3 : i32
    %dma_wait3A_392 = arith.constant 3000 : i32
    %dma_wait3A_393 = tpu.memref_slice %arg15[%dma_wait3A_392] : memref<10000xf32, #tpu.memory_space<vmem>> -> memref<1000xf32, #tpu.memory_space<vmem>>
    %dma_wait3A_394 = arith.constant 0 : i32
    %dma_wait3A_395 = arith.constant 0 : i32
    %dma_wait3A_396 = tpu.memref_slice %arg8[%dma_wait3A_391, %dma_wait3A_394, %dma_wait3A_395] : memref<10x32x1000xf32, #tpu.memory_space<hbm>> -> memref<1x32x1000xf32, #tpu.memory_space<hbm>>
    %dma_wait3A_397 = tpu.memref_squeeze %dma_wait3A_396 : memref<1x32x1000xf32, #tpu.memory_space<hbm>> -> memref<32x1000xf32, #tpu.memory_space<hbm>>
    %dma_wait3A_398 = arith.constant 0 : i32
    %dma_wait3A_399 = tpu.memref_slice %dma_wait3A_397[%add3A, %dma_wait3A_398] : memref<32x1000xf32, #tpu.memory_space<hbm>> -> memref<1x1000xf32, #tpu.memory_space<hbm>>
    %dma_wait3A_400 = tpu.memref_squeeze %dma_wait3A_399 : memref<1x1000xf32, #tpu.memory_space<hbm>> -> memref<1000xf32, #tpu.memory_space<hbm>>
    %dma_wait3A_401 = arith.constant 0 : i32
    %dma_wait3A_402 = arith.constant 0 : i32
    %dma_wait3A_403 = tpu.memref_slice %arg8[%dma_wait3A_391, %dma_wait3A_401, %dma_wait3A_402] : memref<10x32x1000xf32, #tpu.memory_space<hbm>> -> memref<1x32x1000xf32, #tpu.memory_space<hbm>>
    %dma_wait3A_404 = tpu.memref_squeeze %dma_wait3A_403 : memref<1x32x1000xf32, #tpu.memory_space<hbm>> -> memref<32x1000xf32, #tpu.memory_space<hbm>>
    %dma_wait3A_405 = arith.constant 0 : i32
    %dma_wait3A_406 = tpu.memref_slice %dma_wait3A_404[%add3A, %dma_wait3A_405] : memref<32x1000xf32, #tpu.memory_space<hbm>> -> memref<1x1000xf32, #tpu.memory_space<hbm>>
    %dma_wait3A_407 = tpu.memref_squeeze %dma_wait3A_406 : memref<1x1000xf32, #tpu.memory_space<hbm>> -> memref<1000xf32, #tpu.memory_space<hbm>>
    %dma_wait3A_408 = arith.constant 3000 : i32
    %dma_wait3A_409 = tpu.memref_slice %arg15[%dma_wait3A_408] : memref<10000xf32, #tpu.memory_space<vmem>> -> memref<1000xf32, #tpu.memory_space<vmem>>
    tpu.wait_dma2 semaphore(%arg17 : memref<!tpu.dma_semaphore, #tpu.memory_space<semaphore_mem>>) src(%dma_wait3A_409 : memref<1000xf32, #tpu.memory_space<vmem>>) dst(%dma_wait3A_407 : memref<1000xf32, #tpu.memory_space<hbm>>)
    %dma_wait3A_410 = arith.constant 4 : i32
    %dma_wait3A_411 = arith.constant 4000 : i32
    %dma_wait3A_412 = tpu.memref_slice %arg15[%dma_wait3A_411] : memref<10000xf32, #tpu.memory_space<vmem>> -> memref<1000xf32, #tpu.memory_space<vmem>>
    %dma_wait3A_413 = arith.constant 0 : i32
    %dma_wait3A_414 = arith.constant 0 : i32
    %dma_wait3A_415 = tpu.memref_slice %arg8[%dma_wait3A_410, %dma_wait3A_413, %dma_wait3A_414] : memref<10x32x1000xf32, #tpu.memory_space<hbm>> -> memref<1x32x1000xf32, #tpu.memory_space<hbm>>
    %dma_wait3A_416 = tpu.memref_squeeze %dma_wait3A_415 : memref<1x32x1000xf32, #tpu.memory_space<hbm>> -> memref<32x1000xf32, #tpu.memory_space<hbm>>
    %dma_wait3A_417 = arith.constant 0 : i32
    %dma_wait3A_418 = tpu.memref_slice %dma_wait3A_416[%add3A, %dma_wait3A_417] : memref<32x1000xf32, #tpu.memory_space<hbm>> -> memref<1x1000xf32, #tpu.memory_space<hbm>>
    %dma_wait3A_419 = tpu.memref_squeeze %dma_wait3A_418 : memref<1x1000xf32, #tpu.memory_space<hbm>> -> memref<1000xf32, #tpu.memory_space<hbm>>
    %dma_wait3A_420 = arith.constant 0 : i32
    %dma_wait3A_421 = arith.constant 0 : i32
    %dma_wait3A_422 = tpu.memref_slice %arg8[%dma_wait3A_410, %dma_wait3A_420, %dma_wait3A_421] : memref<10x32x1000xf32, #tpu.memory_space<hbm>> -> memref<1x32x1000xf32, #tpu.memory_space<hbm>>
    %dma_wait3A_423 = tpu.memref_squeeze %dma_wait3A_422 : memref<1x32x1000xf32, #tpu.memory_space<hbm>> -> memref<32x1000xf32, #tpu.memory_space<hbm>>
    %dma_wait3A_424 = arith.constant 0 : i32
    %dma_wait3A_425 = tpu.memref_slice %dma_wait3A_423[%add3A, %dma_wait3A_424] : memref<32x1000xf32, #tpu.memory_space<hbm>> -> memref<1x1000xf32, #tpu.memory_space<hbm>>
    %dma_wait3A_426 = tpu.memref_squeeze %dma_wait3A_425 : memref<1x1000xf32, #tpu.memory_space<hbm>> -> memref<1000xf32, #tpu.memory_space<hbm>>
    %dma_wait3A_427 = arith.constant 4000 : i32
    %dma_wait3A_428 = tpu.memref_slice %arg15[%dma_wait3A_427] : memref<10000xf32, #tpu.memory_space<vmem>> -> memref<1000xf32, #tpu.memory_space<vmem>>
    tpu.wait_dma2 semaphore(%arg17 : memref<!tpu.dma_semaphore, #tpu.memory_space<semaphore_mem>>) src(%dma_wait3A_428 : memref<1000xf32, #tpu.memory_space<vmem>>) dst(%dma_wait3A_426 : memref<1000xf32, #tpu.memory_space<hbm>>)
    %dma_wait3A_429 = arith.constant 5 : i32
    %dma_wait3A_430 = arith.constant 5000 : i32
    %dma_wait3A_431 = tpu.memref_slice %arg15[%dma_wait3A_430] : memref<10000xf32, #tpu.memory_space<vmem>> -> memref<1000xf32, #tpu.memory_space<vmem>>
    %dma_wait3A_432 = arith.constant 0 : i32
    %dma_wait3A_433 = arith.constant 0 : i32
    %dma_wait3A_434 = tpu.memref_slice %arg8[%dma_wait3A_429, %dma_wait3A_432, %dma_wait3A_433] : memref<10x32x1000xf32, #tpu.memory_space<hbm>> -> memref<1x32x1000xf32, #tpu.memory_space<hbm>>
    %dma_wait3A_435 = tpu.memref_squeeze %dma_wait3A_434 : memref<1x32x1000xf32, #tpu.memory_space<hbm>> -> memref<32x1000xf32, #tpu.memory_space<hbm>>
    %dma_wait3A_436 = arith.constant 0 : i32
    %dma_wait3A_437 = tpu.memref_slice %dma_wait3A_435[%add3A, %dma_wait3A_436] : memref<32x1000xf32, #tpu.memory_space<hbm>> -> memref<1x1000xf32, #tpu.memory_space<hbm>>
    %dma_wait3A_438 = tpu.memref_squeeze %dma_wait3A_437 : memref<1x1000xf32, #tpu.memory_space<hbm>> -> memref<1000xf32, #tpu.memory_space<hbm>>
    %dma_wait3A_439 = arith.constant 0 : i32
    %dma_wait3A_440 = arith.constant 0 : i32
    %dma_wait3A_441 = tpu.memref_slice %arg8[%dma_wait3A_429, %dma_wait3A_439, %dma_wait3A_440] : memref<10x32x1000xf32, #tpu.memory_space<hbm>> -> memref<1x32x1000xf32, #tpu.memory_space<hbm>>
    %dma_wait3A_442 = tpu.memref_squeeze %dma_wait3A_441 : memref<1x32x1000xf32, #tpu.memory_space<hbm>> -> memref<32x1000xf32, #tpu.memory_space<hbm>>
    %dma_wait3A_443 = arith.constant 0 : i32
    %dma_wait3A_444 = tpu.memref_slice %dma_wait3A_442[%add3A, %dma_wait3A_443] : memref<32x1000xf32, #tpu.memory_space<hbm>> -> memref<1x1000xf32, #tpu.memory_space<hbm>>
    %dma_wait3A_445 = tpu.memref_squeeze %dma_wait3A_444 : memref<1x1000xf32, #tpu.memory_space<hbm>> -> memref<1000xf32, #tpu.memory_space<hbm>>
    %dma_wait3A_446 = arith.constant 5000 : i32
    %dma_wait3A_447 = tpu.memref_slice %arg15[%dma_wait3A_446] : memref<10000xf32, #tpu.memory_space<vmem>> -> memref<1000xf32, #tpu.memory_space<vmem>>
    tpu.wait_dma2 semaphore(%arg17 : memref<!tpu.dma_semaphore, #tpu.memory_space<semaphore_mem>>) src(%dma_wait3A_447 : memref<1000xf32, #tpu.memory_space<vmem>>) dst(%dma_wait3A_445 : memref<1000xf32, #tpu.memory_space<hbm>>)
    %dma_wait3A_448 = arith.constant 6 : i32
    %dma_wait3A_449 = arith.constant 6000 : i32
    %dma_wait3A_450 = tpu.memref_slice %arg15[%dma_wait3A_449] : memref<10000xf32, #tpu.memory_space<vmem>> -> memref<1000xf32, #tpu.memory_space<vmem>>
    %dma_wait3A_451 = arith.constant 0 : i32
    %dma_wait3A_452 = arith.constant 0 : i32
    %dma_wait3A_453 = tpu.memref_slice %arg8[%dma_wait3A_448, %dma_wait3A_451, %dma_wait3A_452] : memref<10x32x1000xf32, #tpu.memory_space<hbm>> -> memref<1x32x1000xf32, #tpu.memory_space<hbm>>
    %dma_wait3A_454 = tpu.memref_squeeze %dma_wait3A_453 : memref<1x32x1000xf32, #tpu.memory_space<hbm>> -> memref<32x1000xf32, #tpu.memory_space<hbm>>
    %dma_wait3A_455 = arith.constant 0 : i32
    %dma_wait3A_456 = tpu.memref_slice %dma_wait3A_454[%add3A, %dma_wait3A_455] : memref<32x1000xf32, #tpu.memory_space<hbm>> -> memref<1x1000xf32, #tpu.memory_space<hbm>>
    %dma_wait3A_457 = tpu.memref_squeeze %dma_wait3A_456 : memref<1x1000xf32, #tpu.memory_space<hbm>> -> memref<1000xf32, #tpu.memory_space<hbm>>
    %dma_wait3A_458 = arith.constant 0 : i32
    %dma_wait3A_459 = arith.constant 0 : i32
    %dma_wait3A_460 = tpu.memref_slice %arg8[%dma_wait3A_448, %dma_wait3A_458, %dma_wait3A_459] : memref<10x32x1000xf32, #tpu.memory_space<hbm>> -> memref<1x32x1000xf32, #tpu.memory_space<hbm>>
    %dma_wait3A_461 = tpu.memref_squeeze %dma_wait3A_460 : memref<1x32x1000xf32, #tpu.memory_space<hbm>> -> memref<32x1000xf32, #tpu.memory_space<hbm>>
    %dma_wait3A_462 = arith.constant 0 : i32
    %dma_wait3A_463 = tpu.memref_slice %dma_wait3A_461[%add3A, %dma_wait3A_462] : memref<32x1000xf32, #tpu.memory_space<hbm>> -> memref<1x1000xf32, #tpu.memory_space<hbm>>
    %dma_wait3A_464 = tpu.memref_squeeze %dma_wait3A_463 : memref<1x1000xf32, #tpu.memory_space<hbm>> -> memref<1000xf32, #tpu.memory_space<hbm>>
    %dma_wait3A_465 = arith.constant 6000 : i32
    %dma_wait3A_466 = tpu.memref_slice %arg15[%dma_wait3A_465] : memref<10000xf32, #tpu.memory_space<vmem>> -> memref<1000xf32, #tpu.memory_space<vmem>>
    tpu.wait_dma2 semaphore(%arg17 : memref<!tpu.dma_semaphore, #tpu.memory_space<semaphore_mem>>) src(%dma_wait3A_466 : memref<1000xf32, #tpu.memory_space<vmem>>) dst(%dma_wait3A_464 : memref<1000xf32, #tpu.memory_space<hbm>>)
    %dma_wait3A_467 = arith.constant 7 : i32
    %dma_wait3A_468 = arith.constant 7000 : i32
    %dma_wait3A_469 = tpu.memref_slice %arg15[%dma_wait3A_468] : memref<10000xf32, #tpu.memory_space<vmem>> -> memref<1000xf32, #tpu.memory_space<vmem>>
    %dma_wait3A_470 = arith.constant 0 : i32
    %dma_wait3A_471 = arith.constant 0 : i32
    %dma_wait3A_472 = tpu.memref_slice %arg8[%dma_wait3A_467, %dma_wait3A_470, %dma_wait3A_471] : memref<10x32x1000xf32, #tpu.memory_space<hbm>> -> memref<1x32x1000xf32, #tpu.memory_space<hbm>>
    %dma_wait3A_473 = tpu.memref_squeeze %dma_wait3A_472 : memref<1x32x1000xf32, #tpu.memory_space<hbm>> -> memref<32x1000xf32, #tpu.memory_space<hbm>>
    %dma_wait3A_474 = arith.constant 0 : i32
    %dma_wait3A_475 = tpu.memref_slice %dma_wait3A_473[%add3A, %dma_wait3A_474] : memref<32x1000xf32, #tpu.memory_space<hbm>> -> memref<1x1000xf32, #tpu.memory_space<hbm>>
    %dma_wait3A_476 = tpu.memref_squeeze %dma_wait3A_475 : memref<1x1000xf32, #tpu.memory_space<hbm>> -> memref<1000xf32, #tpu.memory_space<hbm>>
    %dma_wait3A_477 = arith.constant 0 : i32
    %dma_wait3A_478 = arith.constant 0 : i32
    %dma_wait3A_479 = tpu.memref_slice %arg8[%dma_wait3A_467, %dma_wait3A_477, %dma_wait3A_478] : memref<10x32x1000xf32, #tpu.memory_space<hbm>> -> memref<1x32x1000xf32, #tpu.memory_space<hbm>>
    %dma_wait3A_480 = tpu.memref_squeeze %dma_wait3A_479 : memref<1x32x1000xf32, #tpu.memory_space<hbm>> -> memref<32x1000xf32, #tpu.memory_space<hbm>>
    %dma_wait3A_481 = arith.constant 0 : i32
    %dma_wait3A_482 = tpu.memref_slice %dma_wait3A_480[%add3A, %dma_wait3A_481] : memref<32x1000xf32, #tpu.memory_space<hbm>> -> memref<1x1000xf32, #tpu.memory_space<hbm>>
    %dma_wait3A_483 = tpu.memref_squeeze %dma_wait3A_482 : memref<1x1000xf32, #tpu.memory_space<hbm>> -> memref<1000xf32, #tpu.memory_space<hbm>>
    %dma_wait3A_484 = arith.constant 7000 : i32
    %dma_wait3A_485 = tpu.memref_slice %arg15[%dma_wait3A_484] : memref<10000xf32, #tpu.memory_space<vmem>> -> memref<1000xf32, #tpu.memory_space<vmem>>
    tpu.wait_dma2 semaphore(%arg17 : memref<!tpu.dma_semaphore, #tpu.memory_space<semaphore_mem>>) src(%dma_wait3A_485 : memref<1000xf32, #tpu.memory_space<vmem>>) dst(%dma_wait3A_483 : memref<1000xf32, #tpu.memory_space<hbm>>)
    %dma_wait3A_486 = arith.constant 8 : i32
    %dma_wait3A_487 = arith.constant 8000 : i32
    %dma_wait3A_488 = tpu.memref_slice %arg15[%dma_wait3A_487] : memref<10000xf32, #tpu.memory_space<vmem>> -> memref<1000xf32, #tpu.memory_space<vmem>>
    %dma_wait3A_489 = arith.constant 0 : i32
    %dma_wait3A_490 = arith.constant 0 : i32
    %dma_wait3A_491 = tpu.memref_slice %arg8[%dma_wait3A_486, %dma_wait3A_489, %dma_wait3A_490] : memref<10x32x1000xf32, #tpu.memory_space<hbm>> -> memref<1x32x1000xf32, #tpu.memory_space<hbm>>
    %dma_wait3A_492 = tpu.memref_squeeze %dma_wait3A_491 : memref<1x32x1000xf32, #tpu.memory_space<hbm>> -> memref<32x1000xf32, #tpu.memory_space<hbm>>
    %dma_wait3A_493 = arith.constant 0 : i32
    %dma_wait3A_494 = tpu.memref_slice %dma_wait3A_492[%add3A, %dma_wait3A_493] : memref<32x1000xf32, #tpu.memory_space<hbm>> -> memref<1x1000xf32, #tpu.memory_space<hbm>>
    %dma_wait3A_495 = tpu.memref_squeeze %dma_wait3A_494 : memref<1x1000xf32, #tpu.memory_space<hbm>> -> memref<1000xf32, #tpu.memory_space<hbm>>
    %dma_wait3A_496 = arith.constant 0 : i32
    %dma_wait3A_497 = arith.constant 0 : i32
    %dma_wait3A_498 = tpu.memref_slice %arg8[%dma_wait3A_486, %dma_wait3A_496, %dma_wait3A_497] : memref<10x32x1000xf32, #tpu.memory_space<hbm>> -> memref<1x32x1000xf32, #tpu.memory_space<hbm>>
    %dma_wait3A_499 = tpu.memref_squeeze %dma_wait3A_498 : memref<1x32x1000xf32, #tpu.memory_space<hbm>> -> memref<32x1000xf32, #tpu.memory_space<hbm>>
    %dma_wait3A_500 = arith.constant 0 : i32
    %dma_wait3A_501 = tpu.memref_slice %dma_wait3A_499[%add3A, %dma_wait3A_500] : memref<32x1000xf32, #tpu.memory_space<hbm>> -> memref<1x1000xf32, #tpu.memory_space<hbm>>
    %dma_wait3A_502 = tpu.memref_squeeze %dma_wait3A_501 : memref<1x1000xf32, #tpu.memory_space<hbm>> -> memref<1000xf32, #tpu.memory_space<hbm>>
    %dma_wait3A_503 = arith.constant 8000 : i32
    %dma_wait3A_504 = tpu.memref_slice %arg15[%dma_wait3A_503] : memref<10000xf32, #tpu.memory_space<vmem>> -> memref<1000xf32, #tpu.memory_space<vmem>>
    tpu.wait_dma2 semaphore(%arg17 : memref<!tpu.dma_semaphore, #tpu.memory_space<semaphore_mem>>) src(%dma_wait3A_504 : memref<1000xf32, #tpu.memory_space<vmem>>) dst(%dma_wait3A_502 : memref<1000xf32, #tpu.memory_space<hbm>>)
    %dma_wait3A_505 = arith.constant 9 : i32
    %dma_wait3A_506 = arith.constant 9000 : i32
    %dma_wait3A_507 = tpu.memref_slice %arg15[%dma_wait3A_506] : memref<10000xf32, #tpu.memory_space<vmem>> -> memref<1000xf32, #tpu.memory_space<vmem>>
    %dma_wait3A_508 = arith.constant 0 : i32
    %dma_wait3A_509 = arith.constant 0 : i32
    %dma_wait3A_510 = tpu.memref_slice %arg8[%dma_wait3A_505, %dma_wait3A_508, %dma_wait3A_509] : memref<10x32x1000xf32, #tpu.memory_space<hbm>> -> memref<1x32x1000xf32, #tpu.memory_space<hbm>>
    %dma_wait3A_511 = tpu.memref_squeeze %dma_wait3A_510 : memref<1x32x1000xf32, #tpu.memory_space<hbm>> -> memref<32x1000xf32, #tpu.memory_space<hbm>>
    %dma_wait3A_512 = arith.constant 0 : i32
    %dma_wait3A_513 = tpu.memref_slice %dma_wait3A_511[%add3A, %dma_wait3A_512] : memref<32x1000xf32, #tpu.memory_space<hbm>> -> memref<1x1000xf32, #tpu.memory_space<hbm>>
    %dma_wait3A_514 = tpu.memref_squeeze %dma_wait3A_513 : memref<1x1000xf32, #tpu.memory_space<hbm>> -> memref<1000xf32, #tpu.memory_space<hbm>>
    %dma_wait3A_515 = arith.constant 0 : i32
    %dma_wait3A_516 = arith.constant 0 : i32
    %dma_wait3A_517 = tpu.memref_slice %arg8[%dma_wait3A_505, %dma_wait3A_515, %dma_wait3A_516] : memref<10x32x1000xf32, #tpu.memory_space<hbm>> -> memref<1x32x1000xf32, #tpu.memory_space<hbm>>
    %dma_wait3A_518 = tpu.memref_squeeze %dma_wait3A_517 : memref<1x32x1000xf32, #tpu.memory_space<hbm>> -> memref<32x1000xf32, #tpu.memory_space<hbm>>
    %dma_wait3A_519 = arith.constant 0 : i32
    %dma_wait3A_520 = tpu.memref_slice %dma_wait3A_518[%add3A, %dma_wait3A_519] : memref<32x1000xf32, #tpu.memory_space<hbm>> -> memref<1x1000xf32, #tpu.memory_space<hbm>>
    %dma_wait3A_521 = tpu.memref_squeeze %dma_wait3A_520 : memref<1x1000xf32, #tpu.memory_space<hbm>> -> memref<1000xf32, #tpu.memory_space<hbm>>
    %dma_wait3A_522 = arith.constant 9000 : i32
    %dma_wait3A_523 = tpu.memref_slice %arg15[%dma_wait3A_522] : memref<10000xf32, #tpu.memory_space<vmem>> -> memref<1000xf32, #tpu.memory_space<vmem>>
    tpu.wait_dma2 semaphore(%arg17 : memref<!tpu.dma_semaphore, #tpu.memory_space<semaphore_mem>>) src(%dma_wait3A_523 : memref<1000xf32, #tpu.memory_space<vmem>>) dst(%dma_wait3A_521 : memref<1000xf32, #tpu.memory_space<hbm>>)
    %barrier3A_524 = arith.constant 0 : index
    tpu.barrier barrier_id(%barrier3A_524)
    %mul3A_525 = arith.constant 625 : i32
    %mul3A_526 = arith.muli %arg1, %mul3A_525 : i32
    %mul3A_527 = arith.constant 625 : i32
    %mul3A_528 = arith.muli %arg1, %mul3A_527 : i32
    "tpu.region"() ({
      %run_scoped3A = tpu.sem_alloc : memref<!tpu.dma_semaphore, #tpu.memory_space<semaphore_mem>>
      %dma_start3A_529 = arith.constant 0 : i32
      %dma_start3A_530 = arith.constant 0 : i32
      %dma_start3A_531 = tpu.memref_slice %arg7[%arg0, %dma_start3A_529, %dma_start3A_530] : memref<2x10000x128xf32, #tpu.memory_space<hbm>> -> memref<1x10000x128xf32, #tpu.memory_space<hbm>>
      %dma_start3A_532 = tpu.memref_squeeze %dma_start3A_531 : memref<1x10000x128xf32, #tpu.memory_space<hbm>> -> memref<10000x128xf32, #tpu.memory_space<hbm>>
      %dma_start3A_533 = arith.constant 0 : i32
      %dma_start3A_534 = tpu.memref_slice %dma_start3A_532[%mul3A_528, %dma_start3A_533] : memref<10000x128xf32, #tpu.memory_space<hbm>> -> memref<625x128xf32, #tpu.memory_space<hbm>>
      %dma_start3A_535 = arith.constant 0 : i32
      %dma_start3A_536 = tpu.memref_slice %arg16[%mul3A_526, %dma_start3A_535] : memref<10000x128xf32, #tpu.memory_space<vmem_shared>> -> memref<625x128xf32, #tpu.memory_space<vmem_shared>>
      tpu.enqueue_dma source(%dma_start3A_536 : memref<625x128xf32, #tpu.memory_space<vmem_shared>>) target(%dma_start3A_534 : memref<625x128xf32, #tpu.memory_space<hbm>>) target_semaphore(%run_scoped3A : memref<!tpu.dma_semaphore, #tpu.memory_space<semaphore_mem>>)
      %dma_wait3A_537 = arith.constant 0 : i32
      %dma_wait3A_538 = arith.constant 0 : i32
      %dma_wait3A_539 = tpu.memref_slice %arg7[%arg0, %dma_wait3A_537, %dma_wait3A_538] : memref<2x10000x128xf32, #tpu.memory_space<hbm>> -> memref<1x10000x128xf32, #tpu.memory_space<hbm>>
      %dma_wait3A_540 = tpu.memref_squeeze %dma_wait3A_539 : memref<1x10000x128xf32, #tpu.memory_space<hbm>> -> memref<10000x128xf32, #tpu.memory_space<hbm>>
      %dma_wait3A_541 = arith.constant 0 : i32
      %dma_wait3A_542 = tpu.memref_slice %dma_wait3A_540[%mul3A_528, %dma_wait3A_541] : memref<10000x128xf32, #tpu.memory_space<hbm>> -> memref<625x128xf32, #tpu.memory_space<hbm>>
      %dma_wait3A_543 = arith.constant 0 : i32
      %dma_wait3A_544 = tpu.memref_slice %arg16[%mul3A_526, %dma_wait3A_543] : memref<10000x128xf32, #tpu.memory_space<vmem_shared>> -> memref<625x128xf32, #tpu.memory_space<vmem_shared>>
      tpu.wait_dma2 semaphore(%run_scoped3A : memref<!tpu.dma_semaphore, #tpu.memory_space<semaphore_mem>>) src(%dma_wait3A_544 : memref<625x128xf32, #tpu.memory_space<vmem_shared>>) dst(%dma_wait3A_542 : memref<625x128xf32, #tpu.memory_space<hbm>>)
      tpu.yield
    }) : () -> ()
    return
  }
}

module attributes {stable_mosaic.version = 14 : i64} {
  func.func @body(%arg0: i32, %arg1: memref<2x1000x128xf32, #tpu.memory_space<vmem>>, %arg2: memref<1x32x1000xf32, #tpu.memory_space<vmem>>, %arg3: memref<1000x128xf32, #tpu.memory_space<vmem>>, %arg4: memref<128x128xf32, #tpu.memory_space<vmem>>, %arg5: memref<128x128xf32, #tpu.memory_space<vmem>>, %arg6: memref<1x128xf32, #tpu.memory_space<vmem>>, %arg7: memref<1000x128xf32, #tpu.memory_space<vmem>>) attributes {dimension_semantics = [#tpu.dimension_semantics<arbitrary>], iteration_bounds = array<i64: 10>, scalar_prefetch = 0 : i64, scratch_operands = 0 : i64, tpu.core_type = #tpu.core_type<tc>, window_params = [{transform_indices = @transform_0, window_bounds = array<i64: 2, 1000, 128>}, {transform_indices = @transform_1, window_bounds = array<i64: 1, 32, 1000>}, {transform_indices = @transform_2, window_bounds = array<i64: 1000, 128>}, {pipeline_mode = #tpu.pipeline_mode<synchronous>, transform_indices = @transform_3, window_bounds = array<i64: 128, 128>}, {pipeline_mode = #tpu.pipeline_mode<synchronous>, transform_indices = @transform_4, window_bounds = array<i64: 128, 128>}, {pipeline_mode = #tpu.pipeline_mode<synchronous>, transform_indices = @transform_5, window_bounds = array<i64: 1, 128>}, {transform_indices = @transform_6, window_bounds = array<i64: 1000, 128>}]} {
    %get3A = arith.constant 0 : index
    %get3A_0 = arith.constant 0 : index
    %get3A_1 = arith.constant 0 : index
    %get3A_2 = vector.load %arg1[%get3A, %get3A_0, %get3A_1] : memref<2x1000x128xf32, #tpu.memory_space<vmem>>, vector<1x1000x128xf32>
    %get3A_3 = vector.shape_cast %get3A_2 : vector<1x1000x128xf32> to vector<1000x128xf32>
    %get3A_4 = arith.constant 1 : index
    %get3A_5 = arith.constant 0 : index
    %get3A_6 = arith.constant 0 : index
    %get3A_7 = vector.load %arg1[%get3A_4, %get3A_5, %get3A_6] : memref<2x1000x128xf32, #tpu.memory_space<vmem>>, vector<1x1000x128xf32>
    %get3A_8 = vector.shape_cast %get3A_7 : vector<1x1000x128xf32> to vector<1000x128xf32>
    %add3A = arith.addf %get3A_3, %get3A_8 : vector<1000x128xf32>
    %get3A_9 = arith.constant 0 : index
    %get3A_10 = arith.constant 0 : index
    %get3A_11 = arith.constant 0 : index
    %get3A_12 = vector.load %arg2[%get3A_9, %get3A_10, %get3A_11] : memref<1x32x1000xf32, #tpu.memory_space<vmem>>, vector<1x32x1000xf32>
    %get3A_13 = vector.shape_cast %get3A_12 : vector<1x32x1000xf32> to vector<32x1000xf32>
    %reduce_sum3A = arith.constant dense<0.000000e+00> : vector<1000xf32>
    %reduce_sum3A_14 = vector.multi_reduction <add>, %get3A_13, %reduce_sum3A [0] : vector<32x1000xf32> to vector<1000xf32>
    %reshape3A = vector.shape_cast %reduce_sum3A_14 : vector<1000xf32> to vector<1000x1xf32>
    %max3A = arith.constant 1.000000e+00 : f32
    %max3A_15 = vector.broadcast %max3A : f32 to vector<1000x1xf32>
    %max3A_16 = arith.maximumf %reshape3A, %max3A_15 : vector<1000x1xf32>
    %div3A = vector.broadcast %max3A_16 : vector<1000x1xf32> to vector<1000x128xf32>
    %div3A_17 = arith.divf %add3A, %div3A : vector<1000x128xf32>
    %get3A_18 = arith.constant 0 : index
    %get3A_19 = arith.constant 0 : index
    %get3A_20 = vector.load %arg4[%get3A_18, %get3A_19] : memref<128x128xf32, #tpu.memory_space<vmem>>, vector<128x128xf32>
    %dot_general3A = arith.constant dense<0.000000e+00> : vector<1000x128xf32>
    %dot_general3A_21 = tpu.matmul %div3A_17, %get3A_20, %dot_general3A {dimension_numbers = #tpu.dot_dimension_numbers<[1], [0], [0], [1], [0, 0, 1, 1], [], []>, transpose_lhs_hint = false} : vector<1000x128xf32>, vector<128x128xf32>, vector<1000x128xf32> -> vector<1000x128xf32>
    %get3A_22 = arith.constant 0 : index
    %get3A_23 = arith.constant 0 : index
    %get3A_24 = vector.load %arg3[%get3A_22, %get3A_23] : memref<1000x128xf32, #tpu.memory_space<vmem>>, vector<1000x128xf32>
    %get3A_25 = arith.constant 0 : index
    %get3A_26 = arith.constant 0 : index
    %get3A_27 = vector.load %arg5[%get3A_25, %get3A_26] : memref<128x128xf32, #tpu.memory_space<vmem>>, vector<128x128xf32>
    %dot_general3A_28 = arith.constant dense<0.000000e+00> : vector<1000x128xf32>
    %dot_general3A_29 = tpu.matmul %get3A_24, %get3A_27, %dot_general3A_28 {dimension_numbers = #tpu.dot_dimension_numbers<[1], [0], [0], [1], [0, 0, 1, 1], [], []>, transpose_lhs_hint = false} : vector<1000x128xf32>, vector<128x128xf32>, vector<1000x128xf32> -> vector<1000x128xf32>
    %add3A_30 = arith.addf %dot_general3A_21, %dot_general3A_29 : vector<1000x128xf32>
    %get3A_31 = arith.constant 0 : index
    %get3A_32 = arith.constant 0 : index
    %get3A_33 = vector.load %arg6[%get3A_31, %get3A_32] : memref<1x128xf32, #tpu.memory_space<vmem>>, vector<1x128xf32>
    %add3A_34 = vector.broadcast %get3A_33 : vector<1x128xf32> to vector<1000x128xf32>
    %add3A_35 = arith.addf %add3A_30, %add3A_34 : vector<1000x128xf32>
    %swap3A = arith.constant 0 : index
    %swap3A_36 = arith.constant 0 : index
    %swap3A_37 = vector.load %arg7[%swap3A, %swap3A_36] : memref<1000x128xf32, #tpu.memory_space<vmem>>, vector<1000x128xf32>
    tpu.vector_store %arg7[%swap3A, %swap3A_36], %add3A_35 {strides = array<i32>} : memref<1000x128xf32, #tpu.memory_space<vmem>>, vector<1000x128xf32>,
    return
  }
  func.func @transform_0(%arg0: i32) -> (i32, i32, i32) {
    %c0_i32 = arith.constant 0 : i32
    %c0_i32_0 = arith.constant 0 : i32
    %c0_i32_1 = arith.constant 0 : i32
    return %c0_i32, %arg0, %c0_i32_0 : i32, i32, i32
  }
  func.func @transform_1(%arg0: i32) -> (i32, i32, i32) {
    %c0_i32 = arith.constant 0 : i32
    %c0_i32_0 = arith.constant 0 : i32
    %c0_i32_1 = arith.constant 0 : i32
    return %arg0, %c0_i32, %c0_i32_0 : i32, i32, i32
  }
  func.func @transform_2(%arg0: i32) -> (i32, i32) {
    %c0_i32 = arith.constant 0 : i32
    %c0_i32_0 = arith.constant 0 : i32
    return %arg0, %c0_i32 : i32, i32
  }
  func.func @transform_3(%arg0: i32) -> (i32, i32) {
    %c0_i32 = arith.constant 0 : i32
    %c0_i32_0 = arith.constant 0 : i32
    %c0_i32_1 = arith.constant 0 : i32
    return %c0_i32, %c0_i32_0 : i32, i32
  }
  func.func @transform_4(%arg0: i32) -> (i32, i32) {
    %c0_i32 = arith.constant 0 : i32
    %c0_i32_0 = arith.constant 0 : i32
    %c0_i32_1 = arith.constant 0 : i32
    return %c0_i32, %c0_i32_0 : i32, i32
  }
  func.func @transform_5(%arg0: i32) -> (i32, i32) {
    %c0_i32 = arith.constant 0 : i32
    %c0_i32_0 = arith.constant 0 : i32
    %c0_i32_1 = arith.constant 0 : i32
    return %c0_i32, %c0_i32_0 : i32, i32
  }
  func.func @transform_6(%arg0: i32) -> (i32, i32) {
    %c0_i32 = arith.constant 0 : i32
    %c0_i32_0 = arith.constant 0 : i32
    return %arg0, %c0_i32 : i32, i32
  }
}

</mosaic_0001>

<sc_bundles>
// kernel: kernel.4.cloned.1.call-start
scs
__scs_entry_jumppad:
0x0: {  	(pc) =	sbr.rel $0x88, $3  }
0x1: {  	(tag) =	ssettag $0x0;
	lr =	simm.s32 $0x1  }
0x2: {  	[smem:$0x3F9D] =	sst lr;
	_ =	strace $0xD0000000  }
0x3: {  	_ = 	snop  }
0x4: {  	_ = 	snop  }
0x5: {  	_ = 	snop  }
0x6: {  	_ = 	snop  }
0x7: {  	_ = 	snop  }
__scs_overlays_trampoline_lowered:
0x8: {  	[smem:$0x3FAC] =	sst s0  }
0x9: {  	[smem:$0x3FAD] =	sst s1  }
0xa: {  	[smem:$0x3FAE] =	sst s2  }
0xb: {  	[smem:$0x3FAF] =	sst s3  }
0xc: {  	[smem:$0x3FB0] =	sst s4  }
0xd: {  	[smem:$0x3FB1] =	sst s5  }
0xe: {  	[smem:$0x3FB2] =	sst s6  }
0xf: {  	[smem:$0x3FB3] =	sst s7  }
0x10: {  	[smem:$0x3FB4] =	sst s8  }
0x11: {  	[smem:$0x3FB5] =	sst s9;
	s0 =	simm.s32 @!p0 $0x0  }
0x12: {  	s1 =	sld [smem:$0x3F9B];
	s0 =	simm.s32 @p0 $0x1  }
0x13: {  	[smem:$0x3FB6] =	sst s0;
	s0 =	simm.s32 @!p1 $0x0  }
0x14: {  	s2 =	sld [smem:$0x3F9A];
	s0 =	simm.s32 @p1 $0x1  }
0x15: {  	[smem:$0x3FB7] =	sst s0;
	s0 =	simm.s32 @!p2 $0x0  }
0x16: {  	s3 =	sld [smem:$0x3FDB];
	s0 =	simm.s32 @p2 $0x1  }
0x17: {  	s4 =	simm.s32 $0x1BF5;
	[smem:$0x3FB9] =	sst s0  }
0x18: {  	s0 =	sld [smem:$0x3F9C];
	_ =	swait.ge [sflag:s4], $0x0  }
0x19: {  	s7 =	sld [smem:$0x3F9D]  }
0x1a: {  	s8 =	sadd.s32 $0xFFFFE003, lr  }
0x1b: {  	s9 =	sadd.s32 $0xFFFFFEF7, lr;
	s5 =	simm.s32 $0xFFFFFFFF;
	p2 =	slt.u32 s8, $0xFFFFF086  }
0x1c: {  	p1 =	slt.u32 s9, $0xF7A;
	s5 =	simm.s32 @!p2 $0x0  }
0x1d: {  	s5 =	simm.s32 @p1 $0x1;
	p0 =	seq.s32 s7, s2  }
0x1e: {  	s7 =	smul.u32 @!p0 $0xF7A, s2;
	p2 =	seq.s32 @!p0 s5, $0x0  }
0x1f: {  	s9 =	smul.u32 $0xF7A, s1;
	s8 =	simm.s32 @!p0 $0x1BF5;
	p2 =	por !p2, p0  }
0x20: {  	[sflag:s8] =	ssyncset.s32 @!p0 $0xFFFFF086;
	s6 =	sadd.s32 @!p0 s3, s7;
	s7 =	simm.s32 @!p0 $0x108  }
0x21: {  	s3 =	sadd.s32 s3, s9;
	s6 =	sadd.s32 @!p0 $0x88, s6;
	s7 =	simm.s32 @p2 $0x1082  }
0x22: {  	[simem:s7], [sflag:s8] =	dma.local @!p0 [hbm:s6], $0xF7A  }
0x23: {  	s9 =	sor.u32 $0xD0000000, s2;
	s6 =	simm.s32 $0x108;
	_ =	swait.ge @!p0 [sflag:s8], $0x0  }
0x24: {  	s3 =	sadd.s32 $0x88, s3;
	s6 =	simm.s32 @!p1 $0x1082;
	[sflag:s4] =	ssyncset.s32 $0xFFFFF086  }
0x25: {  	[simem:s6], [sflag:s4] =	dma.local [hbm:s3], $0xF7A  }
0x26: {  	[smem:$0x3F9D] =	sst s1;
	(tag) =	ssettag s2;
	_ =	strace s9  }
0x27: {  	s1 =	sld [smem:$0x3FAD]  }
0x28: {  	s2 =	sld [smem:$0x3FAE]  }
0x29: {  	s4 =	sld [smem:$0x3FB0]  }
0x2a: {  	p0 =	seq.s32 s5, $0x0;
	s5 =	sld [smem:$0x3FB1]  }
0x2b: {  	s6 =	sld [smem:$0x3FB2]  }
0x2c: {  	s7 =	sld [smem:$0x3FB3]  }
0x2d: {  	s3 =	simm.s32 $0x108;
	s8 =	sld [smem:$0x3FB4]  }
0x2e: {  	s3 =	simm.s32 @!p0 $0x1082;
	s9 =	sld [smem:$0x3FB5]  }
0x2f: {  	lr =	sadd.s32 s0, s3;
	s0 =	sld [smem:$0x3FAC]  }
0x30: {  	s3 =	sld [smem:$0x3FAF]  }
0x31: {  	[smem:$0x3FB8] =	sst s10  }
0x32: {  	s10 =	sld [smem:$0x3FB6];
	_ =	sdelay $0x3  }
0x33: {  	p0 =	seq.s32 s10, $0x1;
	s10 =	sld [smem:$0x3FB8];
	_ =	sdelay $0x3  }
0x34: {  	[smem:$0x3FB8] =	sst s10  }
0x35: {  	s10 =	sld [smem:$0x3FB7];
	_ =	sdelay $0x3  }
0x36: {  	p1 =	seq.s32 s10, $0x1;
	s10 =	sld [smem:$0x3FB8];
	_ =	sdelay $0x3  }
0x37: {  	[smem:$0x3FB8] =	sst s10  }
0x38: {  	s10 =	sld [smem:$0x3FB9]  }
0x39: {  	_ = 	snop;
	(pc) =	sbr.ind lr, $3  }
0x3a: {  	_ = 	snop  }
0x3b: {  	_ = 	snop  }
0x3c: {  	p2 =	seq.s32 s10, $0x1;
	s10 =	sld [smem:$0x3FB8]  }
0x3d: {  	_ =	shalt  }
0x3e: {  	_ =	shalt  }
0x3f: {  	_ =	shalt  }
0x40: {  	_ =	shalt  }
0x41: {  	_ =	shalt  }
0x42: {  	_ =	shalt  }
0x43: {  	_ =	shalt  }
0x44: {  	_ =	shalt  }
0x45: {  	_ =	shalt  }
0x46: {  	_ =	shalt  }
0x47: {  	_ =	shalt  }
0x48: {  	_ =	shalt  }
0x49: {  	_ =	shalt  }
0x4a: {  	_ =	shalt  }
0x4b: {  	_ =	shalt  }
0x4c: {  	_ =	shalt  }
0x4d: {  	_ =	shalt  }
0x4e: {  	_ =	shalt  }
0x4f: {  	_ =	shalt  }
0x50: {  	_ =	shalt  }
0x51: {  	_ =	shalt  }
0x52: {  	_ =	shalt  }
0x53: {  	_ =	shalt  }
0x54: {  	_ =	shalt  }
0x55: {  	_ =	shalt  }
0x56: {  	_ =	shalt  }
0x57: {  	_ =	shalt  }
0x58: {  	_ =	shalt  }
0x59: {  	_ =	shalt  }
0x5a: {  	_ =	shalt  }
0x5b: {  	_ =	shalt  }
0x5c: {  	_ =	shalt  }
0x5d: {  	_ =	shalt  }
0x5e: {  	_ =	shalt  }
0x5f: {  	_ =	shalt  }
0x60: {  	_ =	shalt  }
0x61: {  	_ =	shalt  }
0x62: {  	_ =	shalt  }
0x63: {  	_ =	shalt  }
0x64: {  	_ =	shalt  }
0x65: {  	_ =	shalt  }
0x66: {  	_ =	shalt  }
0x67: {  	_ =	shalt  }
0x68: {  	_ =	shalt  }
0x69: {  	_ =	shalt  }
0x6a: {  	_ =	shalt  }
0x6b: {  	_ =	shalt  }
0x6c: {  	_ =	shalt  }
0x6d: {  	_ =	shalt  }
0x6e: {  	_ =	shalt  }
0x6f: {  	_ =	shalt  }
0x70: {  	_ =	shalt  }
0x71: {  	_ =	shalt  }
0x72: {  	_ =	shalt  }
0x73: {  	_ =	shalt  }
0x74: {  	_ =	shalt  }
0x75: {  	_ =	shalt  }
0x76: {  	_ =	shalt  }
0x77: {  	_ =	shalt  }
0x78: {  	_ =	shalt  }
0x79: {  	_ =	shalt  }
0x7a: {  	_ =	shalt  }
0x7b: {  	_ =	shalt  }
0x7c: {  	_ =	shalt  }
0x7d: {  	_ =	shalt  }
0x7e: {  	_ =	shalt  }
0x7f: {  	_ =	shalt  }
0x80: {  	_ =	shalt  }
0x81: {  	_ =	shalt  }
0x82: {  	_ =	shalt  }
0x83: {  	_ =	shalt  }
0x84: {  	_ =	shalt  }
0x85: {  	_ =	shalt  }
0x86: {  	_ =	shalt  }
0x87: {  	_ =	shalt  }
.Lfunc_end0:
.L_simem_size_0:
called_computation_lowered:
.L_overlay_start_0:
0x88: {  	s2 =	sld [smem:$0x3FD9]  }
0x89: {  	s3 =	sld [smem:$0x3FFE];
	_ =	sdelay $0x1  }
0x8a: {  	s1 =	srdreg.scid  }
0x8b: {  	s0 =	sand.u32 $0x1, s1  }
0x8c: {  	s17 =	sshll.u32 s0, $0xA;
	s2 =	sadd.s32 s3, s2  }
0x8d: {  	s2 =	sadd.s32 s2, s17  }
0x8e: {  	[smem:$0x3FC4] =	sst s2  }
0x8f: {  	_ = 	snop  }
0x90: {  	s2 =	sld [smem:$0x3FC9]  }
0x91: {  	s18 =	sld [smem:$0x3FD0];
	(tm) =	ssettm $0x1  }
0x92: {  	s4 =	sld [smem:$0x3FFB];
	_ =	sdelay $0x3  }
0x93: {  	_ =	strace s4  }
0x94: {  	s4 =	sld [smem:$0x3FFC];
	_ =	sdelay $0x3  }
0x95: {  	_ =	strace s4  }
0x96: {  	s4 =	sld [smem:$0x3FFD];
	_ =	sdelay $0x3  }
0x97: {  	_ =	strace s4  }
0x98: {  	_ =	strace $0x8FFFFFFF  }
0x99: {  	s19 =	sld [smem:$0x3FDB];
	_ =	sdelay $0x1  }
0x9a: {  	s5 =	simm.s32 $_scs_section_size  }
0x9b: {  	s6 =	simm.s32 $_size__tile_overlayer_lowered;
	s7 =	simm.s32 $_tile_overlayer_lowered  }
0x9c: {  	s22 =	simm.s32 $0x1BFF;
	s21 =	sshll.u32 s7, $0x1;
	s4 =	sadd.s32 s5, s19  }
0x9d: {  	s8 =	simm.s32 $0x0;
	s20 =	sshll.u32 s6, $0x1;
	s6 =	sadd.s32 s21, s4  }
0x9e: {  	[timem:s8], [sflag:s22] =	dma.local [hbm:s6], s20  }
0x9f: {  	_ =	swait.ge [sflag:s22], s20  }
0xa0: {  	s5 =	ssub.s32 $0x0, s20;
	[sflag:s22] =	ssyncset.done $0x0  }
0xa1: {  	[sflag:s22] =	ssyncadd.s32 s5;
	_ =	sdelay $0x1  }
0xa2: {  	s23 =	simm.s32 $0x1B8B  }
0xa3: {  	_ =	swait.ge [sflag:s23], $0x1  }
0xa4: {  	[sflag:s23] =	ssyncset.done $0x0  }
0xa5: {  	s25 =	simm.s32 $0x1B8E;
	s24 =	sld [smem:$0x3FFE];
	[sflag:s23] =	ssyncadd.s32 $0xFFFFFFFF  }
0xa6: {  	s26 =	simm.s32 $execute0_lowered;
	[smem:$0x3FD2] =	sst s25  }
0xa7: {  	s6 =	sshll.u32 s26, $0x1;
	_ =	strace $0x80000046;
	[dreg:$0x1] =	wrdreg $0xFFFFFFFF  }
0xa8: {  	s28 =	simm.s32 $_size_execute0_lowered;
	s4 =	sadd.s32 s4, s6;
	[dreg:$0x0] =	wrdreg $0x0  }
0xa9: {  	s6 =	sshll.u32 s28, $0x1;
	[dreg:$0x2] =	wrdreg s4  }
0xaa: {  	[dreg:$0x3] =	wrdreg s6  }
0xab: {  	[dreg:$0x4] =	wrdreg $0xC0  }
0xac: {  	_ =	task [dreg:s8], $0x5FFFF  }
0xad: {  	[dreg:$0x1] =	wrdreg $0xFFFFFFFF  }
0xae: {  	[dreg:$0x0] =	wrdreg $0x60  }
0xaf: {  	[dreg:$0x2] =	wrdreg s2  }
0xb0: {  	[dreg:$0x3] =	wrdreg s18  }
0xb1: {  	[dreg:$0x4] =	wrdreg s24  }
0xb2: {  	[dreg:$0x5] =	wrdreg $0xB4100  }
0xb3: {  	[dreg:$0x6] =	wrdreg $0x9  }
0xb4: {  	_ =	task.clear_ibuf [dreg:s8], $0x7FFFF;
	_ =	strace $0x90000046  }
0xb5: {  	s29 =	simm.s32 $0x9;
	_ =	strace $0x80000048  }
0xb6: {  	_ =	swait.ge [sflag:s29], $0x1  }
0xb7: {  	[sflag:s29] =	ssyncadd.s32 $0xFFFFFFFF  }
0xb8: {  	_ =	strace $0x90000048  }
0xb9: {  	_ =	sfence  }
0xba: {  	s30 =	sld [smem:$0x0];
	_ =	sdelay $0x2  }
0xbb: {  	s31 =	sshll.u32 s1, $0xD;
	s1 =	sshrl.u32 s1, $0x2  }
0xbc: {  	s3 =	sand.u32 $0x4000, s31;
	s1 =	sadd.s32 s1, s30  }
0xbd: {  	s0 =	sor.u32 s3, s0;
	s1 =	sshll.u32 s1, $0x11  }
0xbe: {  	s0 =	sor.u32 s1, s0  }
0xbf: {  	s0 =	sadd.s32 $0x8F2B, s0  }
0xc0: {  	[sflag:s0] =	ssyncadd.remote.s32 $0x1  }
0xc1: {  	_ =	sfence.sel $0xFFFF  }
0xc2: {  	[dreg:$0x0] =	wrdreg $0xFFFFFFFF;
	(pc) =	sbr.abs _section_cstart, $3  }
0xc3: {  	[dreg:$0x1] =	wrdreg $0xFFFFFFFF  }
0xc4: {  	_ =	task.clear_ibuf [dreg:s8], $0x2FFFF;
	_ =	strace $0x9FFFFFFF  }
0xc5: {  	(tm) =	ssettm $0x7FFFFFFF  }
tec
execute0_lowered:
.L_overlay_start_1:
0x0: {  	(tag) =	ssettag $0x1  }
0x1: {  	s1 =	rddreg [dreg:$0x0]  }
0x2: {  	s5 =	rddreg [dreg:$0x1]  }
0x3: {  	s0 =	rddreg [dreg:$0x2]  }
0x4: {  	s2 =	rddreg [dreg:$0x3];
	s4 =	simm.s32 $0x0  }
0x5: {  	s6 =	simm.s32 $0x80;
	[smem:$0x7FF] =	sst s4  }
0x6: {  	s16 =	simm.s32 $0x880;
	_ =	strace $0x80000047;
	[dreg:$0x5] =	wrdreg s6  }
0x7: {  	s18 =	simm.s32 $0x100;
	[dreg:$0x6] =	wrdreg s16  }
0x8: {  	s19 =	simm.s32 $0x900;
	[dreg:$0x7] =	wrdreg s18  }
0x9: {  	s20 =	simm.s32 $0x180;
	[dreg:$0x8] =	wrdreg s19  }
0xa: {  	s21 =	simm.s32 $0x980;
	[dreg:$0x9] =	wrdreg s20  }
0xb: {  	s10 =	sadd.s32 $0xB600, s0;
	[dreg:$0xa] =	wrdreg s21  }
0xc: {  	s22 =	simm.s32 $0x200;
	[smem:$0x7F0] =	sst s10  }
0xd: {  	s3 =	srdreg.scid;
	s24 =	sadd.s32 $0xB000, s0;
	[dreg:$0xb] =	wrdreg s22  }
0xe: {  	s13 =	stileid.u32;
	s23 =	simm.s32 $0xA00;
	[smem:$0x7F1] =	sst s24  }
0xf: {  	s25 =	simm.s32 $0x280;
	s11 =	simm.s32 $0xA80;
	[dreg:$0xc] =	wrdreg s23  }
0x10: {  	s12 =	simm.s32 $0x300;
	s14 =	simm.s32 $0xB00;
	[dreg:$0xd] =	wrdreg s25  }
0x11: {  	s28 =	simm.s32 $0x8D00;
	s29 =	simm.s32 $0x7;
	[dreg:$0xe] =	wrdreg s11  }
0x12: {  	s30 =	simm.s32 $0x7D;
	s31 =	simm.s32 $0x1000;
	[dreg:$0xf] =	wrdreg s12  }
0x13: {  	s7 =	sand.u32 $0x1, s3;
	[dreg:$0x10] =	wrdreg s14;
	s20 =	simm.s32 $0x380  }
0x14: {  	s17 =	sshll.u32 s13, $0x1;
	s21 =	simm.s32 $0xB80;
	[dreg:$0x11] =	wrdreg s20  }
0x15: {  	s13 =	smul.u32 $0x13880, s13;
	s22 =	simm.s32 $0x480;
	[dreg:$0x12] =	wrdreg s21  }
0x16: {  	s6 =	sor.u32 s7, s17;
	s23 =	simm.s32 $0xC80;
	[dreg:$0x13] =	wrdreg s22  }
0x17: {  	s26 =	smul.u32 $0x27100, s7;
	s24 =	simm.s32 $0x500;
	[dreg:$0x14] =	wrdreg s23  }
0x18: {  	s7 =	ssub.s32 $0x2, s7;
	s25 =	simm.s32 $0xD00;
	[dreg:$0x15] =	wrdreg s24  }
0x19: {  	s16 =	simm.s32 $0xD80;
	s17 =	simm.s32 $0x600;
	[dreg:$0x16] =	wrdreg s25  }
0x1a: {  	s19 =	simm.s32 $0xE00;
	s14 =	sadd.s32 $0x11C80, s0;
	[dreg:$0x18] =	wrdreg s16  }
0x1b: {  	s11 =	simm.s32 $0x1;
	s8 =	smul.u32 $0x500, s6;
	[dreg:$0x19] =	wrdreg s17  }
0x1c: {  	s3 =	smul.u32 $0x7D, s6;
	s6 =	simm.s32 $0x580;
	[dreg:$0x1a] =	wrdreg s19  }
0x1d: {  	s12 =	sshrl.u32 s7, $0x1;
	s18 =	sadd.s32 s13, s2;
	[dreg:$0x17] =	wrdreg s6  }
0x1e: {  	s21 =	simm.s32 $0x680;
	s22 =	sadd.s32 $0xEDA0, s0;
	[smem:$0x7F4] =	sst s18  }
0x1f: {  	s23 =	simm.s32 $0xE80;
	s24 =	sadd.s32 $0xFD40, s0;
	[dreg:$0x1b] =	wrdreg s21  }
0x20: {  	s25 =	simm.s32 $0x700;
	s17 =	simm.s32 $0xF00;
	[dreg:$0x1c] =	wrdreg s23  }
0x21: {  	s19 =	simm.s32 $0xF80;
	s16 =	sadd.s32 $0x13BC0, s0;
	[dreg:$0x1d] =	wrdreg s25  }
0x22: {  	s10 =	sadd.s32 s26, s0;
	s12 =	ssub.s32 s7, s12;
	[dreg:$0x1e] =	wrdreg s17  }
0x23: {  	s18 =	simm.s32 $0x780;
	[smem:$0x7F6] =	sst s19;
	s21 =	sadd.s32 $0x15B00, s0  }
0x24: {  	s6 =	sshrl.u32 s13, $0x3;
	s9 =	sadd.s32 s8, s0;
	s15 =	sadd.s32 s3, s0  }
0x25: {  	s7 =	sadd.s32 s5, s8;
	[dreg:$0x1f] =	wrdreg s18;
	s10 =	sadd.s32 $0x17C00, s10  }
0x26: {  	s12 =	smax.u32 s12, $0x1;
	s21 =	sadd.s32 s3, s21;
	s5 =	simm.s32 $0x4  }
0x27: {  	s8 =	sadd.s32 $0x1000, s9;
	s26 =	sadd.s32 $0x80, s7;
	[smem:$0x7F7] =	sst s12  }
0x28: {  	s9 =	sadd.s32 $0x1080, s9;
	s20 =	sadd.s32 $0xDE00, s15;
	[smem:$0x7F2] =	sst s26  }
0x29: {  	s15 =	sadd.s32 $0x12C20, s0;
	s12 =	simm.s32 $0x0;
	[smem:$0x7F3] =	sst s9  }
0x2a: {  	[smem:$0x7F5] =	sst s20;
	s26 =	sadd.s32 $0x10CE0, s0;
	s9 =	sadd.s32 s3, s22  }
0x2b: {  	s20 =	sadd.s32 $0x14B60, s0;
	s22 =	sadd.s32 s3, s24;
	[smem:$0x7F8] =	sst s9  }
0x2c: {  	s0 =	sadd.s32 $0x16AA0, s0;
	s24 =	sadd.s32 s3, s14;
	[smem:$0x7F9] =	sst s22  }
0x2d: {  	s25 =	sadd.s32 s3, s15;
	s23 =	sadd.s32 s3, s26;
	[smem:$0x7FB] =	sst s24  }
0x2e: {  	[smem:$0x7FC] =	sst s25;
	s26 =	sadd.s32 s3, s16;
	s20 =	sadd.s32 s3, s20  }
0x2f: {  	s22 =	sadd.s32 s3, s0;
	s24 =	sadd.s32 s6, s10;
	s25 =	simm.s32 $0x400  }
0x30: {  	s0 =	simm.s32 $0x3;
	s3 =	simm.s32 $0x4E80;
	s6 =	simm.s32 $0x5  }
0x31: {  	s9 =	simm.s32 $0x6;
	s10 =	simm.s32 $0x2;
	[smem:$0x7FA] =	sst s23  }
0x32: {  	v0 =	vimm.f32 $1.000000000e+00;
	vm0 =	vcmask $0x3F0C;
	[smem:$0x7FD] =	sst s26;
	s23 =	simm.s32 $0x800;
	s26 =	simm.s32 $0xC00  }
.LBB2_1:
0x33: {  	[tilespmem:s4], [sflag:$0x1] =	stream.linear.gather [hbm4b:s7+s4], $0x400, $0x38;
	[tilespmem:$0x1EC90] =	vst v63  }
0x34: {  	s13 =	sld [smem:$0x7F2]  }
0x35: {  	[tilespmem:s23], [sflag:$0x1] =	stream.linear.gather [hbm4b:s8+s4], $0x400, $0x38;
	[tilespmem:$0x1EC90] =	vst v63  }
0x36: {  	s17 =	sld [smem:$0x7F3]  }
0x37: {  	[tilespmem:s25], [sflag:$0x2] =	stream.linear.gather [hbm4b:s13+s4], $0x400, $0x38;
	[tilespmem:$0x1EC90] =	vst v63  }
0x38: {  	s18 =	sld [smem:$0x7F1]  }
0x39: {  	[tilespmem:s26], [sflag:$0x2] =	stream.linear.gather [hbm4b:s17+s4], $0x400, $0x38;
	[tilespmem:$0x1EC90] =	vst v63  }
0x3a: {  	_ = 	snop  }
0x3b: {  	[tilespmem:s28], [sflag:$0x7] =	stream.linear.gather [hbm4b:s18+s4], $0x2710, $0x38;
	[tilespmem:$0x1EC90] =	vst v63  }
0x3c: {  	_ =	swait.ge [sflag:s29], $0x2710  }
0x3d: {  	[sflag:s29] =	ssyncset.done $0x0  }
0x3e: {  	[sflag:s29] =	ssyncadd.s32 $0xFFFFD8F0  }
0x3f: {  	_ =	swait.ge [sflag:s11], $0x400  }
0x40: {  	[sflag:s11] =	ssyncset.done $0x0  }
0x41: {  	[sflag:s11] =	ssyncadd.s32 $0xFFFFFC00  }
0x42: {  	_ =	swait.ge [sflag:s11], $0x400  }
0x43: {  	s19 =	stileid.u32;
	[sflag:s11] =	ssyncset.done $0x0;
	s14 =	sld [smem:$0x7F4]  }
0x44: {  	s13 =	sshll.u32 s19, $0x6;
	s15 =	sld [smem:$0x7F0];
	[sflag:s11] =	ssyncadd.s32 $0xFFFFFC00  }
0x45: {  	[tilespmem:s31], [sflag:$0x3] =	stream.indirect.gather [hbm4b:s1+s30], $0x80, s4, s30, $0xb8;
	[tilespmem:$0x1EC90] =	vst v63  }
0x46: {  	s13 =	sor.u32 $0x1C07, s13;
	s14 =	sshrl.u32 s14, $0x3  }
0x47: {  	[spmem:s14], [sflag:s13] =	dma.local [hbm:s15], $0x2710  }
0x48: {  	_ =	swait.ge [sflag:s29], $0x2710  }
0x49: {  	[sflag:s29] =	ssyncset.done $0x0  }
0x4a: {  	[sflag:s29] =	ssyncadd.s32 $0xFFFFD8F0  }
0x4b: {  	s16 =	simm.s32 $0x0;
	s15 =	simm.s32 $0x1;
	[bflag:$0x0] =	sbarrier.arrive $0xFFFF  }
.LBB2_2:
0x4c: {  	_ =	swait.ge [sflag:s0], $0x3E80  }
0x4d: {  	[sflag:s0] =	ssyncset.done $0x0  }
0x4e: {  	[sflag:s0] =	ssyncadd.s32 $0xFFFFC180  }
0x4f: {  	[spmem:s2] =	stream.indirect.scatter.add.f32 [tilespmem:s31], [sflag:$0x5], $0x80, s23, s30, $0xb8;
	[tilespmem:$0x1EC90] =	vst v63  }
0x50: {  	v1 =	vld [tilespmem:$0x800];
	_ =	sdelay $0x7  }
0x51: {  	[tilespmem:v1+s28+$0x0] =	vst.idx.add.f32.msk $0xffff, v0  }
0x52: {  	v1 =	vld [tilespmem:$0x810];
	_ =	sdelay $0x7  }
0x53: {  	[tilespmem:v1+s28+$0x0] =	vst.idx.add.f32.msk $0xffff, v0  }
0x54: {  	v1 =	vld [tilespmem:$0x820];
	_ =	sdelay $0x7  }
0x55: {  	[tilespmem:v1+s28+$0x0] =	vst.idx.add.f32.msk $0xffff, v0  }
0x56: {  	v1 =	vld [tilespmem:$0x830];
	_ =	sdelay $0x7  }
0x57: {  	[tilespmem:v1+s28+$0x0] =	vst.idx.add.f32.msk $0xffff, v0  }
0x58: {  	v1 =	vld [tilespmem:$0x840];
	_ =	sdelay $0x7  }
0x59: {  	[tilespmem:v1+s28+$0x0] =	vst.idx.add.f32.msk $0xffff, v0  }
0x5a: {  	v1 =	vld [tilespmem:$0x850];
	_ =	sdelay $0x7  }
0x5b: {  	[tilespmem:v1+s28+$0x0] =	vst.idx.add.f32.msk $0xffff, v0  }
0x5c: {  	v1 =	vld [tilespmem:$0x860];
	_ =	sdelay $0x7  }
0x5d: {  	[tilespmem:v1+s28+$0x0] =	vst.idx.add.f32.msk $0xffff, v0  }
0x5e: {  	v1 =	vld [tilespmem:$0x86D];
	_ =	sdelay $0x6  }
0x5f: {  	p0 =	seq.s32 s16, $0x0  }
0x60: {  	s17 =	simm.s32 @!p0 $0x6;
	[tilespmem:v1+s28+$0x0] =	vst.idx.add.f32.msk vm0, v0  }
0x61: {  	_ =	swait.ge @!p0 [sflag:s17], $0x3E80  }
0x62: {  	[sflag:s17] =	ssyncset.done @!p0 $0x0  }
0x63: {  	s18 =	rddreg [dreg:$0x5];
	[sflag:s17] =	ssyncadd.s32 @!p0 $0xFFFFC180  }
0x64: {  	[tilespmem:s3], [sflag:$0x4] =	stream.indirect.gather [hbm4b:s1+s30], $0x80, s18, s30, $0xb8;
	[tilespmem:$0x1EC90] =	vst v63  }
0x65: {  	_ =	swait.ge [sflag:s5], $0x3E80  }
0x66: {  	[sflag:s5] =	ssyncset.done $0x0  }
0x67: {  	s19 =	rddreg [dreg:$0x6];
	[sflag:s5] =	ssyncadd.s32 $0xFFFFC180  }
0x68: {  	[spmem:s2] =	stream.indirect.scatter.add.f32 [tilespmem:s3], [sflag:$0x6], $0x80, s19, s30, $0xb8;
	[tilespmem:$0x1EC90] =	vst v63  }
0x69: {  	v1 =	vld [tilespmem:$0x880];
	_ =	sdelay $0x7  }
0x6a: {  	[tilespmem:v1+s28+$0x0] =	vst.idx.add.f32.msk $0xffff, v0  }
0x6b: {  	v1 =	vld [tilespmem:$0x890];
	_ =	sdelay $0x7  }
0x6c: {  	[tilespmem:v1+s28+$0x0] =	vst.idx.add.f32.msk $0xffff, v0  }
0x6d: {  	v1 =	vld [tilespmem:$0x8A0];
	_ =	sdelay $0x7  }
0x6e: {  	[tilespmem:v1+s28+$0x0] =	vst.idx.add.f32.msk $0xffff, v0  }
0x6f: {  	v1 =	vld [tilespmem:$0x8B0];
	_ =	sdelay $0x7  }
0x70: {  	[tilespmem:v1+s28+$0x0] =	vst.idx.add.f32.msk $0xffff, v0  }
0x71: {  	v1 =	vld [tilespmem:$0x8C0];
	_ =	sdelay $0x7  }
0x72: {  	[tilespmem:v1+s28+$0x0] =	vst.idx.add.f32.msk $0xffff, v0  }
0x73: {  	v1 =	vld [tilespmem:$0x8D0];
	_ =	sdelay $0x7  }
0x74: {  	[tilespmem:v1+s28+$0x0] =	vst.idx.add.f32.msk $0xffff, v0  }
0x75: {  	v1 =	vld [tilespmem:$0x8E0];
	_ =	sdelay $0x7  }
0x76: {  	[tilespmem:v1+s28+$0x0] =	vst.idx.add.f32.msk $0xffff, v0  }
0x77: {  	v1 =	vld [tilespmem:$0x8ED];
	_ =	sdelay $0x7  }
0x78: {  	[tilespmem:v1+s28+$0x0] =	vst.idx.add.f32.msk vm0, v0  }
0x79: {  	_ =	swait.ge [sflag:s6], $0x3E80  }
0x7a: {  	[sflag:s6] =	ssyncset.done $0x0  }
0x7b: {  	s18 =	rddreg [dreg:$0x7];
	[sflag:s6] =	ssyncadd.s32 $0xFFFFC180  }
0x7c: {  	[tilespmem:s31], [sflag:$0x3] =	stream.indirect.gather [hbm4b:s1+s30], $0x80, s18, s30, $0xb8;
	[tilespmem:$0x1EC90] =	vst v63  }
0x7d: {  	_ =	swait.ge [sflag:s0], $0x3E80  }
0x7e: {  	[sflag:s0] =	ssyncset.done $0x0  }
0x7f: {  	s19 =	rddreg [dreg:$0x8];
	[sflag:s0] =	ssyncadd.s32 $0xFFFFC180  }
0x80: {  	[spmem:s2] =	stream.indirect.scatter.add.f32 [tilespmem:s31], [sflag:$0x5], $0x80, s19, s30, $0xb8;
	[tilespmem:$0x1EC90] =	vst v63  }
0x81: {  	v1 =	vld [tilespmem:$0x900];
	_ =	sdelay $0x7  }
0x82: {  	[tilespmem:v1+s28+$0x0] =	vst.idx.add.f32.msk $0xffff, v0  }
0x83: {  	v1 =	vld [tilespmem:$0x910];
	_ =	sdelay $0x7  }
0x84: {  	[tilespmem:v1+s28+$0x0] =	vst.idx.add.f32.msk $0xffff, v0  }
0x85: {  	v1 =	vld [tilespmem:$0x920];
	_ =	sdelay $0x7  }
0x86: {  	[tilespmem:v1+s28+$0x0] =	vst.idx.add.f32.msk $0xffff, v0  }
0x87: {  	v1 =	vld [tilespmem:$0x930];
	_ =	sdelay $0x7  }
0x88: {  	[tilespmem:v1+s28+$0x0] =	vst.idx.add.f32.msk $0xffff, v0  }
0x89: {  	v1 =	vld [tilespmem:$0x940];
	_ =	sdelay $0x7  }
0x8a: {  	[tilespmem:v1+s28+$0x0] =	vst.idx.add.f32.msk $0xffff, v0  }
0x8b: {  	v1 =	vld [tilespmem:$0x950];
	_ =	sdelay $0x7  }
0x8c: {  	[tilespmem:v1+s28+$0x0] =	vst.idx.add.f32.msk $0xffff, v0  }
0x8d: {  	v1 =	vld [tilespmem:$0x960];
	_ =	sdelay $0x7  }
0x8e: {  	[tilespmem:v1+s28+$0x0] =	vst.idx.add.f32.msk $0xffff, v0  }
0x8f: {  	v1 =	vld [tilespmem:$0x96D];
	_ =	sdelay $0x7  }
0x90: {  	[tilespmem:v1+s28+$0x0] =	vst.idx.add.f32.msk vm0, v0  }
0x91: {  	_ =	swait.ge [sflag:s9], $0x3E80  }
0x92: {  	[sflag:s9] =	ssyncset.done $0x0  }
0x93: {  	s17 =	sadd.s32 @!p0 s16, s7;
	s18 =	rddreg [dreg:$0x9];
	[sflag:s9] =	ssyncadd.s32 $0xFFFFC180  }
0x94: {  	[tilespmem:s3], [sflag:$0x4] =	stream.indirect.gather [hbm4b:s1+s30], $0x80, s18, s30, $0xb8;
	[tilespmem:$0x1EC90] =	vst v63  }
0x95: {  	s17 =	sadd.s32 @!p0 $0x80, s17;
	s19 =	simm.s32 @!p0 $0x400;
	s18 =	simm.s32 @!p0 $0x0  }
0x96: {  	[tilespmem:s19], [sflag:$0x2] =	stream.linear.gather @!p0 [hbm4b:s17+s18], $0x400, $0x38;
	[tilespmem:$0x1EC90] =	vst v63  }
0x97: {  	s17 =	sadd.s32 @!p0 s16, s8  }
0x98: {  	s19 =	simm.s32 @!p0 $0xC00;
	s17 =	sadd.s32 @!p0 $0x80, s17  }
0x99: {  	[tilespmem:s19], [sflag:$0x2] =	stream.linear.gather @!p0 [hbm4b:s17+s18], $0x400, $0x38;
	[tilespmem:$0x1EC90] =	vst v63  }
0x9a: {  	_ =	swait.ge [sflag:s5], $0x3E80  }
0x9b: {  	[sflag:s5] =	ssyncset.done $0x0  }
0x9c: {  	s19 =	rddreg [dreg:$0xa];
	[sflag:s5] =	ssyncadd.s32 $0xFFFFC180  }
0x9d: {  	[spmem:s2] =	stream.indirect.scatter.add.f32 [tilespmem:s3], [sflag:$0x6], $0x80, s19, s30, $0xb8;
	[tilespmem:$0x1EC90] =	vst v63  }
0x9e: {  	v1 =	vld [tilespmem:$0x980];
	_ =	sdelay $0x7  }
0x9f: {  	[tilespmem:v1+s28+$0x0] =	vst.idx.add.f32.msk $0xffff, v0  }
0xa0: {  	v1 =	vld [tilespmem:$0x990];
	_ =	sdelay $0x7  }
0xa1: {  	[tilespmem:v1+s28+$0x0] =	vst.idx.add.f32.msk $0xffff, v0  }
0xa2: {  	v1 =	vld [tilespmem:$0x9A0];
	_ =	sdelay $0x7  }
0xa3: {  	[tilespmem:v1+s28+$0x0] =	vst.idx.add.f32.msk $0xffff, v0  }
0xa4: {  	v1 =	vld [tilespmem:$0x9B0];
	_ =	sdelay $0x7  }
0xa5: {  	[tilespmem:v1+s28+$0x0] =	vst.idx.add.f32.msk $0xffff, v0  }
0xa6: {  	v1 =	vld [tilespmem:$0x9C0];
	_ =	sdelay $0x7  }
0xa7: {  	[tilespmem:v1+s28+$0x0] =	vst.idx.add.f32.msk $0xffff, v0  }
0xa8: {  	v1 =	vld [tilespmem:$0x9D0];
	_ =	sdelay $0x7  }
0xa9: {  	[tilespmem:v1+s28+$0x0] =	vst.idx.add.f32.msk $0xffff, v0  }
0xaa: {  	v1 =	vld [tilespmem:$0x9E0];
	_ =	sdelay $0x7  }
0xab: {  	[tilespmem:v1+s28+$0x0] =	vst.idx.add.f32.msk $0xffff, v0  }
0xac: {  	v1 =	vld [tilespmem:$0x9ED];
	_ =	sdelay $0x7  }
0xad: {  	[tilespmem:v1+s28+$0x0] =	vst.idx.add.f32.msk vm0, v0  }
0xae: {  	_ =	swait.ge [sflag:s6], $0x3E80  }
0xaf: {  	[sflag:s6] =	ssyncset.done $0x0  }
0xb0: {  	s18 =	rddreg [dreg:$0xb];
	[sflag:s6] =	ssyncadd.s32 $0xFFFFC180  }
0xb1: {  	[tilespmem:s31], [sflag:$0x3] =	stream.indirect.gather [hbm4b:s1+s30], $0x80, s18, s30, $0xb8;
	[tilespmem:$0x1EC90] =	vst v63  }
0xb2: {  	_ =	swait.ge [sflag:s0], $0x3E80  }
0xb3: {  	[sflag:s0] =	ssyncset.done $0x0  }
0xb4: {  	s19 =	rddreg [dreg:$0xc];
	[sflag:s0] =	ssyncadd.s32 $0xFFFFC180  }
0xb5: {  	[spmem:s2] =	stream.indirect.scatter.add.f32 [tilespmem:s31], [sflag:$0x5], $0x80, s19, s30, $0xb8;
	[tilespmem:$0x1EC90] =	vst v63  }
0xb6: {  	v1 =	vld [tilespmem:$0xA00];
	_ =	sdelay $0x7  }
0xb7: {  	[tilespmem:v1+s28+$0x0] =	vst.idx.add.f32.msk $0xffff, v0  }
0xb8: {  	v1 =	vld [tilespmem:$0xA10];
	_ =	sdelay $0x7  }
0xb9: {  	[tilespmem:v1+s28+$0x0] =	vst.idx.add.f32.msk $0xffff, v0  }
0xba: {  	v1 =	vld [tilespmem:$0xA20];
	_ =	sdelay $0x7  }
0xbb: {  	[tilespmem:v1+s28+$0x0] =	vst.idx.add.f32.msk $0xffff, v0  }
0xbc: {  	v1 =	vld [tilespmem:$0xA30];
	_ =	sdelay $0x7  }
0xbd: {  	[tilespmem:v1+s28+$0x0] =	vst.idx.add.f32.msk $0xffff, v0  }
0xbe: {  	v1 =	vld [tilespmem:$0xA40];
	_ =	sdelay $0x7  }
0xbf: {  	[tilespmem:v1+s28+$0x0] =	vst.idx.add.f32.msk $0xffff, v0  }
0xc0: {  	v1 =	vld [tilespmem:$0xA50];
	_ =	sdelay $0x7  }
0xc1: {  	[tilespmem:v1+s28+$0x0] =	vst.idx.add.f32.msk $0xffff, v0  }
0xc2: {  	v1 =	vld [tilespmem:$0xA60];
	_ =	sdelay $0x7  }
0xc3: {  	[tilespmem:v1+s28+$0x0] =	vst.idx.add.f32.msk $0xffff, v0  }
0xc4: {  	v1 =	vld [tilespmem:$0xA6D];
	_ =	sdelay $0x7  }
0xc5: {  	[tilespmem:v1+s28+$0x0] =	vst.idx.add.f32.msk vm0, v0  }
0xc6: {  	_ =	swait.ge [sflag:s9], $0x3E80  }
0xc7: {  	[sflag:s9] =	ssyncset.done $0x0  }
0xc8: {  	s18 =	rddreg [dreg:$0xd];
	[sflag:s9] =	ssyncadd.s32 $0xFFFFC180  }
0xc9: {  	[tilespmem:s3], [sflag:$0x4] =	stream.indirect.gather [hbm4b:s1+s30], $0x80, s18, s30, $0xb8;
	[tilespmem:$0x1EC90] =	vst v63  }
0xca: {  	_ =	swait.ge [sflag:s5], $0x3E80  }
0xcb: {  	[sflag:s5] =	ssyncset.done $0x0  }
0xcc: {  	s19 =	rddreg [dreg:$0xe];
	[sflag:s5] =	ssyncadd.s32 $0xFFFFC180  }
0xcd: {  	[spmem:s2] =	stream.indirect.scatter.add.f32 [tilespmem:s3], [sflag:$0x6], $0x80, s19, s30, $0xb8;
	[tilespmem:$0x1EC90] =	vst v63  }
0xce: {  	v1 =	vld [tilespmem:$0xA80];
	_ =	sdelay $0x7  }
0xcf: {  	[tilespmem:v1+s28+$0x0] =	vst.idx.add.f32.msk $0xffff, v0  }
0xd0: {  	v1 =	vld [tilespmem:$0xA90];
	_ =	sdelay $0x7  }
0xd1: {  	[tilespmem:v1+s28+$0x0] =	vst.idx.add.f32.msk $0xffff, v0  }
0xd2: {  	v1 =	vld [tilespmem:$0xAA0];
	_ =	sdelay $0x7  }
0xd3: {  	[tilespmem:v1+s28+$0x0] =	vst.idx.add.f32.msk $0xffff, v0  }
0xd4: {  	v1 =	vld [tilespmem:$0xAB0];
	_ =	sdelay $0x7  }
0xd5: {  	[tilespmem:v1+s28+$0x0] =	vst.idx.add.f32.msk $0xffff, v0  }
0xd6: {  	v1 =	vld [tilespmem:$0xAC0];
	_ =	sdelay $0x7  }
0xd7: {  	[tilespmem:v1+s28+$0x0] =	vst.idx.add.f32.msk $0xffff, v0  }
0xd8: {  	v1 =	vld [tilespmem:$0xAD0];
	_ =	sdelay $0x7  }
0xd9: {  	[tilespmem:v1+s28+$0x0] =	vst.idx.add.f32.msk $0xffff, v0  }
0xda: {  	v1 =	vld [tilespmem:$0xAE0];
	_ =	sdelay $0x7  }
0xdb: {  	[tilespmem:v1+s28+$0x0] =	vst.idx.add.f32.msk $0xffff, v0  }
0xdc: {  	v1 =	vld [tilespmem:$0xAED];
	_ =	sdelay $0x7  }
0xdd: {  	[tilespmem:v1+s28+$0x0] =	vst.idx.add.f32.msk vm0, v0  }
0xde: {  	_ =	swait.ge [sflag:s6], $0x3E80  }
0xdf: {  	[sflag:s6] =	ssyncset.done $0x0  }
0xe0: {  	s18 =	rddreg [dreg:$0xf];
	[sflag:s6] =	ssyncadd.s32 $0xFFFFC180  }
0xe1: {  	[tilespmem:s31], [sflag:$0x3] =	stream.indirect.gather [hbm4b:s1+s30], $0x80, s18, s30, $0xb8;
	[tilespmem:$0x1EC90] =	vst v63  }
0xe2: {  	_ =	swait.ge [sflag:s0], $0x3E80  }
0xe3: {  	[sflag:s0] =	ssyncset.done $0x0  }
0xe4: {  	s19 =	rddreg [dreg:$0x10];
	[sflag:s0] =	ssyncadd.s32 $0xFFFFC180  }
0xe5: {  	[spmem:s2] =	stream.indirect.scatter.add.f32 [tilespmem:s31], [sflag:$0x5], $0x80, s19, s30, $0xb8;
	[tilespmem:$0x1EC90] =	vst v63  }
0xe6: {  	v1 =	vld [tilespmem:$0xB00];
	_ =	sdelay $0x7  }
0xe7: {  	[tilespmem:v1+s28+$0x0] =	vst.idx.add.f32.msk $0xffff, v0  }
0xe8: {  	v1 =	vld [tilespmem:$0xB10];
	_ =	sdelay $0x7  }
0xe9: {  	[tilespmem:v1+s28+$0x0] =	vst.idx.add.f32.msk $0xffff, v0  }
0xea: {  	v1 =	vld [tilespmem:$0xB20];
	_ =	sdelay $0x7  }
0xeb: {  	[tilespmem:v1+s28+$0x0] =	vst.idx.add.f32.msk $0xffff, v0  }
0xec: {  	v1 =	vld [tilespmem:$0xB30];
	_ =	sdelay $0x7  }
0xed: {  	[tilespmem:v1+s28+$0x0] =	vst.idx.add.f32.msk $0xffff, v0  }
0xee: {  	v1 =	vld [tilespmem:$0xB40];
	_ =	sdelay $0x7  }
0xef: {  	[tilespmem:v1+s28+$0x0] =	vst.idx.add.f32.msk $0xffff, v0  }
0xf0: {  	v1 =	vld [tilespmem:$0xB50];
	_ =	sdelay $0x7  }
0xf1: {  	[tilespmem:v1+s28+$0x0] =	vst.idx.add.f32.msk $0xffff, v0  }
0xf2: {  	v1 =	vld [tilespmem:$0xB60];
	_ =	sdelay $0x7  }
0xf3: {  	[tilespmem:v1+s28+$0x0] =	vst.idx.add.f32.msk $0xffff, v0  }
0xf4: {  	v1 =	vld [tilespmem:$0xB6D];
	_ =	sdelay $0x7  }
0xf5: {  	[tilespmem:v1+s28+$0x0] =	vst.idx.add.f32.msk vm0, v0  }
0xf6: {  	_ =	swait.ge [sflag:s9], $0x3E80  }
0xf7: {  	[sflag:s9] =	ssyncset.done $0x0  }
0xf8: {  	s18 =	rddreg [dreg:$0x11];
	[sflag:s9] =	ssyncadd.s32 $0xFFFFC180  }
0xf9: {  	[tilespmem:s3], [sflag:$0x4] =	stream.indirect.gather [hbm4b:s1+s30], $0x80, s18, s30, $0xb8;
	[tilespmem:$0x1EC90] =	vst v63  }
0xfa: {  	_ =	swait.ge [sflag:s5], $0x3E80  }
0xfb: {  	[sflag:s5] =	ssyncset.done $0x0  }
0xfc: {  	s19 =	rddreg [dreg:$0x12];
	[sflag:s5] =	ssyncadd.s32 $0xFFFFC180  }
0xfd: {  	[spmem:s2] =	stream.indirect.scatter.add.f32 [tilespmem:s3], [sflag:$0x6], $0x80, s19, s30, $0xb8;
	[tilespmem:$0x1EC90] =	vst v63  }
0xfe: {  	v1 =	vld [tilespmem:$0xB80];
	_ =	sdelay $0x7  }
0xff: {  	[tilespmem:v1+s28+$0x0] =	vst.idx.add.f32.msk $0xffff, v0  }
0x100: {  	v1 =	vld [tilespmem:$0xB90];
	_ =	sdelay $0x7  }
0x101: {  	[tilespmem:v1+s28+$0x0] =	vst.idx.add.f32.msk $0xffff, v0  }
0x102: {  	v1 =	vld [tilespmem:$0xBA0];
	_ =	sdelay $0x7  }
0x103: {  	[tilespmem:v1+s28+$0x0] =	vst.idx.add.f32.msk $0xffff, v0  }
0x104: {  	v1 =	vld [tilespmem:$0xBB0];
	_ =	sdelay $0x7  }
0x105: {  	[tilespmem:v1+s28+$0x0] =	vst.idx.add.f32.msk $0xffff, v0  }
0x106: {  	v1 =	vld [tilespmem:$0xBC0];
	_ =	sdelay $0x7  }
0x107: {  	[tilespmem:v1+s28+$0x0] =	vst.idx.add.f32.msk $0xffff, v0  }
0x108: {  	v1 =	vld [tilespmem:$0xBD0];
	_ =	sdelay $0x7  }
0x109: {  	[tilespmem:v1+s28+$0x0] =	vst.idx.add.f32.msk $0xffff, v0  }
0x10a: {  	v1 =	vld [tilespmem:$0xBE0];
	_ =	sdelay $0x7  }
0x10b: {  	[tilespmem:v1+s28+$0x0] =	vst.idx.add.f32.msk $0xffff, v0  }
0x10c: {  	v1 =	vld [tilespmem:$0xBED];
	_ =	sdelay $0x7  }
0x10d: {  	[tilespmem:v1+s28+$0x0] =	vst.idx.add.f32.msk vm0, v0  }
0x10e: {  	_ =	swait.ge [sflag:s6], $0x3E80  }
0x10f: {  	[sflag:s6] =	ssyncset.done $0x0  }
0x110: {  	[sflag:s6] =	ssyncadd.s32 $0xFFFFC180  }
0x111: {  	_ =	swait.ge [sflag:s10], $0x400  }
0x112: {  	[sflag:s10] =	ssyncset.done $0x0  }
0x113: {  	[sflag:s10] =	ssyncadd.s32 $0xFFFFFC00  }
0x114: {  	_ =	swait.ge [sflag:s10], $0x400  }
0x115: {  	[sflag:s10] =	ssyncset.done $0x0  }
0x116: {  	[sflag:s10] =	ssyncadd.s32 $0xFFFFFC00  }
0x117: {  	[tilespmem:s31], [sflag:$0x3] =	stream.indirect.gather [hbm4b:s1+s30], $0x80, s25, s30, $0xb8;
	[tilespmem:$0x1EC90] =	vst v63  }
0x118: {  	_ =	swait.ge [sflag:s0], $0x3E80  }
0x119: {  	[sflag:s0] =	ssyncset.done $0x0  }
0x11a: {  	[sflag:s0] =	ssyncadd.s32 $0xFFFFC180  }
0x11b: {  	[spmem:s2] =	stream.indirect.scatter.add.f32 [tilespmem:s31], [sflag:$0x5], $0x80, s26, s30, $0xb8;
	[tilespmem:$0x1EC90] =	vst v63  }
0x11c: {  	v1 =	vld [tilespmem:$0xC00];
	_ =	sdelay $0x7  }
0x11d: {  	[tilespmem:v1+s28+$0x0] =	vst.idx.add.f32.msk $0xffff, v0  }
0x11e: {  	v1 =	vld [tilespmem:$0xC10];
	_ =	sdelay $0x7  }
0x11f: {  	[tilespmem:v1+s28+$0x0] =	vst.idx.add.f32.msk $0xffff, v0  }
0x120: {  	v1 =	vld [tilespmem:$0xC20];
	_ =	sdelay $0x7  }
0x121: {  	[tilespmem:v1+s28+$0x0] =	vst.idx.add.f32.msk $0xffff, v0  }
0x122: {  	v1 =	vld [tilespmem:$0xC30];
	_ =	sdelay $0x7  }
0x123: {  	[tilespmem:v1+s28+$0x0] =	vst.idx.add.f32.msk $0xffff, v0  }
0x124: {  	v1 =	vld [tilespmem:$0xC40];
	_ =	sdelay $0x7  }
0x125: {  	[tilespmem:v1+s28+$0x0] =	vst.idx.add.f32.msk $0xffff, v0  }
0x126: {  	v1 =	vld [tilespmem:$0xC50];
	_ =	sdelay $0x7  }
0x127: {  	[tilespmem:v1+s28+$0x0] =	vst.idx.add.f32.msk $0xffff, v0  }
0x128: {  	v1 =	vld [tilespmem:$0xC60];
	_ =	sdelay $0x7  }
0x129: {  	[tilespmem:v1+s28+$0x0] =	vst.idx.add.f32.msk $0xffff, v0  }
0x12a: {  	v1 =	vld [tilespmem:$0xC6D];
	_ =	sdelay $0x7  }
0x12b: {  	[tilespmem:v1+s28+$0x0] =	vst.idx.add.f32.msk vm0, v0  }
0x12c: {  	_ =	swait.ge [sflag:s9], $0x3E80  }
0x12d: {  	[sflag:s9] =	ssyncset.done $0x0  }
0x12e: {  	s18 =	rddreg [dreg:$0x13];
	[sflag:s9] =	ssyncadd.s32 $0xFFFFC180  }
0x12f: {  	[tilespmem:s3], [sflag:$0x4] =	stream.indirect.gather [hbm4b:s1+s30], $0x80, s18, s30, $0xb8;
	[tilespmem:$0x1EC90] =	vst v63  }
0x130: {  	_ =	swait.ge [sflag:s5], $0x3E80  }
0x131: {  	[sflag:s5] =	ssyncset.done $0x0  }
0x132: {  	s19 =	rddreg [dreg:$0x14];
	[sflag:s5] =	ssyncadd.s32 $0xFFFFC180  }
0x133: {  	[spmem:s2] =	stream.indirect.scatter.add.f32 [tilespmem:s3], [sflag:$0x6], $0x80, s19, s30, $0xb8;
	[tilespmem:$0x1EC90] =	vst v63  }
0x134: {  	v1 =	vld [tilespmem:$0xC80];
	_ =	sdelay $0x7  }
0x135: {  	[tilespmem:v1+s28+$0x0] =	vst.idx.add.f32.msk $0xffff, v0  }
0x136: {  	v1 =	vld [tilespmem:$0xC90];
	_ =	sdelay $0x7  }
0x137: {  	[tilespmem:v1+s28+$0x0] =	vst.idx.add.f32.msk $0xffff, v0  }
0x138: {  	v1 =	vld [tilespmem:$0xCA0];
	_ =	sdelay $0x7  }
0x139: {  	[tilespmem:v1+s28+$0x0] =	vst.idx.add.f32.msk $0xffff, v0  }
0x13a: {  	v1 =	vld [tilespmem:$0xCB0];
	_ =	sdelay $0x7  }
0x13b: {  	[tilespmem:v1+s28+$0x0] =	vst.idx.add.f32.msk $0xffff, v0  }
0x13c: {  	v1 =	vld [tilespmem:$0xCC0];
	_ =	sdelay $0x7  }
0x13d: {  	[tilespmem:v1+s28+$0x0] =	vst.idx.add.f32.msk $0xffff, v0  }
0x13e: {  	v1 =	vld [tilespmem:$0xCD0];
	_ =	sdelay $0x7  }
0x13f: {  	[tilespmem:v1+s28+$0x0] =	vst.idx.add.f32.msk $0xffff, v0  }
0x140: {  	v1 =	vld [tilespmem:$0xCE0];
	_ =	sdelay $0x7  }
0x141: {  	[tilespmem:v1+s28+$0x0] =	vst.idx.add.f32.msk $0xffff, v0  }
0x142: {  	v1 =	vld [tilespmem:$0xCED];
	_ =	sdelay $0x7  }
0x143: {  	[tilespmem:v1+s28+$0x0] =	vst.idx.add.f32.msk vm0, v0  }
0x144: {  	_ =	swait.ge [sflag:s6], $0x3E80  }
0x145: {  	[sflag:s6] =	ssyncset.done $0x0  }
0x146: {  	s18 =	rddreg [dreg:$0x15];
	[sflag:s6] =	ssyncadd.s32 $0xFFFFC180  }
0x147: {  	[tilespmem:s31], [sflag:$0x3] =	stream.indirect.gather [hbm4b:s1+s30], $0x80, s18, s30, $0xb8;
	[tilespmem:$0x1EC90] =	vst v63  }
0x148: {  	_ =	swait.ge [sflag:s0], $0x3E80  }
0x149: {  	[sflag:s0] =	ssyncset.done $0x0  }
0x14a: {  	s19 =	rddreg [dreg:$0x16];
	[sflag:s0] =	ssyncadd.s32 $0xFFFFC180  }
0x14b: {  	[spmem:s2] =	stream.indirect.scatter.add.f32 [tilespmem:s31], [sflag:$0x5], $0x80, s19, s30, $0xb8;
	[tilespmem:$0x1EC90] =	vst v63  }
0x14c: {  	v1 =	vld [tilespmem:$0xD00];
	_ =	sdelay $0x7  }
0x14d: {  	[tilespmem:v1+s28+$0x0] =	vst.idx.add.f32.msk $0xffff, v0  }
0x14e: {  	v1 =	vld [tilespmem:$0xD10];
	_ =	sdelay $0x7  }
0x14f: {  	[tilespmem:v1+s28+$0x0] =	vst.idx.add.f32.msk $0xffff, v0  }
0x150: {  	v1 =	vld [tilespmem:$0xD20];
	_ =	sdelay $0x7  }
0x151: {  	[tilespmem:v1+s28+$0x0] =	vst.idx.add.f32.msk $0xffff, v0  }
0x152: {  	v1 =	vld [tilespmem:$0xD30];
	_ =	sdelay $0x7  }
0x153: {  	[tilespmem:v1+s28+$0x0] =	vst.idx.add.f32.msk $0xffff, v0  }
0x154: {  	v1 =	vld [tilespmem:$0xD40];
	_ =	sdelay $0x7  }
0x155: {  	[tilespmem:v1+s28+$0x0] =	vst.idx.add.f32.msk $0xffff, v0  }
0x156: {  	v1 =	vld [tilespmem:$0xD50];
	_ =	sdelay $0x7  }
0x157: {  	[tilespmem:v1+s28+$0x0] =	vst.idx.add.f32.msk $0xffff, v0  }
0x158: {  	v1 =	vld [tilespmem:$0xD60];
	_ =	sdelay $0x7  }
0x159: {  	[tilespmem:v1+s28+$0x0] =	vst.idx.add.f32.msk $0xffff, v0  }
0x15a: {  	v1 =	vld [tilespmem:$0xD6D];
	_ =	sdelay $0x7  }
0x15b: {  	[tilespmem:v1+s28+$0x0] =	vst.idx.add.f32.msk vm0, v0  }
0x15c: {  	_ =	swait.ge [sflag:s9], $0x3E80  }
0x15d: {  	p0 =	seq.s32 s16, $0x400;
	[sflag:s9] =	ssyncset.done $0x0  }
0x15e: {  	s17 =	sadd.s32 @!p0 s16, s7;
	s18 =	rddreg [dreg:$0x17];
	[sflag:s9] =	ssyncadd.s32 $0xFFFFC180  }
0x15f: {  	[tilespmem:s3], [sflag:$0x4] =	stream.indirect.gather [hbm4b:s1+s30], $0x80, s18, s30, $0xb8;
	[tilespmem:$0x1EC90] =	vst v63  }
0x160: {  	s17 =	sadd.s32 @!p0 $0x100, s17;
	s18 =	simm.s32 @!p0 $0x0  }
0x161: {  	[tilespmem:s18], [sflag:$0x1] =	stream.linear.gather @!p0 [hbm4b:s17+s18], $0x400, $0x38;
	[tilespmem:$0x1EC90] =	vst v63  }
0x162: {  	s17 =	sadd.s32 @!p0 s16, s8  }
0x163: {  	s19 =	simm.s32 @!p0 $0x800;
	s17 =	sadd.s32 @!p0 $0x100, s17  }
0x164: {  	[tilespmem:s19], [sflag:$0x1] =	stream.linear.gather @!p0 [hbm4b:s17+s18], $0x400, $0x38;
	[tilespmem:$0x1EC90] =	vst v63  }
0x165: {  	_ =	swait.ge [sflag:s5], $0x3E80  }
0x166: {  	[sflag:s5] =	ssyncset.done $0x0  }
0x167: {  	s19 =	rddreg [dreg:$0x18];
	[sflag:s5] =	ssyncadd.s32 $0xFFFFC180  }
0x168: {  	[spmem:s2] =	stream.indirect.scatter.add.f32 [tilespmem:s3], [sflag:$0x6], $0x80, s19, s30, $0xb8;
	[tilespmem:$0x1EC90] =	vst v63  }
0x169: {  	v1 =	vld [tilespmem:$0xD80];
	_ =	sdelay $0x7  }
0x16a: {  	[tilespmem:v1+s28+$0x0] =	vst.idx.add.f32.msk $0xffff, v0  }
0x16b: {  	v1 =	vld [tilespmem:$0xD90];
	_ =	sdelay $0x7  }
0x16c: {  	[tilespmem:v1+s28+$0x0] =	vst.idx.add.f32.msk $0xffff, v0  }
0x16d: {  	v1 =	vld [tilespmem:$0xDA0];
	_ =	sdelay $0x7  }
0x16e: {  	[tilespmem:v1+s28+$0x0] =	vst.idx.add.f32.msk $0xffff, v0  }
0x16f: {  	v1 =	vld [tilespmem:$0xDB0];
	_ =	sdelay $0x7  }
0x170: {  	[tilespmem:v1+s28+$0x0] =	vst.idx.add.f32.msk $0xffff, v0  }
0x171: {  	v1 =	vld [tilespmem:$0xDC0];
	_ =	sdelay $0x7  }
0x172: {  	[tilespmem:v1+s28+$0x0] =	vst.idx.add.f32.msk $0xffff, v0  }
0x173: {  	v1 =	vld [tilespmem:$0xDD0];
	_ =	sdelay $0x7  }
0x174: {  	[tilespmem:v1+s28+$0x0] =	vst.idx.add.f32.msk $0xffff, v0  }
0x175: {  	v1 =	vld [tilespmem:$0xDE0];
	_ =	sdelay $0x7  }
0x176: {  	[tilespmem:v1+s28+$0x0] =	vst.idx.add.f32.msk $0xffff, v0  }
0x177: {  	v1 =	vld [tilespmem:$0xDED];
	_ =	sdelay $0x7  }
0x178: {  	[tilespmem:v1+s28+$0x0] =	vst.idx.add.f32.msk vm0, v0  }
0x179: {  	_ =	swait.ge [sflag:s6], $0x3E80  }
0x17a: {  	[sflag:s6] =	ssyncset.done $0x0  }
0x17b: {  	s18 =	rddreg [dreg:$0x19];
	[sflag:s6] =	ssyncadd.s32 $0xFFFFC180  }
0x17c: {  	[tilespmem:s31], [sflag:$0x3] =	stream.indirect.gather [hbm4b:s1+s30], $0x80, s18, s30, $0xb8;
	[tilespmem:$0x1EC90] =	vst v63  }
0x17d: {  	_ =	swait.ge [sflag:s0], $0x3E80  }
0x17e: {  	[sflag:s0] =	ssyncset.done $0x0  }
0x17f: {  	s19 =	rddreg [dreg:$0x1a];
	[sflag:s0] =	ssyncadd.s32 $0xFFFFC180  }
0x180: {  	[spmem:s2] =	stream.indirect.scatter.add.f32 [tilespmem:s31], [sflag:$0x5], $0x80, s19, s30, $0xb8;
	[tilespmem:$0x1EC90] =	vst v63  }
0x181: {  	v1 =	vld [tilespmem:$0xE00];
	_ =	sdelay $0x7  }
0x182: {  	[tilespmem:v1+s28+$0x0] =	vst.idx.add.f32.msk $0xffff, v0  }
0x183: {  	v1 =	vld [tilespmem:$0xE10];
	_ =	sdelay $0x7  }
0x184: {  	[tilespmem:v1+s28+$0x0] =	vst.idx.add.f32.msk $0xffff, v0  }
0x185: {  	v1 =	vld [tilespmem:$0xE20];
	_ =	sdelay $0x7  }
0x186: {  	[tilespmem:v1+s28+$0x0] =	vst.idx.add.f32.msk $0xffff, v0  }
0x187: {  	v1 =	vld [tilespmem:$0xE30];
	_ =	sdelay $0x7  }
0x188: {  	[tilespmem:v1+s28+$0x0] =	vst.idx.add.f32.msk $0xffff, v0  }
0x189: {  	v1 =	vld [tilespmem:$0xE40];
	_ =	sdelay $0x7  }
0x18a: {  	[tilespmem:v1+s28+$0x0] =	vst.idx.add.f32.msk $0xffff, v0  }
0x18b: {  	v1 =	vld [tilespmem:$0xE50];
	_ =	sdelay $0x7  }
0x18c: {  	[tilespmem:v1+s28+$0x0] =	vst.idx.add.f32.msk $0xffff, v0  }
0x18d: {  	v1 =	vld [tilespmem:$0xE60];
	_ =	sdelay $0x7  }
0x18e: {  	[tilespmem:v1+s28+$0x0] =	vst.idx.add.f32.msk $0xffff, v0  }
0x18f: {  	v1 =	vld [tilespmem:$0xE6D];
	_ =	sdelay $0x7  }
0x190: {  	[tilespmem:v1+s28+$0x0] =	vst.idx.add.f32.msk vm0, v0  }
0x191: {  	_ =	swait.ge [sflag:s9], $0x3E80  }
0x192: {  	[sflag:s9] =	ssyncset.done $0x0  }
0x193: {  	s18 =	rddreg [dreg:$0x1b];
	[sflag:s9] =	ssyncadd.s32 $0xFFFFC180  }
0x194: {  	[tilespmem:s3], [sflag:$0x4] =	stream.indirect.gather [hbm4b:s1+s30], $0x80, s18, s30, $0xb8;
	[tilespmem:$0x1EC90] =	vst v63  }
0x195: {  	_ =	swait.ge [sflag:s5], $0x3E80  }
0x196: {  	[sflag:s5] =	ssyncset.done $0x0  }
0x197: {  	s19 =	rddreg [dreg:$0x1c];
	[sflag:s5] =	ssyncadd.s32 $0xFFFFC180  }
0x198: {  	[spmem:s2] =	stream.indirect.scatter.add.f32 [tilespmem:s3], [sflag:$0x6], $0x80, s19, s30, $0xb8;
	[tilespmem:$0x1EC90] =	vst v63  }
0x199: {  	v1 =	vld [tilespmem:$0xE80];
	_ =	sdelay $0x7  }
0x19a: {  	[tilespmem:v1+s28+$0x0] =	vst.idx.add.f32.msk $0xffff, v0  }
0x19b: {  	v1 =	vld [tilespmem:$0xE90];
	_ =	sdelay $0x7  }
0x19c: {  	[tilespmem:v1+s28+$0x0] =	vst.idx.add.f32.msk $0xffff, v0  }
0x19d: {  	v1 =	vld [tilespmem:$0xEA0];
	_ =	sdelay $0x7  }
0x19e: {  	[tilespmem:v1+s28+$0x0] =	vst.idx.add.f32.msk $0xffff, v0  }
0x19f: {  	v1 =	vld [tilespmem:$0xEB0];
	_ =	sdelay $0x7  }
0x1a0: {  	[tilespmem:v1+s28+$0x0] =	vst.idx.add.f32.msk $0xffff, v0  }
0x1a1: {  	v1 =	vld [tilespmem:$0xEC0];
	_ =	sdelay $0x7  }
0x1a2: {  	[tilespmem:v1+s28+$0x0] =	vst.idx.add.f32.msk $0xffff, v0  }
0x1a3: {  	v1 =	vld [tilespmem:$0xED0];
	_ =	sdelay $0x7  }
0x1a4: {  	[tilespmem:v1+s28+$0x0] =	vst.idx.add.f32.msk $0xffff, v0  }
0x1a5: {  	v1 =	vld [tilespmem:$0xEE0];
	_ =	sdelay $0x7  }
0x1a6: {  	[tilespmem:v1+s28+$0x0] =	vst.idx.add.f32.msk $0xffff, v0  }
0x1a7: {  	v1 =	vld [tilespmem:$0xEED];
	_ =	sdelay $0x7  }
0x1a8: {  	[tilespmem:v1+s28+$0x0] =	vst.idx.add.f32.msk vm0, v0  }
0x1a9: {  	_ =	swait.ge [sflag:s6], $0x3E80  }
0x1aa: {  	[sflag:s6] =	ssyncset.done $0x0  }
0x1ab: {  	s18 =	rddreg [dreg:$0x1d];
	[sflag:s6] =	ssyncadd.s32 $0xFFFFC180  }
0x1ac: {  	[tilespmem:s31], [sflag:$0x3] =	stream.indirect.gather [hbm4b:s1+s30], $0x80, s18, s30, $0xb8;
	[tilespmem:$0x1EC90] =	vst v63  }
0x1ad: {  	_ =	swait.ge [sflag:s0], $0x3E80  }
0x1ae: {  	[sflag:s0] =	ssyncset.done $0x0  }
0x1af: {  	s19 =	rddreg [dreg:$0x1e];
	[sflag:s0] =	ssyncadd.s32 $0xFFFFC180  }
0x1b0: {  	[spmem:s2] =	stream.indirect.scatter.add.f32 [tilespmem:s31], [sflag:$0x5], $0x80, s19, s30, $0xb8;
	[tilespmem:$0x1EC90] =	vst v63  }
0x1b1: {  	v1 =	vld [tilespmem:$0xF00];
	_ =	sdelay $0x7  }
0x1b2: {  	[tilespmem:v1+s28+$0x0] =	vst.idx.add.f32.msk $0xffff, v0  }
0x1b3: {  	v1 =	vld [tilespmem:$0xF10];
	_ =	sdelay $0x7  }
0x1b4: {  	[tilespmem:v1+s28+$0x0] =	vst.idx.add.f32.msk $0xffff, v0  }
0x1b5: {  	v1 =	vld [tilespmem:$0xF20];
	_ =	sdelay $0x7  }
0x1b6: {  	[tilespmem:v1+s28+$0x0] =	vst.idx.add.f32.msk $0xffff, v0  }
0x1b7: {  	v1 =	vld [tilespmem:$0xF30];
	_ =	sdelay $0x7  }
0x1b8: {  	[tilespmem:v1+s28+$0x0] =	vst.idx.add.f32.msk $0xffff, v0  }
0x1b9: {  	v1 =	vld [tilespmem:$0xF40];
	_ =	sdelay $0x7  }
0x1ba: {  	[tilespmem:v1+s28+$0x0] =	vst.idx.add.f32.msk $0xffff, v0  }
0x1bb: {  	v1 =	vld [tilespmem:$0xF50];
	_ =	sdelay $0x7  }
0x1bc: {  	[tilespmem:v1+s28+$0x0] =	vst.idx.add.f32.msk $0xffff, v0  }
0x1bd: {  	v1 =	vld [tilespmem:$0xF60];
	_ =	sdelay $0x7  }
0x1be: {  	[tilespmem:v1+s28+$0x0] =	vst.idx.add.f32.msk $0xffff, v0  }
0x1bf: {  	v1 =	vld [tilespmem:$0xF6D];
	_ =	sdelay $0x7  }
0x1c0: {  	[tilespmem:v1+s28+$0x0] =	vst.idx.add.f32.msk vm0, v0  }
0x1c1: {  	_ =	swait.ge [sflag:s9], $0x3E80  }
0x1c2: {  	[sflag:s9] =	ssyncset.done $0x0  }
0x1c3: {  	s18 =	rddreg [dreg:$0x1f];
	[sflag:s9] =	ssyncadd.s32 $0xFFFFC180  }
0x1c4: {  	[tilespmem:s3], [sflag:$0x4] =	stream.indirect.gather [hbm4b:s1+s30], $0x80, s18, s30, $0xb8;
	[tilespmem:$0x1EC90] =	vst v63  }
0x1c5: {  	_ =	swait.ge [sflag:s5], $0x3E80  }
0x1c6: {  	s19 =	sld [smem:$0x7F6]  }
0x1c7: {  	[sflag:s5] =	ssyncset.done $0x0  }
0x1c8: {  	[sflag:s5] =	ssyncadd.s32 $0xFFFFC180  }
0x1c9: {  	[spmem:s2] =	stream.indirect.scatter.add.f32 [tilespmem:s3], [sflag:$0x6], $0x80, s19, s30, $0xb8;
	[tilespmem:$0x1EC90] =	vst v63  }
0x1ca: {  	v1 =	vld [tilespmem:$0xF80];
	_ =	sdelay $0x7  }
0x1cb: {  	[tilespmem:v1+s28+$0x0] =	vst.idx.add.f32.msk $0xffff, v0  }
0x1cc: {  	v1 =	vld [tilespmem:$0xF90];
	_ =	sdelay $0x7  }
0x1cd: {  	[tilespmem:v1+s28+$0x0] =	vst.idx.add.f32.msk $0xffff, v0  }
0x1ce: {  	v1 =	vld [tilespmem:$0xFA0];
	_ =	sdelay $0x7  }
0x1cf: {  	[tilespmem:v1+s28+$0x0] =	vst.idx.add.f32.msk $0xffff, v0  }
0x1d0: {  	v1 =	vld [tilespmem:$0xFB0];
	_ =	sdelay $0x7  }
0x1d1: {  	[tilespmem:v1+s28+$0x0] =	vst.idx.add.f32.msk $0xffff, v0  }
0x1d2: {  	v1 =	vld [tilespmem:$0xFC0];
	_ =	sdelay $0x7  }
0x1d3: {  	[tilespmem:v1+s28+$0x0] =	vst.idx.add.f32.msk $0xffff, v0  }
0x1d4: {  	v1 =	vld [tilespmem:$0xFD0];
	_ =	sdelay $0x7  }
0x1d5: {  	[tilespmem:v1+s28+$0x0] =	vst.idx.add.f32.msk $0xffff, v0  }
0x1d6: {  	v1 =	vld [tilespmem:$0xFE0];
	_ =	sdelay $0x7  }
0x1d7: {  	[tilespmem:v1+s28+$0x0] =	vst.idx.add.f32.msk $0xffff, v0  }
0x1d8: {  	v1 =	vld [tilespmem:$0xFED];
	_ =	sdelay $0x6  }
0x1d9: {  	p0 =	sgt.u32 s15, $0x8  }
0x1da: {  	s17 =	simm.s32 @!p0 $0x5;
	[tilespmem:v1+s28+$0x0] =	vst.idx.add.f32.msk vm0, v0  }
0x1db: {  	_ =	swait.ge @!p0 [sflag:s17], $0x3E80  }
0x1dc: {  	[sflag:s17] =	ssyncset.done @!p0 $0x0  }
0x1dd: {  	[sflag:s17] =	ssyncadd.s32 @!p0 $0xFFFFC180;
	s17 =	simm.s32 @!p0 $0x1  }
0x1de: {  	_ =	swait.ge @!p0 [sflag:s17], $0x400  }
0x1df: {  	[sflag:s17] =	ssyncset.done @!p0 $0x0  }
0x1e0: {  	[sflag:s17] =	ssyncadd.s32 @!p0 $0xFFFFFC00  }
0x1e1: {  	_ =	swait.ge @!p0 [sflag:s17], $0x400  }
0x1e2: {  	s16 =	sadd.s32 $0x100, s16;
	s18 =	simm.s32 @!p0 $0x0;
	[sflag:s17] =	ssyncset.done @!p0 $0x0  }
0x1e3: {  	s19 =	simm.s32 @!p0 $0x1000;
	[sflag:s17] =	ssyncadd.s32 @!p0 $0xFFFFFC00;
	s17 =	simm.s32 @!p0 $0x7D  }
0x1e4: {  	[tilespmem:s19], [sflag:$0x3] =	stream.indirect.gather @!p0 [hbm4b:s1+s17], $0x80, s18, s17, $0xb8;
	[tilespmem:$0x1EC90] =	vst v63  }
0x1e5: {  	p0 =	sne.s32 s16, $0x500  }
.Ltmp0:
0x1e6: {  	_ = 	snop;
	(pc) =	sbr.rel @p0 .LBB2_2-.Ltmp0, $2  }
0x1e7: {  	_ =	sdelay $0x2  }
0x1e8: {  	s15 =	sadd.s32 $0x2, s15  }
0x1e9: {  	_ =	swait.ge [sflag:s6], $0x3E80  }
0x1ea: {  	[sflag:s6] =	ssyncset.done $0x0  }
0x1eb: {  	[sflag:s6] =	ssyncadd.s32 $0xFFFFC180  }
0x1ec: {  	_ =	swait.ge [sflag:s9], $0x3E80  }
0x1ed: {  	s15 =	sld [smem:$0x7F5]  }
0x1ee: {  	[sflag:s9] =	ssyncset.done $0x0  }
0x1ef: {  	s17 =	sld [smem:$0x7F8];
	[sflag:s9] =	ssyncadd.s32 $0xFFFFC180  }
0x1f0: {  	[hbm4b:s15+s4] =	stream.linear.scatter [tilespmem:s28], [sflag:$0x1], $0x3E8, $0x38;
	[tilespmem:$0x1EC90] =	vst v63  }
0x1f1: {  	s16 =	simm.s32 $0x90E8;
	s18 =	sld [smem:$0x7F9]  }
0x1f2: {  	[hbm4b:s17+s4] =	stream.linear.scatter [tilespmem:s16], [sflag:$0x1], $0x3E8, $0x38;
	[tilespmem:$0x1EC90] =	vst v63  }
0x1f3: {  	s19 =	simm.s32 $0x94D0;
	s16 =	sld [smem:$0x7FA]  }
0x1f4: {  	[hbm4b:s18+s4] =	stream.linear.scatter [tilespmem:s19], [sflag:$0x1], $0x3E8, $0x38;
	[tilespmem:$0x1EC90] =	vst v63  }
0x1f5: {  	s17 =	simm.s32 $0x98B8;
	s18 =	sld [smem:$0x7FB]  }
0x1f6: {  	[hbm4b:s16+s4] =	stream.linear.scatter [tilespmem:s17], [sflag:$0x1], $0x3E8, $0x38;
	[tilespmem:$0x1EC90] =	vst v63  }
0x1f7: {  	s19 =	simm.s32 $0x9CA0;
	s16 =	sld [smem:$0x7FC]  }
0x1f8: {  	[hbm4b:s18+s4] =	stream.linear.scatter [tilespmem:s19], [sflag:$0x1], $0x3E8, $0x38;
	[tilespmem:$0x1EC90] =	vst v63  }
0x1f9: {  	s17 =	simm.s32 $0xA088;
	s18 =	sld [smem:$0x7FD]  }
0x1fa: {  	[hbm4b:s16+s4] =	stream.linear.scatter [tilespmem:s17], [sflag:$0x1], $0x3E8, $0x38;
	[tilespmem:$0x1EC90] =	vst v63  }
0x1fb: {  	s19 =	simm.s32 $0xA470  }
0x1fc: {  	[hbm4b:s18+s4] =	stream.linear.scatter [tilespmem:s19], [sflag:$0x1], $0x3E8, $0x38;
	[tilespmem:$0x1EC90] =	vst v63  }
0x1fd: {  	s16 =	simm.s32 $0xA858  }
0x1fe: {  	[hbm4b:s20+s4] =	stream.linear.scatter [tilespmem:s16], [sflag:$0x1], $0x3E8, $0x38;
	[tilespmem:$0x1EC90] =	vst v63  }
0x1ff: {  	s17 =	simm.s32 $0xAC40  }
0x200: {  	[hbm4b:s21+s4] =	stream.linear.scatter [tilespmem:s17], [sflag:$0x1], $0x3E8, $0x38;
	[tilespmem:$0x1EC90] =	vst v63  }
0x201: {  	s18 =	simm.s32 $0xB028  }
0x202: {  	[hbm4b:s22+s4] =	stream.linear.scatter [tilespmem:s18], [sflag:$0x1], $0x3E8, $0x38;
	[tilespmem:$0x1EC90] =	vst v63  }
0x203: {  	_ =	swait.ge [sflag:s11], $0x3E8  }
0x204: {  	[sflag:s11] =	ssyncset.done $0x0  }
0x205: {  	[sflag:s11] =	ssyncadd.s32 $0xFFFFFC18  }
0x206: {  	_ =	swait.ge [sflag:s11], $0x3E8  }
0x207: {  	[sflag:s11] =	ssyncset.done $0x0  }
0x208: {  	[sflag:s11] =	ssyncadd.s32 $0xFFFFFC18  }
0x209: {  	_ =	swait.ge [sflag:s11], $0x3E8  }
0x20a: {  	[sflag:s11] =	ssyncset.done $0x0  }
0x20b: {  	[sflag:s11] =	ssyncadd.s32 $0xFFFFFC18  }
0x20c: {  	_ =	swait.ge [sflag:s11], $0x3E8  }
0x20d: {  	[sflag:s11] =	ssyncset.done $0x0  }
0x20e: {  	[sflag:s11] =	ssyncadd.s32 $0xFFFFFC18  }
0x20f: {  	_ =	swait.ge [sflag:s11], $0x3E8  }
0x210: {  	[sflag:s11] =	ssyncset.done $0x0  }
0x211: {  	[sflag:s11] =	ssyncadd.s32 $0xFFFFFC18  }
0x212: {  	_ =	swait.ge [sflag:s11], $0x3E8  }
0x213: {  	[sflag:s11] =	ssyncset.done $0x0  }
0x214: {  	[sflag:s11] =	ssyncadd.s32 $0xFFFFFC18  }
0x215: {  	_ =	swait.ge [sflag:s11], $0x3E8  }
0x216: {  	[sflag:s11] =	ssyncset.done $0x0  }
0x217: {  	[sflag:s11] =	ssyncadd.s32 $0xFFFFFC18  }
0x218: {  	_ =	swait.ge [sflag:s11], $0x3E8  }
0x219: {  	[sflag:s11] =	ssyncset.done $0x0  }
0x21a: {  	[sflag:s11] =	ssyncadd.s32 $0xFFFFFC18  }
0x21b: {  	_ =	swait.ge [sflag:s11], $0x3E8  }
0x21c: {  	[sflag:s11] =	ssyncset.done $0x0  }
0x21d: {  	[sflag:s11] =	ssyncadd.s32 $0xFFFFFC18  }
0x21e: {  	_ =	swait.ge [sflag:s11], $0x3E8  }
0x21f: {  	[sflag:s11] =	ssyncset.done $0x0  }
0x220: {  	[sflag:s11] =	ssyncadd.s32 $0xFFFFFC18  }
0x221: {  	[bflag:$0x0] =	sbarrier.arrive $0xFFFF  }
0x222: {  	[hbm:s24], [sflag:s13] =	dma.local [spmem:s14], $0x2710  }
0x223: {  	_ =	swait.ge [sflag:s29], $0x2710  }
0x224: {  	s19 =	sld [smem:$0x7F7];
	_ =	sdelay $0x1  }
0x225: {  	s12 =	sadd.s32 $0x1, s12  }
0x226: {  	p0 =	sne.s32 s12, s19  }
.Ltmp1:
0x227: {  	_ = 	snop;
	(pc) =	sbr.rel @p0 .LBB2_1-.Ltmp1, $3  }
0x228: {  	_ =	sdelay $0x1  }
0x229: {  	[sflag:s29] =	ssyncset.done $0x0  }
0x22a: {  	[sflag:s29] =	ssyncadd.s32 $0xFFFFD8F0  }
0x22b: {  	_ =	sfence.sel $0x180000  }
0x22c: {  	[bflag:$0x0] =	sbarrier.arrive $0xFFFF  }
0x22d: {  	_ =	strace $0x90000047  }
0x22e: {  	s0 =	stileid.u32;
	[bflag:$0x2] =	sbarrier.arrive $0xFFFF  }
0x22f: {  	p0 =	sne.s32 s0, $0x0;
	s0 =	rddreg [dreg:$0x4]  }
0x230: {  	s0 =	sadd.s32 @!p0 $0x100000, s0  }
0x231: {  	[sflag:s0] =	ssyncadd.tile.s32 @!p0 $0x1;
	_ =	shalt  }
.Lfunc_end2:
_tile_overlayer_lowered:
.L_overlay_start_2:
0x232: {  	(tag) =	ssettag $0x2  }
0x233: {  	s0 =	rddreg [dreg:$0x0];
	s2 =	stileid.u32  }
0x234: {  	s1 =	rddreg [dreg:$0x1];
	p0 =	sne.s32 s2, $0x0  }
0x235: {  	s3 =	rddreg [dreg:$0x2];
	[bflag:$0x3] =	sbarrier.arrive $0xFFFF;
	s2 =	simm.s32 @!p0 $0x1C07  }
0x236: {  	[timem:s3], [sflag:s2] =	dma.local @!p0 [hbm:s0], s1  }
0x237: {  	s0 =	simm.s32 @!p0 $0x7  }
0x238: {  	_ =	swait.ge @!p0 [sflag:s0], s1  }
0x239: {  	s1 =	ssub.s32 @!p0 $0x0, s1;
	[sflag:s0] =	ssyncset.done @!p0 $0x0  }
0x23a: {  	[sflag:s0] =	ssyncadd.s32 @!p0 s1  }
0x23b: {  	[bflag:$0x3] =	sbarrier.arrive $0xFFFF  }
0x23c: {  	_ =	shalt  }

</sc_bundles>
